<compile_context>
chip_gen: v7x
topology: tpu7x:2x2x1
jax: 0.10.2.dev20260603
libtpu: 0.0.44.dev20260713+nightly
codegen_flags: <defaults>
</compile_context>

<pallas_src>
import functools

import jax
import jax.numpy as jnp
from jax import lax
from jax.experimental import pallas as pl
from jax.experimental.pallas import tpu as pltpu
from jax.experimental.pallas import tpu_sc as plsc

N = 10000
E = 320000
INC = 128
HID = 32
OUT = 128

NC = 2
NS = 16
NW = NC * NS
CHUNK = 128
NCH = E // CHUNK
CPW = NCH // NW
NEXTRA = NCH - CPW * NW
NP = 10240
RPT = NP // NS

BLK = 5000


def _proj_body(x_ref, wl_ref, wr_ref, bl_ref, y_ref, z_ref):
    x = x_ref[...]
    y_ref[...] = lax.dot_general(x, wl_ref[...], (((1,), (1,)), ((), ())),
                                 preferred_element_type=jnp.float32)
    z_ref[...] = lax.dot_general(x, wr_ref[...], (((1,), (1,)), ((), ())),
                                 preferred_element_type=jnp.float32) + bl_ref[...]


def _proj(x, wl, wr, bl):
    return pl.pallas_call(
        _proj_body,
        grid=(N // BLK,),
        in_specs=[
            pl.BlockSpec((BLK, INC), lambda i: (i, 0)),
            pl.BlockSpec(memory_space=pltpu.VMEM),
            pl.BlockSpec(memory_space=pltpu.VMEM),
            pl.BlockSpec(memory_space=pltpu.VMEM),
        ],
        out_specs=[
            pl.BlockSpec((BLK, HID), lambda i: (i, 0)),
            pl.BlockSpec((BLK, HID), lambda i: (i, 0)),
        ],
        out_shape=[
            jax.ShapeDtypeStruct((N, HID), jnp.float32),
            jax.ShapeDtypeStruct((N, HID), jnp.float32),
        ],
    )(x, wl, wr, bl)


NBUF = 6


def _seg_body(with_deg, feat, eidx, zrow, zdeg, *refs):
    if with_deg:
        (out, deg_out, src_v, dst_v, rows_v, ones_v, acc_s, dacc_s,
         dsem, *sems) = refs
    else:
        out, src_v, dst_v, rows_v, acc_s, *sems = refs
    gsem = sems[:NBUF]
    ssem = sems[NBUF:]

    c = lax.axis_index("c")
    s = lax.axis_index("s")
    w = c * NS + s

    pltpu.sync_copy(zrow.at[pl.ds(s * RPT, RPT), :],
                    acc_s.at[pl.ds(s * RPT, RPT), :])
    if with_deg:
        pltpu.sync_copy(zdeg.at[pl.ds(s * RPT, RPT)],
                        dacc_s.at[pl.ds(s * RPT, RPT)])
        for i in range(CHUNK // 16):
            ones_v[pl.ds(i * 16, 16)] = jnp.ones((16,), jnp.float32)

    plsc.subcore_barrier()

    base = CPW * w + jnp.minimum(w, NEXTRA)

    pltpu.sync_copy(eidx.at[0, pl.ds(base, CPW), :],
                    src_v.at[pl.ds(0, CPW), :])
    pltpu.sync_copy(eidx.at[1, pl.ds(base, CPW), :],
                    dst_v.at[pl.ds(0, CPW), :])

    for b in range(NBUF):
        pltpu.async_copy(feat.at[src_v.at[b]], rows_v.at[b], gsem[b])

    niter = CPW // NBUF

    @pl.loop(0, niter)
    def _grp(g):
        jb = g * NBUF
        degs = []
        for b in range(NBUF):
            j = jb + b
            pltpu.make_async_copy(feat.at[src_v.at[j]], rows_v.at[b],
                                  gsem[b]).wait()
            sc = pltpu.async_copy(rows_v.at[b], acc_s.at[dst_v.at[j]],
                                  ssem[b], add=True)
            if with_deg:
                degs.append(pltpu.async_copy(ones_v,
                                             dacc_s.at[dst_v.at[j]],
                                             dsem, add=True))
            sc.wait()
            @pl.when(g < niter - 1)
            def _refill():
                pltpu.async_copy(feat.at[src_v.at[j + NBUF]],
                                 rows_v.at[b], gsem[b])
        for d in degs:
            d.wait()

    @pl.when(w < NEXTRA)
    def _extra():
        pltpu.sync_copy(eidx.at[0, pl.ds(base + CPW, 1), :],
                        src_v.at[pl.ds(CPW, 1), :])
        pltpu.sync_copy(eidx.at[1, pl.ds(base + CPW, 1), :],
                        dst_v.at[pl.ds(CPW, 1), :])
        pltpu.async_copy(feat.at[src_v.at[CPW]], rows_v.at[0],
                         gsem[0]).wait()
        pltpu.sync_copy(rows_v.at[0], acc_s.at[dst_v.at[CPW]], add=True)
        if with_deg:
            pltpu.sync_copy(ones_v, dacc_s.at[dst_v.at[CPW]], add=True)

    plsc.subcore_barrier()

    pltpu.sync_copy(acc_s.at[pl.ds(s * RPT, RPT), :],
                    out.at[c, pl.ds(s * RPT, RPT), :])
    if with_deg:
        pltpu.sync_copy(dacc_s.at[pl.ds(s * RPT, RPT)],
                        deg_out.at[c, pl.ds(s * RPT, RPT)])


_SEMS = [pltpu.SemaphoreType.DMA] * (2 * NBUF)

_seg_deg = pl.kernel(
    functools.partial(_seg_body, True),
    out_type=[
        jax.ShapeDtypeStruct((NC, NP, HID), jnp.float32),
        jax.ShapeDtypeStruct((NC, NP), jnp.float32),
    ],
    mesh=plsc.VectorSubcoreMesh(core_axis_name="c", subcore_axis_name="s"),
    scratch_types=[
        pltpu.VMEM((CPW + 1, CHUNK), jnp.int32),
        pltpu.VMEM((CPW + 1, CHUNK), jnp.int32),
        pltpu.VMEM((NBUF, CHUNK, HID), jnp.float32),
        pltpu.VMEM((CHUNK,), jnp.float32),
        pltpu.VMEM_SHARED((NP, HID), jnp.float32),
        pltpu.VMEM_SHARED((NP,), jnp.float32),
        pltpu.SemaphoreType.DMA,
    ] + _SEMS,
    compiler_params=pltpu.CompilerParams(use_tc_tiling_on_sc=False),
)

_seg_nodeg = pl.kernel(
    functools.partial(_seg_body, False),
    out_type=jax.ShapeDtypeStruct((NC, NP, HID), jnp.float32),
    mesh=plsc.VectorSubcoreMesh(core_axis_name="c", subcore_axis_name="s"),
    scratch_types=[
        pltpu.VMEM((CPW + 1, CHUNK), jnp.int32),
        pltpu.VMEM((CPW + 1, CHUNK), jnp.int32),
        pltpu.VMEM((NBUF, CHUNK, HID), jnp.float32),
        pltpu.VMEM_SHARED((NP, HID), jnp.float32),
    ] + _SEMS,
    compiler_params=pltpu.CompilerParams(use_tc_tiling_on_sc=False),
)


def _comb1_body(ps_ref, pd_ref, z_ref, h_ref):
    ssum = ps_ref[0] + ps_ref[1]
    deg = pd_ref[0] + pd_ref[1]
    o = ssum / jnp.maximum(deg, 1.0) + z_ref[...]
    nrm = jnp.sqrt(jnp.sum(o * o, axis=-1, keepdims=True))
    h_ref[...] = jnp.maximum(o / jnp.maximum(nrm, 1e-12), 0.0)


def _comb1(ps, pd, z1):
    return pl.pallas_call(
        _comb1_body,
        grid=(N // BLK,),
        in_specs=[
            pl.BlockSpec((NC, BLK, HID), lambda i: (0, i, 0)),
            pl.BlockSpec((NC, BLK, 1), lambda i: (0, i, 0)),
            pl.BlockSpec((BLK, HID), lambda i: (i, 0)),
        ],
        out_specs=pl.BlockSpec((BLK, HID), lambda i: (i, 0)),
        out_shape=jax.ShapeDtypeStruct((N, HID), jnp.float32),
    )(ps, pd, z1)


def _comb2_body(ps_ref, pd_ref, h_ref, wl_ref, bl_ref, wr_ref, out_ref):
    ssum = ps_ref[0] + ps_ref[1]
    deg = pd_ref[0] + pd_ref[1]
    mean = ssum / jnp.maximum(deg, 1.0)
    o = (lax.dot_general(mean, wl_ref[...], (((1,), (1,)), ((), ())),
                         preferred_element_type=jnp.float32)
         + bl_ref[...]
         + lax.dot_general(h_ref[...], wr_ref[...], (((1,), (1,)), ((), ())),
                           preferred_element_type=jnp.float32))
    nrm = jnp.sqrt(jnp.sum(o * o, axis=-1, keepdims=True))
    out_ref[...] = o / jnp.maximum(nrm, 1e-12)


def _comb2(ps, pd, h, wl, bl, wr):
    return pl.pallas_call(
        _comb2_body,
        grid=(N // BLK,),
        in_specs=[
            pl.BlockSpec((NC, BLK, HID), lambda i: (0, i, 0)),
            pl.BlockSpec((NC, BLK, 1), lambda i: (0, i, 0)),
            pl.BlockSpec((BLK, HID), lambda i: (i, 0)),
            pl.BlockSpec(memory_space=pltpu.VMEM),
            pl.BlockSpec(memory_space=pltpu.VMEM),
            pl.BlockSpec(memory_space=pltpu.VMEM),
        ],
        out_specs=pl.BlockSpec((BLK, OUT), lambda i: (i, 0)),
        out_shape=jax.ShapeDtypeStruct((N, OUT), jnp.float32),
    )(ps, pd, h, wl, bl, wr)


def kernel(x, edge_index, W1l, b1l, W1r, W2l, b2l, W2r):
    eidx = edge_index.astype(jnp.int32).reshape(2, NCH, CHUNK)
    zrow = jnp.zeros((NP, HID), jnp.float32)
    zdeg = jnp.zeros((NP,), jnp.float32)

    y1, z1 = _proj(x, W1l, W1r, b1l.reshape(1, HID))
    ps1, pd1 = _seg_deg(y1, eidx, zrow, zdeg)
    pd1 = pd1.reshape(NC, NP, 1)
    h = _comb1(ps1, pd1, z1)
    ps2 = _seg_nodeg(h, eidx, zrow, zdeg)
    out = _comb2(ps2, pd1, h, W2l, b2l.reshape(1, OUT), W2r)
    return out

# --- scband reference (transcript-rebuilt; emitter-appended) ---
"""Pipeline reference for scband-gcn-20736102105660 (READ-ONLY COPY).

The authoritative reference and input builder live on the scoring server;
editing this copy changes nothing except your own understanding.
"""

import jax, jax.numpy as jnp
import numpy as np

N_NODES = 10000
N_EDGES = 320000
IN_CH = 128
HID = 32
OUT_CH = 128


def _glorot(key, shape):
    fan_in = shape[1]
    bound = 1.0 / np.sqrt(fan_in)
    return jax.random.uniform(key, shape, dtype=jnp.float32, minval=-bound, maxval=bound)


def setup_inputs(seed: int = 0) -> dict:
    key = jax.random.key(seed)
    ks = jax.random.split(key, 8)
    x = jax.random.normal(ks[0], (N_NODES, IN_CH), dtype=jnp.float32)
    edge_index = jax.random.randint(ks[1], (2, N_EDGES), 0, N_NODES, dtype=jnp.int64 if jax.config.jax_enable_x64 else jnp.int32)
    # SAGEConv layer 1: in 128 -> 32 (lin_l has bias, lin_r no bias)
    W1l = _glorot(ks[2], (HID, IN_CH))
    b1l = jnp.zeros((HID,), dtype=jnp.float32)
    W1r = _glorot(ks[3], (HID, IN_CH))
    # SAGEConv layer 2: 32 -> 128
    W2l = _glorot(ks[4], (OUT_CH, HID))
    b2l = jnp.zeros((OUT_CH,), dtype=jnp.float32)
    W2r = _glorot(ks[5], (OUT_CH, HID))
    return {"x": x, "edge_index": edge_index, "W1l": W1l, "b1l": b1l, "W1r": W1r,
            "W2l": W2l, "b2l": b2l, "W2r": W2r}


def _sage_conv(x, edge_index, Wl, bl, Wr):
    # PyG SAGEConv with aggr='mean', normalize=True
    src = edge_index[0]
    dst = edge_index[1]
    msgs = jnp.take(x, src, axis=0)                      # gather source features
    summed = jax.ops.segment_sum(msgs, dst, num_segments=N_NODES)
    deg = jax.ops.segment_sum(jnp.ones((src.shape[0],), dtype=x.dtype), dst, num_segments=N_NODES)
    mean_aggr = summed / jnp.maximum(deg, 1.0)[:, None]
    out = mean_aggr @ Wl.T + bl + x @ Wr.T
    # F.normalize(out, p=2, dim=-1)
    norm = jnp.linalg.norm(out, axis=-1, keepdims=True)
    out = out / jnp.maximum(norm, 1e-12)
    return out


def reference(x, edge_index, W1l, b1l, W1r, W2l, b2l, W2r):
    # layer 1 + relu (dropout is identity in eval)
    h = _sage_conv(x, edge_index, W1l, b1l, W1r)
    h = jax.nn.relu(h)
    # final layer
    out = _sage_conv(h, edge_index, W2l, b2l, W2r)
    return out

if __name__ == "__main__":
    import jax
    _d = setup_inputs()
    print(jax.jit(kernel)(*tuple(_d.values())))

</pallas_src>

<mosaic_0001>
#map = affine_map<(d0, d1) -> (0, 0)>
#map1 = affine_map<(d0, d1) -> (0, 0, 0)>
#map2 = affine_map<(d0, d1) -> (0)>
module attributes {stable_mosaic.version = 14 : i64} {
  func.func @_seg_body(%arg0: i32, %arg1: i32, %arg2: memref<10000x32xf32, #tpu.memory_space<hbm>>, %arg3: memref<2x2500x128xi32, #tpu.memory_space<hbm>>, %arg4: memref<10240x32xf32, #tpu.memory_space<hbm>>, %arg5: memref<10240xf32, #tpu.memory_space<hbm>>, %arg6: memref<2x10240x32xf32, #tpu.memory_space<hbm>>, %arg7: memref<79x128xi32, #tpu.memory_space<vmem>>, %arg8: memref<79x128xi32, #tpu.memory_space<vmem>>, %arg9: memref<6x128x32xf32, #tpu.memory_space<vmem>>, %arg10: memref<10240x32xf32, #tpu.memory_space<vmem_shared>>, %arg11: memref<!tpu.dma_semaphore, #tpu.memory_space<semaphore_mem>>, %arg12: memref<!tpu.dma_semaphore, #tpu.memory_space<semaphore_mem>>, %arg13: memref<!tpu.dma_semaphore, #tpu.memory_space<semaphore_mem>>, %arg14: memref<!tpu.dma_semaphore, #tpu.memory_space<semaphore_mem>>, %arg15: memref<!tpu.dma_semaphore, #tpu.memory_space<semaphore_mem>>, %arg16: memref<!tpu.dma_semaphore, #tpu.memory_space<semaphore_mem>>, %arg17: memref<!tpu.dma_semaphore, #tpu.memory_space<semaphore_mem>>, %arg18: memref<!tpu.dma_semaphore, #tpu.memory_space<semaphore_mem>>, %arg19: memref<!tpu.dma_semaphore, #tpu.memory_space<semaphore_mem>>, %arg20: memref<!tpu.dma_semaphore, #tpu.memory_space<semaphore_mem>>, %arg21: memref<!tpu.dma_semaphore, #tpu.memory_space<semaphore_mem>>, %arg22: memref<!tpu.dma_semaphore, #tpu.memory_space<semaphore_mem>>) attributes {dimension_semantics = [#tpu.dimension_semantics<core_parallel>, #tpu.dimension_semantics<subcore_parallel>], iteration_bounds = array<i64: 2, 16>, scalar_prefetch = 0 : i64, scratch_operands = 16 : i64, tpu.core_type = #tpu.core_type<sc_vector_subcore>, window_params = [{transform_indices = #map}, {transform_indices = #map1}, {transform_indices = #map}, {transform_indices = #map2}, {transform_indices = #map1}]} {
    %mul3A = arith.constant 16 : i32
    %mul3A_0 = arith.muli %arg0, %mul3A : i32
    %add3A = arith.addi %mul3A_0, %arg1 : i32
    %mul3A_1 = arith.constant 640 : i32
    %mul3A_2 = arith.muli %arg1, %mul3A_1 : i32
    %mul3A_3 = arith.constant 640 : i32
    %mul3A_4 = arith.muli %arg1, %mul3A_3 : i32
    "tpu.region"() ({
      %run_scoped3A_92 = tpu.sem_alloc : memref<!tpu.dma_semaphore, #tpu.memory_space<semaphore_mem>>
      %dma_start3A_93 = arith.constant 0 : i32
      %dma_start3A_94 = tpu.memref_slice %arg10[%mul3A_4, %dma_start3A_93] : memref<10240x32xf32, #tpu.memory_space<vmem_shared>> -> memref<640x32xf32, #tpu.memory_space<vmem_shared>>
      %dma_start3A_95 = arith.constant 0 : i32
      %dma_start3A_96 = tpu.memref_slice %arg4[%mul3A_2, %dma_start3A_95] : memref<10240x32xf32, #tpu.memory_space<hbm>> -> memref<640x32xf32, #tpu.memory_space<hbm>>
      tpu.enqueue_dma source(%dma_start3A_96 : memref<640x32xf32, #tpu.memory_space<hbm>>) target(%dma_start3A_94 : memref<640x32xf32, #tpu.memory_space<vmem_shared>>) target_semaphore(%run_scoped3A_92 : memref<!tpu.dma_semaphore, #tpu.memory_space<semaphore_mem>>)
      %dma_wait3A = arith.constant 0 : i32
      %dma_wait3A_97 = tpu.memref_slice %arg10[%mul3A_4, %dma_wait3A] : memref<10240x32xf32, #tpu.memory_space<vmem_shared>> -> memref<640x32xf32, #tpu.memory_space<vmem_shared>>
      %dma_wait3A_98 = arith.constant 0 : i32
      %dma_wait3A_99 = tpu.memref_slice %arg4[%mul3A_2, %dma_wait3A_98] : memref<10240x32xf32, #tpu.memory_space<hbm>> -> memref<640x32xf32, #tpu.memory_space<hbm>>
      tpu.wait_dma2 semaphore(%run_scoped3A_92 : memref<!tpu.dma_semaphore, #tpu.memory_space<semaphore_mem>>) src(%dma_wait3A_99 : memref<640x32xf32, #tpu.memory_space<hbm>>) dst(%dma_wait3A_97 : memref<640x32xf32, #tpu.memory_space<vmem_shared>>)
      tpu.yield
    }) : () -> ()
    %barrier3A = arith.constant 0 : index
    tpu.barrier barrier_id(%barrier3A)
    %mul3A_5 = arith.constant 78 : i32
    %mul3A_6 = arith.muli %mul3A_5, %add3A : i32
    %min3A = arith.constant 4 : i32
    %min3A_7 = arith.minsi %add3A, %min3A : i32
    %add3A_8 = arith.addi %mul3A_6, %min3A_7 : i32
    %run_scoped3A = arith.constant 0 : i32
    "tpu.region"() ({
      %run_scoped3A_92 = tpu.sem_alloc : memref<!tpu.dma_semaphore, #tpu.memory_space<semaphore_mem>>
      %dma_start3A_93 = arith.constant 0 : i32
      %dma_start3A_94 = arith.constant 0 : i32
      %dma_start3A_95 = tpu.memref_slice %arg7[%dma_start3A_93, %dma_start3A_94] : memref<79x128xi32, #tpu.memory_space<vmem>> -> memref<78x128xi32, #tpu.memory_space<vmem>>
      %dma_start3A_96 = arith.constant 0 : i32
      %dma_start3A_97 = tpu.memref_slice %arg3[%run_scoped3A, %add3A_8, %dma_start3A_96] : memref<2x2500x128xi32, #tpu.memory_space<hbm>> -> memref<1x78x128xi32, #tpu.memory_space<hbm>>
      %dma_start3A_98 = tpu.memref_squeeze %dma_start3A_97 : memref<1x78x128xi32, #tpu.memory_space<hbm>> -> memref<78x128xi32, #tpu.memory_space<hbm>>
      %dma_start3A_99 = arith.constant 0 : i32
      %dma_start3A_100 = arith.constant 0 : i32
      %dma_start3A_101 = tpu.memref_slice %arg7[%dma_start3A_99, %dma_start3A_100] : memref<79x128xi32, #tpu.memory_space<vmem>> -> memref<78x128xi32, #tpu.memory_space<vmem>>
      %dma_start3A_102 = arith.constant 0 : i32
      %dma_start3A_103 = tpu.memref_slice %arg3[%run_scoped3A, %add3A_8, %dma_start3A_102] : memref<2x2500x128xi32, #tpu.memory_space<hbm>> -> memref<1x78x128xi32, #tpu.memory_space<hbm>>
      %dma_start3A_104 = tpu.memref_squeeze %dma_start3A_103 : memref<1x78x128xi32, #tpu.memory_space<hbm>> -> memref<78x128xi32, #tpu.memory_space<hbm>>
      tpu.enqueue_dma source(%dma_start3A_104 : memref<78x128xi32, #tpu.memory_space<hbm>>) target(%dma_start3A_101 : memref<78x128xi32, #tpu.memory_space<vmem>>) target_semaphore(%run_scoped3A_92 : memref<!tpu.dma_semaphore, #tpu.memory_space<semaphore_mem>>)
      %dma_wait3A = arith.constant 0 : i32
      %dma_wait3A_105 = arith.constant 0 : i32
      %dma_wait3A_106 = tpu.memref_slice %arg7[%dma_wait3A, %dma_wait3A_105] : memref<79x128xi32, #tpu.memory_space<vmem>> -> memref<78x128xi32, #tpu.memory_space<vmem>>
      %dma_wait3A_107 = arith.constant 0 : i32
      %dma_wait3A_108 = tpu.memref_slice %arg3[%run_scoped3A, %add3A_8, %dma_wait3A_107] : memref<2x2500x128xi32, #tpu.memory_space<hbm>> -> memref<1x78x128xi32, #tpu.memory_space<hbm>>
      %dma_wait3A_109 = tpu.memref_squeeze %dma_wait3A_108 : memref<1x78x128xi32, #tpu.memory_space<hbm>> -> memref<78x128xi32, #tpu.memory_space<hbm>>
      %dma_wait3A_110 = arith.constant 0 : i32
      %dma_wait3A_111 = arith.constant 0 : i32
      %dma_wait3A_112 = tpu.memref_slice %arg7[%dma_wait3A_110, %dma_wait3A_111] : memref<79x128xi32, #tpu.memory_space<vmem>> -> memref<78x128xi32, #tpu.memory_space<vmem>>
      %dma_wait3A_113 = arith.constant 0 : i32
      %dma_wait3A_114 = tpu.memref_slice %arg3[%run_scoped3A, %add3A_8, %dma_wait3A_113] : memref<2x2500x128xi32, #tpu.memory_space<hbm>> -> memref<1x78x128xi32, #tpu.memory_space<hbm>>
      %dma_wait3A_115 = tpu.memref_squeeze %dma_wait3A_114 : memref<1x78x128xi32, #tpu.memory_space<hbm>> -> memref<78x128xi32, #tpu.memory_space<hbm>>
      tpu.wait_dma2 semaphore(%run_scoped3A_92 : memref<!tpu.dma_semaphore, #tpu.memory_space<semaphore_mem>>) src(%dma_wait3A_115 : memref<78x128xi32, #tpu.memory_space<hbm>>) dst(%dma_wait3A_112 : memref<78x128xi32, #tpu.memory_space<vmem>>)
      tpu.yield
    }) : () -> ()
    %run_scoped3A_9 = arith.constant 1 : i32
    "tpu.region"() ({
      %run_scoped3A_92 = tpu.sem_alloc : memref<!tpu.dma_semaphore, #tpu.memory_space<semaphore_mem>>
      %dma_start3A_93 = arith.constant 0 : i32
      %dma_start3A_94 = arith.constant 0 : i32
      %dma_start3A_95 = tpu.memref_slice %arg8[%dma_start3A_93, %dma_start3A_94] : memref<79x128xi32, #tpu.memory_space<vmem>> -> memref<78x128xi32, #tpu.memory_space<vmem>>
      %dma_start3A_96 = arith.constant 0 : i32
      %dma_start3A_97 = tpu.memref_slice %arg3[%run_scoped3A_9, %add3A_8, %dma_start3A_96] : memref<2x2500x128xi32, #tpu.memory_space<hbm>> -> memref<1x78x128xi32, #tpu.memory_space<hbm>>
      %dma_start3A_98 = tpu.memref_squeeze %dma_start3A_97 : memref<1x78x128xi32, #tpu.memory_space<hbm>> -> memref<78x128xi32, #tpu.memory_space<hbm>>
      %dma_start3A_99 = arith.constant 0 : i32
      %dma_start3A_100 = arith.constant 0 : i32
      %dma_start3A_101 = tpu.memref_slice %arg8[%dma_start3A_99, %dma_start3A_100] : memref<79x128xi32, #tpu.memory_space<vmem>> -> memref<78x128xi32, #tpu.memory_space<vmem>>
      %dma_start3A_102 = arith.constant 0 : i32
      %dma_start3A_103 = tpu.memref_slice %arg3[%run_scoped3A_9, %add3A_8, %dma_start3A_102] : memref<2x2500x128xi32, #tpu.memory_space<hbm>> -> memref<1x78x128xi32, #tpu.memory_space<hbm>>
      %dma_start3A_104 = tpu.memref_squeeze %dma_start3A_103 : memref<1x78x128xi32, #tpu.memory_space<hbm>> -> memref<78x128xi32, #tpu.memory_space<hbm>>
      tpu.enqueue_dma source(%dma_start3A_104 : memref<78x128xi32, #tpu.memory_space<hbm>>) target(%dma_start3A_101 : memref<78x128xi32, #tpu.memory_space<vmem>>) target_semaphore(%run_scoped3A_92 : memref<!tpu.dma_semaphore, #tpu.memory_space<semaphore_mem>>)
      %dma_wait3A = arith.constant 0 : i32
      %dma_wait3A_105 = arith.constant 0 : i32
      %dma_wait3A_106 = tpu.memref_slice %arg8[%dma_wait3A, %dma_wait3A_105] : memref<79x128xi32, #tpu.memory_space<vmem>> -> memref<78x128xi32, #tpu.memory_space<vmem>>
      %dma_wait3A_107 = arith.constant 0 : i32
      %dma_wait3A_108 = tpu.memref_slice %arg3[%run_scoped3A_9, %add3A_8, %dma_wait3A_107] : memref<2x2500x128xi32, #tpu.memory_space<hbm>> -> memref<1x78x128xi32, #tpu.memory_space<hbm>>
      %dma_wait3A_109 = tpu.memref_squeeze %dma_wait3A_108 : memref<1x78x128xi32, #tpu.memory_space<hbm>> -> memref<78x128xi32, #tpu.memory_space<hbm>>
      %dma_wait3A_110 = arith.constant 0 : i32
      %dma_wait3A_111 = arith.constant 0 : i32
      %dma_wait3A_112 = tpu.memref_slice %arg8[%dma_wait3A_110, %dma_wait3A_111] : memref<79x128xi32, #tpu.memory_space<vmem>> -> memref<78x128xi32, #tpu.memory_space<vmem>>
      %dma_wait3A_113 = arith.constant 0 : i32
      %dma_wait3A_114 = tpu.memref_slice %arg3[%run_scoped3A_9, %add3A_8, %dma_wait3A_113] : memref<2x2500x128xi32, #tpu.memory_space<hbm>> -> memref<1x78x128xi32, #tpu.memory_space<hbm>>
      %dma_wait3A_115 = tpu.memref_squeeze %dma_wait3A_114 : memref<1x78x128xi32, #tpu.memory_space<hbm>> -> memref<78x128xi32, #tpu.memory_space<hbm>>
      tpu.wait_dma2 semaphore(%run_scoped3A_92 : memref<!tpu.dma_semaphore, #tpu.memory_space<semaphore_mem>>) src(%dma_wait3A_115 : memref<78x128xi32, #tpu.memory_space<hbm>>) dst(%dma_wait3A_112 : memref<78x128xi32, #tpu.memory_space<vmem>>)
      tpu.yield
    }) : () -> ()
    %dma_start3A = arith.constant 0 : i32
    %dma_start3A_10 = arith.constant 0 : i32
    %dma_start3A_11 = arith.constant 0 : i32
    %dma_start3A_12 = arith.constant 0 : i32
    %dma_start3A_13 = tpu.memref_slice %arg9[%dma_start3A_10, %dma_start3A_11, %dma_start3A_12] : memref<6x128x32xf32, #tpu.memory_space<vmem>> -> memref<1x128x32xf32, #tpu.memory_space<vmem>>
    %dma_start3A_14 = tpu.memref_squeeze %dma_start3A_13 : memref<1x128x32xf32, #tpu.memory_space<vmem>> -> memref<128x32xf32, #tpu.memory_space<vmem>>
    %dma_start3A_15 = arith.constant 0 : i32
    %dma_start3A_16 = tpu.memref_slice %arg7[%dma_start3A, %dma_start3A_15] : memref<79x128xi32, #tpu.memory_space<vmem>> -> memref<1x128xi32, #tpu.memory_space<vmem>>
    %dma_start3A_17 = tpu.memref_squeeze %dma_start3A_16 : memref<1x128xi32, #tpu.memory_space<vmem>> -> memref<128xi32, #tpu.memory_space<vmem>>
    %dma_start3A_18 = arith.constant 0 : i32
    %dma_start3A_19 = arith.constant 0 : i32
    %dma_start3A_20 = tpu.memref_slice %arg2[%dma_start3A_18, %dma_start3A_19] : memref<10000x32xf32, #tpu.memory_space<hbm>> -> memref<10000x32xf32, #tpu.memory_space<hbm>>
    tpu.enqueue_indirect_dma source(%dma_start3A_20 : memref<10000x32xf32, #tpu.memory_space<hbm>>) target(%dma_start3A_14 : memref<128x32xf32, #tpu.memory_space<vmem>>) offsets(%dma_start3A_17 : memref<128xi32, #tpu.memory_space<vmem>>) semaphore(%arg11 : memref<!tpu.dma_semaphore, #tpu.memory_space<semaphore_mem>>)
    %dma_start3A_21 = arith.constant 1 : i32
    %dma_start3A_22 = arith.constant 1 : i32
    %dma_start3A_23 = arith.constant 0 : i32
    %dma_start3A_24 = arith.constant 0 : i32
    %dma_start3A_25 = tpu.memref_slice %arg9[%dma_start3A_22, %dma_start3A_23, %dma_start3A_24] : memref<6x128x32xf32, #tpu.memory_space<vmem>> -> memref<1x128x32xf32, #tpu.memory_space<vmem>>
    %dma_start3A_26 = tpu.memref_squeeze %dma_start3A_25 : memref<1x128x32xf32, #tpu.memory_space<vmem>> -> memref<128x32xf32, #tpu.memory_space<vmem>>
    %dma_start3A_27 = arith.constant 0 : i32
    %dma_start3A_28 = tpu.memref_slice %arg7[%dma_start3A_21, %dma_start3A_27] : memref<79x128xi32, #tpu.memory_space<vmem>> -> memref<1x128xi32, #tpu.memory_space<vmem>>
    %dma_start3A_29 = tpu.memref_squeeze %dma_start3A_28 : memref<1x128xi32, #tpu.memory_space<vmem>> -> memref<128xi32, #tpu.memory_space<vmem>>
    %dma_start3A_30 = arith.constant 0 : i32
    %dma_start3A_31 = arith.constant 0 : i32
    %dma_start3A_32 = tpu.memref_slice %arg2[%dma_start3A_30, %dma_start3A_31] : memref<10000x32xf32, #tpu.memory_space<hbm>> -> memref<10000x32xf32, #tpu.memory_space<hbm>>
    tpu.enqueue_indirect_dma source(%dma_start3A_32 : memref<10000x32xf32, #tpu.memory_space<hbm>>) target(%dma_start3A_26 : memref<128x32xf32, #tpu.memory_space<vmem>>) offsets(%dma_start3A_29 : memref<128xi32, #tpu.memory_space<vmem>>) semaphore(%arg12 : memref<!tpu.dma_semaphore, #tpu.memory_space<semaphore_mem>>)
    %dma_start3A_33 = arith.constant 2 : i32
    %dma_start3A_34 = arith.constant 2 : i32
    %dma_start3A_35 = arith.constant 0 : i32
    %dma_start3A_36 = arith.constant 0 : i32
    %dma_start3A_37 = tpu.memref_slice %arg9[%dma_start3A_34, %dma_start3A_35, %dma_start3A_36] : memref<6x128x32xf32, #tpu.memory_space<vmem>> -> memref<1x128x32xf32, #tpu.memory_space<vmem>>
    %dma_start3A_38 = tpu.memref_squeeze %dma_start3A_37 : memref<1x128x32xf32, #tpu.memory_space<vmem>> -> memref<128x32xf32, #tpu.memory_space<vmem>>
    %dma_start3A_39 = arith.constant 0 : i32
    %dma_start3A_40 = tpu.memref_slice %arg7[%dma_start3A_33, %dma_start3A_39] : memref<79x128xi32, #tpu.memory_space<vmem>> -> memref<1x128xi32, #tpu.memory_space<vmem>>
    %dma_start3A_41 = tpu.memref_squeeze %dma_start3A_40 : memref<1x128xi32, #tpu.memory_space<vmem>> -> memref<128xi32, #tpu.memory_space<vmem>>
    %dma_start3A_42 = arith.constant 0 : i32
    %dma_start3A_43 = arith.constant 0 : i32
    %dma_start3A_44 = tpu.memref_slice %arg2[%dma_start3A_42, %dma_start3A_43] : memref<10000x32xf32, #tpu.memory_space<hbm>> -> memref<10000x32xf32, #tpu.memory_space<hbm>>
    tpu.enqueue_indirect_dma source(%dma_start3A_44 : memref<10000x32xf32, #tpu.memory_space<hbm>>) target(%dma_start3A_38 : memref<128x32xf32, #tpu.memory_space<vmem>>) offsets(%dma_start3A_41 : memref<128xi32, #tpu.memory_space<vmem>>) semaphore(%arg13 : memref<!tpu.dma_semaphore, #tpu.memory_space<semaphore_mem>>)
    %dma_start3A_45 = arith.constant 3 : i32
    %dma_start3A_46 = arith.constant 3 : i32
    %dma_start3A_47 = arith.constant 0 : i32
    %dma_start3A_48 = arith.constant 0 : i32
    %dma_start3A_49 = tpu.memref_slice %arg9[%dma_start3A_46, %dma_start3A_47, %dma_start3A_48] : memref<6x128x32xf32, #tpu.memory_space<vmem>> -> memref<1x128x32xf32, #tpu.memory_space<vmem>>
    %dma_start3A_50 = tpu.memref_squeeze %dma_start3A_49 : memref<1x128x32xf32, #tpu.memory_space<vmem>> -> memref<128x32xf32, #tpu.memory_space<vmem>>
    %dma_start3A_51 = arith.constant 0 : i32
    %dma_start3A_52 = tpu.memref_slice %arg7[%dma_start3A_45, %dma_start3A_51] : memref<79x128xi32, #tpu.memory_space<vmem>> -> memref<1x128xi32, #tpu.memory_space<vmem>>
    %dma_start3A_53 = tpu.memref_squeeze %dma_start3A_52 : memref<1x128xi32, #tpu.memory_space<vmem>> -> memref<128xi32, #tpu.memory_space<vmem>>
    %dma_start3A_54 = arith.constant 0 : i32
    %dma_start3A_55 = arith.constant 0 : i32
    %dma_start3A_56 = tpu.memref_slice %arg2[%dma_start3A_54, %dma_start3A_55] : memref<10000x32xf32, #tpu.memory_space<hbm>> -> memref<10000x32xf32, #tpu.memory_space<hbm>>
    tpu.enqueue_indirect_dma source(%dma_start3A_56 : memref<10000x32xf32, #tpu.memory_space<hbm>>) target(%dma_start3A_50 : memref<128x32xf32, #tpu.memory_space<vmem>>) offsets(%dma_start3A_53 : memref<128xi32, #tpu.memory_space<vmem>>) semaphore(%arg14 : memref<!tpu.dma_semaphore, #tpu.memory_space<semaphore_mem>>)
    %dma_start3A_57 = arith.constant 4 : i32
    %dma_start3A_58 = arith.constant 4 : i32
    %dma_start3A_59 = arith.constant 0 : i32
    %dma_start3A_60 = arith.constant 0 : i32
    %dma_start3A_61 = tpu.memref_slice %arg9[%dma_start3A_58, %dma_start3A_59, %dma_start3A_60] : memref<6x128x32xf32, #tpu.memory_space<vmem>> -> memref<1x128x32xf32, #tpu.memory_space<vmem>>
    %dma_start3A_62 = tpu.memref_squeeze %dma_start3A_61 : memref<1x128x32xf32, #tpu.memory_space<vmem>> -> memref<128x32xf32, #tpu.memory_space<vmem>>
    %dma_start3A_63 = arith.constant 0 : i32
    %dma_start3A_64 = tpu.memref_slice %arg7[%dma_start3A_57, %dma_start3A_63] : memref<79x128xi32, #tpu.memory_space<vmem>> -> memref<1x128xi32, #tpu.memory_space<vmem>>
    %dma_start3A_65 = tpu.memref_squeeze %dma_start3A_64 : memref<1x128xi32, #tpu.memory_space<vmem>> -> memref<128xi32, #tpu.memory_space<vmem>>
    %dma_start3A_66 = arith.constant 0 : i32
    %dma_start3A_67 = arith.constant 0 : i32
    %dma_start3A_68 = tpu.memref_slice %arg2[%dma_start3A_66, %dma_start3A_67] : memref<10000x32xf32, #tpu.memory_space<hbm>> -> memref<10000x32xf32, #tpu.memory_space<hbm>>
    tpu.enqueue_indirect_dma source(%dma_start3A_68 : memref<10000x32xf32, #tpu.memory_space<hbm>>) target(%dma_start3A_62 : memref<128x32xf32, #tpu.memory_space<vmem>>) offsets(%dma_start3A_65 : memref<128xi32, #tpu.memory_space<vmem>>) semaphore(%arg15 : memref<!tpu.dma_semaphore, #tpu.memory_space<semaphore_mem>>)
    %dma_start3A_69 = arith.constant 5 : i32
    %dma_start3A_70 = arith.constant 5 : i32
    %dma_start3A_71 = arith.constant 0 : i32
    %dma_start3A_72 = arith.constant 0 : i32
    %dma_start3A_73 = tpu.memref_slice %arg9[%dma_start3A_70, %dma_start3A_71, %dma_start3A_72] : memref<6x128x32xf32, #tpu.memory_space<vmem>> -> memref<1x128x32xf32, #tpu.memory_space<vmem>>
    %dma_start3A_74 = tpu.memref_squeeze %dma_start3A_73 : memref<1x128x32xf32, #tpu.memory_space<vmem>> -> memref<128x32xf32, #tpu.memory_space<vmem>>
    %dma_start3A_75 = arith.constant 0 : i32
    %dma_start3A_76 = tpu.memref_slice %arg7[%dma_start3A_69, %dma_start3A_75] : memref<79x128xi32, #tpu.memory_space<vmem>> -> memref<1x128xi32, #tpu.memory_space<vmem>>
    %dma_start3A_77 = tpu.memref_squeeze %dma_start3A_76 : memref<1x128xi32, #tpu.memory_space<vmem>> -> memref<128xi32, #tpu.memory_space<vmem>>
    %dma_start3A_78 = arith.constant 0 : i32
    %dma_start3A_79 = arith.constant 0 : i32
    %dma_start3A_80 = tpu.memref_slice %arg2[%dma_start3A_78, %dma_start3A_79] : memref<10000x32xf32, #tpu.memory_space<hbm>> -> memref<10000x32xf32, #tpu.memory_space<hbm>>
    tpu.enqueue_indirect_dma source(%dma_start3A_80 : memref<10000x32xf32, #tpu.memory_space<hbm>>) target(%dma_start3A_74 : memref<128x32xf32, #tpu.memory_space<vmem>>) offsets(%dma_start3A_77 : memref<128xi32, #tpu.memory_space<vmem>>) semaphore(%arg16 : memref<!tpu.dma_semaphore, #tpu.memory_space<semaphore_mem>>)
    %scan3A = arith.constant 0 : i32
    %scan3A_81 = arith.constant 13 : i32
    %scan3A_82 = arith.addi %scan3A, %scan3A_81 : i32
    %scan3A_83 = arith.constant 1 : i32
    scf.for %scan3A_92 = %scan3A to %scan3A_82 step %scan3A_83  : i32 {
      %mul3A_93 = arith.constant 1 : i32
      %mul3A_94 = arith.muli %scan3A_92, %mul3A_93 : i32
      %add3A_95 = arith.constant 0 : i32
      %add3A_96 = arith.addi %add3A_95, %mul3A_94 : i32
      %mul3A_97 = arith.constant 6 : i32
      %mul3A_98 = arith.muli %add3A_96, %mul3A_97 : i32
      %add3A_99 = arith.constant 0 : i32
      %add3A_100 = arith.addi %mul3A_98, %add3A_99 : i32
      %dma_wait3A = arith.constant 0 : i32
      %dma_wait3A_101 = arith.constant 0 : i32
      %dma_wait3A_102 = arith.constant 0 : i32
      %dma_wait3A_103 = tpu.memref_slice %arg9[%dma_wait3A, %dma_wait3A_101, %dma_wait3A_102] : memref<6x128x32xf32, #tpu.memory_space<vmem>> -> memref<1x128x32xf32, #tpu.memory_space<vmem>>
      %dma_wait3A_104 = tpu.memref_squeeze %dma_wait3A_103 : memref<1x128x32xf32, #tpu.memory_space<vmem>> -> memref<128x32xf32, #tpu.memory_space<vmem>>
      %dma_wait3A_105 = arith.constant 0 : i32
      %dma_wait3A_106 = tpu.memref_slice %arg7[%add3A_100, %dma_wait3A_105] : memref<79x128xi32, #tpu.memory_space<vmem>> -> memref<1x128xi32, #tpu.memory_space<vmem>>
      %dma_wait3A_107 = tpu.memref_squeeze %dma_wait3A_106 : memref<1x128xi32, #tpu.memory_space<vmem>> -> memref<128xi32, #tpu.memory_space<vmem>>
      %dma_wait3A_108 = arith.constant 0 : i32
      %dma_wait3A_109 = arith.constant 0 : i32
      %dma_wait3A_110 = tpu.memref_slice %arg2[%dma_wait3A_108, %dma_wait3A_109] : memref<10000x32xf32, #tpu.memory_space<hbm>> -> memref<10000x32xf32, #tpu.memory_space<hbm>>
      tpu.wait_indirect_dma semaphore(%arg11 : memref<!tpu.dma_semaphore, #tpu.memory_space<semaphore_mem>>) src(%dma_wait3A_110 : memref<10000x32xf32, #tpu.memory_space<hbm>>) dst(%dma_wait3A_104 : memref<128x32xf32, #tpu.memory_space<vmem>>)
      %dma_start3A_111 = arith.constant 0 : i32
      %dma_start3A_112 = arith.constant 0 : i32
      %dma_start3A_113 = arith.constant 0 : i32
      %dma_start3A_114 = tpu.memref_slice %arg9[%dma_start3A_111, %dma_start3A_112, %dma_start3A_113] : memref<6x128x32xf32, #tpu.memory_space<vmem>> -> memref<1x128x32xf32, #tpu.memory_space<vmem>>
      %dma_start3A_115 = tpu.memref_squeeze %dma_start3A_114 : memref<1x128x32xf32, #tpu.memory_space<vmem>> -> memref<128x32xf32, #tpu.memory_space<vmem>>
      %dma_start3A_116 = arith.constant 0 : i32
      %dma_start3A_117 = tpu.memref_slice %arg8[%add3A_100, %dma_start3A_116] : memref<79x128xi32, #tpu.memory_space<vmem>> -> memref<1x128xi32, #tpu.memory_space<vmem>>
      %dma_start3A_118 = tpu.memref_squeeze %dma_start3A_117 : memref<1x128xi32, #tpu.memory_space<vmem>> -> memref<128xi32, #tpu.memory_space<vmem>>
      %dma_start3A_119 = arith.constant 0 : i32
      %dma_start3A_120 = arith.constant 0 : i32
      %dma_start3A_121 = tpu.memref_slice %arg10[%dma_start3A_119, %dma_start3A_120] : memref<10240x32xf32, #tpu.memory_space<vmem_shared>> -> memref<10240x32xf32, #tpu.memory_space<vmem_shared>>
      tpu.enqueue_indirect_dma source(%dma_start3A_115 : memref<128x32xf32, #tpu.memory_space<vmem>>) target(%dma_start3A_121 : memref<10240x32xf32, #tpu.memory_space<vmem_shared>>) offsets(%dma_start3A_118 : memref<128xi32, #tpu.memory_space<vmem>>) semaphore(%arg17 : memref<!tpu.dma_semaphore, #tpu.memory_space<semaphore_mem>>) {add = true}
      %dma_wait3A_122 = arith.constant 0 : i32
      %dma_wait3A_123 = arith.constant 0 : i32
      %dma_wait3A_124 = arith.constant 0 : i32
      %dma_wait3A_125 = tpu.memref_slice %arg9[%dma_wait3A_122, %dma_wait3A_123, %dma_wait3A_124] : memref<6x128x32xf32, #tpu.memory_space<vmem>> -> memref<1x128x32xf32, #tpu.memory_space<vmem>>
      %dma_wait3A_126 = tpu.memref_squeeze %dma_wait3A_125 : memref<1x128x32xf32, #tpu.memory_space<vmem>> -> memref<128x32xf32, #tpu.memory_space<vmem>>
      %dma_wait3A_127 = arith.constant 0 : i32
      %dma_wait3A_128 = tpu.memref_slice %arg8[%add3A_100, %dma_wait3A_127] : memref<79x128xi32, #tpu.memory_space<vmem>> -> memref<1x128xi32, #tpu.memory_space<vmem>>
      %dma_wait3A_129 = tpu.memref_squeeze %dma_wait3A_128 : memref<1x128xi32, #tpu.memory_space<vmem>> -> memref<128xi32, #tpu.memory_space<vmem>>
      %dma_wait3A_130 = arith.constant 0 : i32
      %dma_wait3A_131 = arith.constant 0 : i32
      %dma_wait3A_132 = tpu.memref_slice %arg10[%dma_wait3A_130, %dma_wait3A_131] : memref<10240x32xf32, #tpu.memory_space<vmem_shared>> -> memref<10240x32xf32, #tpu.memory_space<vmem_shared>>
      tpu.wait_indirect_dma semaphore(%arg17 : memref<!tpu.dma_semaphore, #tpu.memory_space<semaphore_mem>>) src(%dma_wait3A_126 : memref<128x32xf32, #tpu.memory_space<vmem>>) dst(%dma_wait3A_132 : memref<10240x32xf32, #tpu.memory_space<vmem_shared>>)
      %lt3A_133 = arith.constant 12 : i32
      %lt3A_134 = arith.cmpi slt, %add3A_96, %lt3A_133 : i32
      %convert_element_type3A_135 = arith.extui %lt3A_134 : i1 to i32
      %cond3A_136 = arith.constant 0 : i32
      %cond3A_137 = arith.cmpi ne, %convert_element_type3A_135, %cond3A_136 : i32
      scf.if %cond3A_137 {
        %add3A_338 = arith.constant 6 : i32
        %add3A_339 = arith.addi %add3A_100, %add3A_338 : i32
        %dma_start3A_340 = arith.constant 0 : i32
        %dma_start3A_341 = arith.constant 0 : i32
        %dma_start3A_342 = arith.constant 0 : i32
        %dma_start3A_343 = tpu.memref_slice %arg9[%dma_start3A_340, %dma_start3A_341, %dma_start3A_342] : memref<6x128x32xf32, #tpu.memory_space<vmem>> -> memref<1x128x32xf32, #tpu.memory_space<vmem>>
        %dma_start3A_344 = tpu.memref_squeeze %dma_start3A_343 : memref<1x128x32xf32, #tpu.memory_space<vmem>> -> memref<128x32xf32, #tpu.memory_space<vmem>>
        %dma_start3A_345 = arith.constant 0 : i32
        %dma_start3A_346 = tpu.memref_slice %arg7[%add3A_339, %dma_start3A_345] : memref<79x128xi32, #tpu.memory_space<vmem>> -> memref<1x128xi32, #tpu.memory_space<vmem>>
        %dma_start3A_347 = tpu.memref_squeeze %dma_start3A_346 : memref<1x128xi32, #tpu.memory_space<vmem>> -> memref<128xi32, #tpu.memory_space<vmem>>
        %dma_start3A_348 = arith.constant 0 : i32
        %dma_start3A_349 = arith.constant 0 : i32
        %dma_start3A_350 = tpu.memref_slice %arg2[%dma_start3A_348, %dma_start3A_349] : memref<10000x32xf32, #tpu.memory_space<hbm>> -> memref<10000x32xf32, #tpu.memory_space<hbm>>
        tpu.enqueue_indirect_dma source(%dma_start3A_350 : memref<10000x32xf32, #tpu.memory_space<hbm>>) target(%dma_start3A_344 : memref<128x32xf32, #tpu.memory_space<vmem>>) offsets(%dma_start3A_347 : memref<128xi32, #tpu.memory_space<vmem>>) semaphore(%arg11 : memref<!tpu.dma_semaphore, #tpu.memory_space<semaphore_mem>>)
      } else {
      }
      %add3A_138 = arith.constant 1 : i32
      %add3A_139 = arith.addi %mul3A_98, %add3A_138 : i32
      %dma_wait3A_140 = arith.constant 1 : i32
      %dma_wait3A_141 = arith.constant 0 : i32
      %dma_wait3A_142 = arith.constant 0 : i32
      %dma_wait3A_143 = tpu.memref_slice %arg9[%dma_wait3A_140, %dma_wait3A_141, %dma_wait3A_142] : memref<6x128x32xf32, #tpu.memory_space<vmem>> -> memref<1x128x32xf32, #tpu.memory_space<vmem>>
      %dma_wait3A_144 = tpu.memref_squeeze %dma_wait3A_143 : memref<1x128x32xf32, #tpu.memory_space<vmem>> -> memref<128x32xf32, #tpu.memory_space<vmem>>
      %dma_wait3A_145 = arith.constant 0 : i32
      %dma_wait3A_146 = tpu.memref_slice %arg7[%add3A_139, %dma_wait3A_145] : memref<79x128xi32, #tpu.memory_space<vmem>> -> memref<1x128xi32, #tpu.memory_space<vmem>>
      %dma_wait3A_147 = tpu.memref_squeeze %dma_wait3A_146 : memref<1x128xi32, #tpu.memory_space<vmem>> -> memref<128xi32, #tpu.memory_space<vmem>>
      %dma_wait3A_148 = arith.constant 0 : i32
      %dma_wait3A_149 = arith.constant 0 : i32
      %dma_wait3A_150 = tpu.memref_slice %arg2[%dma_wait3A_148, %dma_wait3A_149] : memref<10000x32xf32, #tpu.memory_space<hbm>> -> memref<10000x32xf32, #tpu.memory_space<hbm>>
      tpu.wait_indirect_dma semaphore(%arg12 : memref<!tpu.dma_semaphore, #tpu.memory_space<semaphore_mem>>) src(%dma_wait3A_150 : memref<10000x32xf32, #tpu.memory_space<hbm>>) dst(%dma_wait3A_144 : memref<128x32xf32, #tpu.memory_space<vmem>>)
      %dma_start3A_151 = arith.constant 1 : i32
      %dma_start3A_152 = arith.constant 0 : i32
      %dma_start3A_153 = arith.constant 0 : i32
      %dma_start3A_154 = tpu.memref_slice %arg9[%dma_start3A_151, %dma_start3A_152, %dma_start3A_153] : memref<6x128x32xf32, #tpu.memory_space<vmem>> -> memref<1x128x32xf32, #tpu.memory_space<vmem>>
      %dma_start3A_155 = tpu.memref_squeeze %dma_start3A_154 : memref<1x128x32xf32, #tpu.memory_space<vmem>> -> memref<128x32xf32, #tpu.memory_space<vmem>>
      %dma_start3A_156 = arith.constant 0 : i32
      %dma_start3A_157 = tpu.memref_slice %arg8[%add3A_139, %dma_start3A_156] : memref<79x128xi32, #tpu.memory_space<vmem>> -> memref<1x128xi32, #tpu.memory_space<vmem>>
      %dma_start3A_158 = tpu.memref_squeeze %dma_start3A_157 : memref<1x128xi32, #tpu.memory_space<vmem>> -> memref<128xi32, #tpu.memory_space<vmem>>
      %dma_start3A_159 = arith.constant 0 : i32
      %dma_start3A_160 = arith.constant 0 : i32
      %dma_start3A_161 = tpu.memref_slice %arg10[%dma_start3A_159, %dma_start3A_160] : memref<10240x32xf32, #tpu.memory_space<vmem_shared>> -> memref<10240x32xf32, #tpu.memory_space<vmem_shared>>
      tpu.enqueue_indirect_dma source(%dma_start3A_155 : memref<128x32xf32, #tpu.memory_space<vmem>>) target(%dma_start3A_161 : memref<10240x32xf32, #tpu.memory_space<vmem_shared>>) offsets(%dma_start3A_158 : memref<128xi32, #tpu.memory_space<vmem>>) semaphore(%arg18 : memref<!tpu.dma_semaphore, #tpu.memory_space<semaphore_mem>>) {add = true}
      %dma_wait3A_162 = arith.constant 1 : i32
      %dma_wait3A_163 = arith.constant 0 : i32
      %dma_wait3A_164 = arith.constant 0 : i32
      %dma_wait3A_165 = tpu.memref_slice %arg9[%dma_wait3A_162, %dma_wait3A_163, %dma_wait3A_164] : memref<6x128x32xf32, #tpu.memory_space<vmem>> -> memref<1x128x32xf32, #tpu.memory_space<vmem>>
      %dma_wait3A_166 = tpu.memref_squeeze %dma_wait3A_165 : memref<1x128x32xf32, #tpu.memory_space<vmem>> -> memref<128x32xf32, #tpu.memory_space<vmem>>
      %dma_wait3A_167 = arith.constant 0 : i32
      %dma_wait3A_168 = tpu.memref_slice %arg8[%add3A_139, %dma_wait3A_167] : memref<79x128xi32, #tpu.memory_space<vmem>> -> memref<1x128xi32, #tpu.memory_space<vmem>>
      %dma_wait3A_169 = tpu.memref_squeeze %dma_wait3A_168 : memref<1x128xi32, #tpu.memory_space<vmem>> -> memref<128xi32, #tpu.memory_space<vmem>>
      %dma_wait3A_170 = arith.constant 0 : i32
      %dma_wait3A_171 = arith.constant 0 : i32
      %dma_wait3A_172 = tpu.memref_slice %arg10[%dma_wait3A_170, %dma_wait3A_171] : memref<10240x32xf32, #tpu.memory_space<vmem_shared>> -> memref<10240x32xf32, #tpu.memory_space<vmem_shared>>
      tpu.wait_indirect_dma semaphore(%arg18 : memref<!tpu.dma_semaphore, #tpu.memory_space<semaphore_mem>>) src(%dma_wait3A_166 : memref<128x32xf32, #tpu.memory_space<vmem>>) dst(%dma_wait3A_172 : memref<10240x32xf32, #tpu.memory_space<vmem_shared>>)
      %lt3A_173 = arith.constant 12 : i32
      %lt3A_174 = arith.cmpi slt, %add3A_96, %lt3A_173 : i32
      %convert_element_type3A_175 = arith.extui %lt3A_174 : i1 to i32
      %cond3A_176 = arith.constant 0 : i32
      %cond3A_177 = arith.cmpi ne, %convert_element_type3A_175, %cond3A_176 : i32
      scf.if %cond3A_177 {
        %add3A_338 = arith.constant 6 : i32
        %add3A_339 = arith.addi %add3A_139, %add3A_338 : i32
        %dma_start3A_340 = arith.constant 1 : i32
        %dma_start3A_341 = arith.constant 0 : i32
        %dma_start3A_342 = arith.constant 0 : i32
        %dma_start3A_343 = tpu.memref_slice %arg9[%dma_start3A_340, %dma_start3A_341, %dma_start3A_342] : memref<6x128x32xf32, #tpu.memory_space<vmem>> -> memref<1x128x32xf32, #tpu.memory_space<vmem>>
        %dma_start3A_344 = tpu.memref_squeeze %dma_start3A_343 : memref<1x128x32xf32, #tpu.memory_space<vmem>> -> memref<128x32xf32, #tpu.memory_space<vmem>>
        %dma_start3A_345 = arith.constant 0 : i32
        %dma_start3A_346 = tpu.memref_slice %arg7[%add3A_339, %dma_start3A_345] : memref<79x128xi32, #tpu.memory_space<vmem>> -> memref<1x128xi32, #tpu.memory_space<vmem>>
        %dma_start3A_347 = tpu.memref_squeeze %dma_start3A_346 : memref<1x128xi32, #tpu.memory_space<vmem>> -> memref<128xi32, #tpu.memory_space<vmem>>
        %dma_start3A_348 = arith.constant 0 : i32
        %dma_start3A_349 = arith.constant 0 : i32
        %dma_start3A_350 = tpu.memref_slice %arg2[%dma_start3A_348, %dma_start3A_349] : memref<10000x32xf32, #tpu.memory_space<hbm>> -> memref<10000x32xf32, #tpu.memory_space<hbm>>
        tpu.enqueue_indirect_dma source(%dma_start3A_350 : memref<10000x32xf32, #tpu.memory_space<hbm>>) target(%dma_start3A_344 : memref<128x32xf32, #tpu.memory_space<vmem>>) offsets(%dma_start3A_347 : memref<128xi32, #tpu.memory_space<vmem>>) semaphore(%arg12 : memref<!tpu.dma_semaphore, #tpu.memory_space<semaphore_mem>>)
      } else {
      }
      %add3A_178 = arith.constant 2 : i32
      %add3A_179 = arith.addi %mul3A_98, %add3A_178 : i32
      %dma_wait3A_180 = arith.constant 2 : i32
      %dma_wait3A_181 = arith.constant 0 : i32
      %dma_wait3A_182 = arith.constant 0 : i32
      %dma_wait3A_183 = tpu.memref_slice %arg9[%dma_wait3A_180, %dma_wait3A_181, %dma_wait3A_182] : memref<6x128x32xf32, #tpu.memory_space<vmem>> -> memref<1x128x32xf32, #tpu.memory_space<vmem>>
      %dma_wait3A_184 = tpu.memref_squeeze %dma_wait3A_183 : memref<1x128x32xf32, #tpu.memory_space<vmem>> -> memref<128x32xf32, #tpu.memory_space<vmem>>
      %dma_wait3A_185 = arith.constant 0 : i32
      %dma_wait3A_186 = tpu.memref_slice %arg7[%add3A_179, %dma_wait3A_185] : memref<79x128xi32, #tpu.memory_space<vmem>> -> memref<1x128xi32, #tpu.memory_space<vmem>>
      %dma_wait3A_187 = tpu.memref_squeeze %dma_wait3A_186 : memref<1x128xi32, #tpu.memory_space<vmem>> -> memref<128xi32, #tpu.memory_space<vmem>>
      %dma_wait3A_188 = arith.constant 0 : i32
      %dma_wait3A_189 = arith.constant 0 : i32
      %dma_wait3A_190 = tpu.memref_slice %arg2[%dma_wait3A_188, %dma_wait3A_189] : memref<10000x32xf32, #tpu.memory_space<hbm>> -> memref<10000x32xf32, #tpu.memory_space<hbm>>
      tpu.wait_indirect_dma semaphore(%arg13 : memref<!tpu.dma_semaphore, #tpu.memory_space<semaphore_mem>>) src(%dma_wait3A_190 : memref<10000x32xf32, #tpu.memory_space<hbm>>) dst(%dma_wait3A_184 : memref<128x32xf32, #tpu.memory_space<vmem>>)
      %dma_start3A_191 = arith.constant 2 : i32
      %dma_start3A_192 = arith.constant 0 : i32
      %dma_start3A_193 = arith.constant 0 : i32
      %dma_start3A_194 = tpu.memref_slice %arg9[%dma_start3A_191, %dma_start3A_192, %dma_start3A_193] : memref<6x128x32xf32, #tpu.memory_space<vmem>> -> memref<1x128x32xf32, #tpu.memory_space<vmem>>
      %dma_start3A_195 = tpu.memref_squeeze %dma_start3A_194 : memref<1x128x32xf32, #tpu.memory_space<vmem>> -> memref<128x32xf32, #tpu.memory_space<vmem>>
      %dma_start3A_196 = arith.constant 0 : i32
      %dma_start3A_197 = tpu.memref_slice %arg8[%add3A_179, %dma_start3A_196] : memref<79x128xi32, #tpu.memory_space<vmem>> -> memref<1x128xi32, #tpu.memory_space<vmem>>
      %dma_start3A_198 = tpu.memref_squeeze %dma_start3A_197 : memref<1x128xi32, #tpu.memory_space<vmem>> -> memref<128xi32, #tpu.memory_space<vmem>>
      %dma_start3A_199 = arith.constant 0 : i32
      %dma_start3A_200 = arith.constant 0 : i32
      %dma_start3A_201 = tpu.memref_slice %arg10[%dma_start3A_199, %dma_start3A_200] : memref<10240x32xf32, #tpu.memory_space<vmem_shared>> -> memref<10240x32xf32, #tpu.memory_space<vmem_shared>>
      tpu.enqueue_indirect_dma source(%dma_start3A_195 : memref<128x32xf32, #tpu.memory_space<vmem>>) target(%dma_start3A_201 : memref<10240x32xf32, #tpu.memory_space<vmem_shared>>) offsets(%dma_start3A_198 : memref<128xi32, #tpu.memory_space<vmem>>) semaphore(%arg19 : memref<!tpu.dma_semaphore, #tpu.memory_space<semaphore_mem>>) {add = true}
      %dma_wait3A_202 = arith.constant 2 : i32
      %dma_wait3A_203 = arith.constant 0 : i32
      %dma_wait3A_204 = arith.constant 0 : i32
      %dma_wait3A_205 = tpu.memref_slice %arg9[%dma_wait3A_202, %dma_wait3A_203, %dma_wait3A_204] : memref<6x128x32xf32, #tpu.memory_space<vmem>> -> memref<1x128x32xf32, #tpu.memory_space<vmem>>
      %dma_wait3A_206 = tpu.memref_squeeze %dma_wait3A_205 : memref<1x128x32xf32, #tpu.memory_space<vmem>> -> memref<128x32xf32, #tpu.memory_space<vmem>>
      %dma_wait3A_207 = arith.constant 0 : i32
      %dma_wait3A_208 = tpu.memref_slice %arg8[%add3A_179, %dma_wait3A_207] : memref<79x128xi32, #tpu.memory_space<vmem>> -> memref<1x128xi32, #tpu.memory_space<vmem>>
      %dma_wait3A_209 = tpu.memref_squeeze %dma_wait3A_208 : memref<1x128xi32, #tpu.memory_space<vmem>> -> memref<128xi32, #tpu.memory_space<vmem>>
      %dma_wait3A_210 = arith.constant 0 : i32
      %dma_wait3A_211 = arith.constant 0 : i32
      %dma_wait3A_212 = tpu.memref_slice %arg10[%dma_wait3A_210, %dma_wait3A_211] : memref<10240x32xf32, #tpu.memory_space<vmem_shared>> -> memref<10240x32xf32, #tpu.memory_space<vmem_shared>>
      tpu.wait_indirect_dma semaphore(%arg19 : memref<!tpu.dma_semaphore, #tpu.memory_space<semaphore_mem>>) src(%dma_wait3A_206 : memref<128x32xf32, #tpu.memory_space<vmem>>) dst(%dma_wait3A_212 : memref<10240x32xf32, #tpu.memory_space<vmem_shared>>)
      %lt3A_213 = arith.constant 12 : i32
      %lt3A_214 = arith.cmpi slt, %add3A_96, %lt3A_213 : i32
      %convert_element_type3A_215 = arith.extui %lt3A_214 : i1 to i32
      %cond3A_216 = arith.constant 0 : i32
      %cond3A_217 = arith.cmpi ne, %convert_element_type3A_215, %cond3A_216 : i32
      scf.if %cond3A_217 {
        %add3A_338 = arith.constant 6 : i32
        %add3A_339 = arith.addi %add3A_179, %add3A_338 : i32
        %dma_start3A_340 = arith.constant 2 : i32
        %dma_start3A_341 = arith.constant 0 : i32
        %dma_start3A_342 = arith.constant 0 : i32
        %dma_start3A_343 = tpu.memref_slice %arg9[%dma_start3A_340, %dma_start3A_341, %dma_start3A_342] : memref<6x128x32xf32, #tpu.memory_space<vmem>> -> memref<1x128x32xf32, #tpu.memory_space<vmem>>
        %dma_start3A_344 = tpu.memref_squeeze %dma_start3A_343 : memref<1x128x32xf32, #tpu.memory_space<vmem>> -> memref<128x32xf32, #tpu.memory_space<vmem>>
        %dma_start3A_345 = arith.constant 0 : i32
        %dma_start3A_346 = tpu.memref_slice %arg7[%add3A_339, %dma_start3A_345] : memref<79x128xi32, #tpu.memory_space<vmem>> -> memref<1x128xi32, #tpu.memory_space<vmem>>
        %dma_start3A_347 = tpu.memref_squeeze %dma_start3A_346 : memref<1x128xi32, #tpu.memory_space<vmem>> -> memref<128xi32, #tpu.memory_space<vmem>>
        %dma_start3A_348 = arith.constant 0 : i32
        %dma_start3A_349 = arith.constant 0 : i32
        %dma_start3A_350 = tpu.memref_slice %arg2[%dma_start3A_348, %dma_start3A_349] : memref<10000x32xf32, #tpu.memory_space<hbm>> -> memref<10000x32xf32, #tpu.memory_space<hbm>>
        tpu.enqueue_indirect_dma source(%dma_start3A_350 : memref<10000x32xf32, #tpu.memory_space<hbm>>) target(%dma_start3A_344 : memref<128x32xf32, #tpu.memory_space<vmem>>) offsets(%dma_start3A_347 : memref<128xi32, #tpu.memory_space<vmem>>) semaphore(%arg13 : memref<!tpu.dma_semaphore, #tpu.memory_space<semaphore_mem>>)
      } else {
      }
      %add3A_218 = arith.constant 3 : i32
      %add3A_219 = arith.addi %mul3A_98, %add3A_218 : i32
      %dma_wait3A_220 = arith.constant 3 : i32
      %dma_wait3A_221 = arith.constant 0 : i32
      %dma_wait3A_222 = arith.constant 0 : i32
      %dma_wait3A_223 = tpu.memref_slice %arg9[%dma_wait3A_220, %dma_wait3A_221, %dma_wait3A_222] : memref<6x128x32xf32, #tpu.memory_space<vmem>> -> memref<1x128x32xf32, #tpu.memory_space<vmem>>
      %dma_wait3A_224 = tpu.memref_squeeze %dma_wait3A_223 : memref<1x128x32xf32, #tpu.memory_space<vmem>> -> memref<128x32xf32, #tpu.memory_space<vmem>>
      %dma_wait3A_225 = arith.constant 0 : i32
      %dma_wait3A_226 = tpu.memref_slice %arg7[%add3A_219, %dma_wait3A_225] : memref<79x128xi32, #tpu.memory_space<vmem>> -> memref<1x128xi32, #tpu.memory_space<vmem>>
      %dma_wait3A_227 = tpu.memref_squeeze %dma_wait3A_226 : memref<1x128xi32, #tpu.memory_space<vmem>> -> memref<128xi32, #tpu.memory_space<vmem>>
      %dma_wait3A_228 = arith.constant 0 : i32
      %dma_wait3A_229 = arith.constant 0 : i32
      %dma_wait3A_230 = tpu.memref_slice %arg2[%dma_wait3A_228, %dma_wait3A_229] : memref<10000x32xf32, #tpu.memory_space<hbm>> -> memref<10000x32xf32, #tpu.memory_space<hbm>>
      tpu.wait_indirect_dma semaphore(%arg14 : memref<!tpu.dma_semaphore, #tpu.memory_space<semaphore_mem>>) src(%dma_wait3A_230 : memref<10000x32xf32, #tpu.memory_space<hbm>>) dst(%dma_wait3A_224 : memref<128x32xf32, #tpu.memory_space<vmem>>)
      %dma_start3A_231 = arith.constant 3 : i32
      %dma_start3A_232 = arith.constant 0 : i32
      %dma_start3A_233 = arith.constant 0 : i32
      %dma_start3A_234 = tpu.memref_slice %arg9[%dma_start3A_231, %dma_start3A_232, %dma_start3A_233] : memref<6x128x32xf32, #tpu.memory_space<vmem>> -> memref<1x128x32xf32, #tpu.memory_space<vmem>>
      %dma_start3A_235 = tpu.memref_squeeze %dma_start3A_234 : memref<1x128x32xf32, #tpu.memory_space<vmem>> -> memref<128x32xf32, #tpu.memory_space<vmem>>
      %dma_start3A_236 = arith.constant 0 : i32
      %dma_start3A_237 = tpu.memref_slice %arg8[%add3A_219, %dma_start3A_236] : memref<79x128xi32, #tpu.memory_space<vmem>> -> memref<1x128xi32, #tpu.memory_space<vmem>>
      %dma_start3A_238 = tpu.memref_squeeze %dma_start3A_237 : memref<1x128xi32, #tpu.memory_space<vmem>> -> memref<128xi32, #tpu.memory_space<vmem>>
      %dma_start3A_239 = arith.constant 0 : i32
      %dma_start3A_240 = arith.constant 0 : i32
      %dma_start3A_241 = tpu.memref_slice %arg10[%dma_start3A_239, %dma_start3A_240] : memref<10240x32xf32, #tpu.memory_space<vmem_shared>> -> memref<10240x32xf32, #tpu.memory_space<vmem_shared>>
      tpu.enqueue_indirect_dma source(%dma_start3A_235 : memref<128x32xf32, #tpu.memory_space<vmem>>) target(%dma_start3A_241 : memref<10240x32xf32, #tpu.memory_space<vmem_shared>>) offsets(%dma_start3A_238 : memref<128xi32, #tpu.memory_space<vmem>>) semaphore(%arg20 : memref<!tpu.dma_semaphore, #tpu.memory_space<semaphore_mem>>) {add = true}
      %dma_wait3A_242 = arith.constant 3 : i32
      %dma_wait3A_243 = arith.constant 0 : i32
      %dma_wait3A_244 = arith.constant 0 : i32
      %dma_wait3A_245 = tpu.memref_slice %arg9[%dma_wait3A_242, %dma_wait3A_243, %dma_wait3A_244] : memref<6x128x32xf32, #tpu.memory_space<vmem>> -> memref<1x128x32xf32, #tpu.memory_space<vmem>>
      %dma_wait3A_246 = tpu.memref_squeeze %dma_wait3A_245 : memref<1x128x32xf32, #tpu.memory_space<vmem>> -> memref<128x32xf32, #tpu.memory_space<vmem>>
      %dma_wait3A_247 = arith.constant 0 : i32
      %dma_wait3A_248 = tpu.memref_slice %arg8[%add3A_219, %dma_wait3A_247] : memref<79x128xi32, #tpu.memory_space<vmem>> -> memref<1x128xi32, #tpu.memory_space<vmem>>
      %dma_wait3A_249 = tpu.memref_squeeze %dma_wait3A_248 : memref<1x128xi32, #tpu.memory_space<vmem>> -> memref<128xi32, #tpu.memory_space<vmem>>
      %dma_wait3A_250 = arith.constant 0 : i32
      %dma_wait3A_251 = arith.constant 0 : i32
      %dma_wait3A_252 = tpu.memref_slice %arg10[%dma_wait3A_250, %dma_wait3A_251] : memref<10240x32xf32, #tpu.memory_space<vmem_shared>> -> memref<10240x32xf32, #tpu.memory_space<vmem_shared>>
      tpu.wait_indirect_dma semaphore(%arg20 : memref<!tpu.dma_semaphore, #tpu.memory_space<semaphore_mem>>) src(%dma_wait3A_246 : memref<128x32xf32, #tpu.memory_space<vmem>>) dst(%dma_wait3A_252 : memref<10240x32xf32, #tpu.memory_space<vmem_shared>>)
      %lt3A_253 = arith.constant 12 : i32
      %lt3A_254 = arith.cmpi slt, %add3A_96, %lt3A_253 : i32
      %convert_element_type3A_255 = arith.extui %lt3A_254 : i1 to i32
      %cond3A_256 = arith.constant 0 : i32
      %cond3A_257 = arith.cmpi ne, %convert_element_type3A_255, %cond3A_256 : i32
      scf.if %cond3A_257 {
        %add3A_338 = arith.constant 6 : i32
        %add3A_339 = arith.addi %add3A_219, %add3A_338 : i32
        %dma_start3A_340 = arith.constant 3 : i32
        %dma_start3A_341 = arith.constant 0 : i32
        %dma_start3A_342 = arith.constant 0 : i32
        %dma_start3A_343 = tpu.memref_slice %arg9[%dma_start3A_340, %dma_start3A_341, %dma_start3A_342] : memref<6x128x32xf32, #tpu.memory_space<vmem>> -> memref<1x128x32xf32, #tpu.memory_space<vmem>>
        %dma_start3A_344 = tpu.memref_squeeze %dma_start3A_343 : memref<1x128x32xf32, #tpu.memory_space<vmem>> -> memref<128x32xf32, #tpu.memory_space<vmem>>
        %dma_start3A_345 = arith.constant 0 : i32
        %dma_start3A_346 = tpu.memref_slice %arg7[%add3A_339, %dma_start3A_345] : memref<79x128xi32, #tpu.memory_space<vmem>> -> memref<1x128xi32, #tpu.memory_space<vmem>>
        %dma_start3A_347 = tpu.memref_squeeze %dma_start3A_346 : memref<1x128xi32, #tpu.memory_space<vmem>> -> memref<128xi32, #tpu.memory_space<vmem>>
        %dma_start3A_348 = arith.constant 0 : i32
        %dma_start3A_349 = arith.constant 0 : i32
        %dma_start3A_350 = tpu.memref_slice %arg2[%dma_start3A_348, %dma_start3A_349] : memref<10000x32xf32, #tpu.memory_space<hbm>> -> memref<10000x32xf32, #tpu.memory_space<hbm>>
        tpu.enqueue_indirect_dma source(%dma_start3A_350 : memref<10000x32xf32, #tpu.memory_space<hbm>>) target(%dma_start3A_344 : memref<128x32xf32, #tpu.memory_space<vmem>>) offsets(%dma_start3A_347 : memref<128xi32, #tpu.memory_space<vmem>>) semaphore(%arg14 : memref<!tpu.dma_semaphore, #tpu.memory_space<semaphore_mem>>)
      } else {
      }
      %add3A_258 = arith.constant 4 : i32
      %add3A_259 = arith.addi %mul3A_98, %add3A_258 : i32
      %dma_wait3A_260 = arith.constant 4 : i32
      %dma_wait3A_261 = arith.constant 0 : i32
      %dma_wait3A_262 = arith.constant 0 : i32
      %dma_wait3A_263 = tpu.memref_slice %arg9[%dma_wait3A_260, %dma_wait3A_261, %dma_wait3A_262] : memref<6x128x32xf32, #tpu.memory_space<vmem>> -> memref<1x128x32xf32, #tpu.memory_space<vmem>>
      %dma_wait3A_264 = tpu.memref_squeeze %dma_wait3A_263 : memref<1x128x32xf32, #tpu.memory_space<vmem>> -> memref<128x32xf32, #tpu.memory_space<vmem>>
      %dma_wait3A_265 = arith.constant 0 : i32
      %dma_wait3A_266 = tpu.memref_slice %arg7[%add3A_259, %dma_wait3A_265] : memref<79x128xi32, #tpu.memory_space<vmem>> -> memref<1x128xi32, #tpu.memory_space<vmem>>
      %dma_wait3A_267 = tpu.memref_squeeze %dma_wait3A_266 : memref<1x128xi32, #tpu.memory_space<vmem>> -> memref<128xi32, #tpu.memory_space<vmem>>
      %dma_wait3A_268 = arith.constant 0 : i32
      %dma_wait3A_269 = arith.constant 0 : i32
      %dma_wait3A_270 = tpu.memref_slice %arg2[%dma_wait3A_268, %dma_wait3A_269] : memref<10000x32xf32, #tpu.memory_space<hbm>> -> memref<10000x32xf32, #tpu.memory_space<hbm>>
      tpu.wait_indirect_dma semaphore(%arg15 : memref<!tpu.dma_semaphore, #tpu.memory_space<semaphore_mem>>) src(%dma_wait3A_270 : memref<10000x32xf32, #tpu.memory_space<hbm>>) dst(%dma_wait3A_264 : memref<128x32xf32, #tpu.memory_space<vmem>>)
      %dma_start3A_271 = arith.constant 4 : i32
      %dma_start3A_272 = arith.constant 0 : i32
      %dma_start3A_273 = arith.constant 0 : i32
      %dma_start3A_274 = tpu.memref_slice %arg9[%dma_start3A_271, %dma_start3A_272, %dma_start3A_273] : memref<6x128x32xf32, #tpu.memory_space<vmem>> -> memref<1x128x32xf32, #tpu.memory_space<vmem>>
      %dma_start3A_275 = tpu.memref_squeeze %dma_start3A_274 : memref<1x128x32xf32, #tpu.memory_space<vmem>> -> memref<128x32xf32, #tpu.memory_space<vmem>>
      %dma_start3A_276 = arith.constant 0 : i32
      %dma_start3A_277 = tpu.memref_slice %arg8[%add3A_259, %dma_start3A_276] : memref<79x128xi32, #tpu.memory_space<vmem>> -> memref<1x128xi32, #tpu.memory_space<vmem>>
      %dma_start3A_278 = tpu.memref_squeeze %dma_start3A_277 : memref<1x128xi32, #tpu.memory_space<vmem>> -> memref<128xi32, #tpu.memory_space<vmem>>
      %dma_start3A_279 = arith.constant 0 : i32
      %dma_start3A_280 = arith.constant 0 : i32
      %dma_start3A_281 = tpu.memref_slice %arg10[%dma_start3A_279, %dma_start3A_280] : memref<10240x32xf32, #tpu.memory_space<vmem_shared>> -> memref<10240x32xf32, #tpu.memory_space<vmem_shared>>
      tpu.enqueue_indirect_dma source(%dma_start3A_275 : memref<128x32xf32, #tpu.memory_space<vmem>>) target(%dma_start3A_281 : memref<10240x32xf32, #tpu.memory_space<vmem_shared>>) offsets(%dma_start3A_278 : memref<128xi32, #tpu.memory_space<vmem>>) semaphore(%arg21 : memref<!tpu.dma_semaphore, #tpu.memory_space<semaphore_mem>>) {add = true}
      %dma_wait3A_282 = arith.constant 4 : i32
      %dma_wait3A_283 = arith.constant 0 : i32
      %dma_wait3A_284 = arith.constant 0 : i32
      %dma_wait3A_285 = tpu.memref_slice %arg9[%dma_wait3A_282, %dma_wait3A_283, %dma_wait3A_284] : memref<6x128x32xf32, #tpu.memory_space<vmem>> -> memref<1x128x32xf32, #tpu.memory_space<vmem>>
      %dma_wait3A_286 = tpu.memref_squeeze %dma_wait3A_285 : memref<1x128x32xf32, #tpu.memory_space<vmem>> -> memref<128x32xf32, #tpu.memory_space<vmem>>
      %dma_wait3A_287 = arith.constant 0 : i32
      %dma_wait3A_288 = tpu.memref_slice %arg8[%add3A_259, %dma_wait3A_287] : memref<79x128xi32, #tpu.memory_space<vmem>> -> memref<1x128xi32, #tpu.memory_space<vmem>>
      %dma_wait3A_289 = tpu.memref_squeeze %dma_wait3A_288 : memref<1x128xi32, #tpu.memory_space<vmem>> -> memref<128xi32, #tpu.memory_space<vmem>>
      %dma_wait3A_290 = arith.constant 0 : i32
      %dma_wait3A_291 = arith.constant 0 : i32
      %dma_wait3A_292 = tpu.memref_slice %arg10[%dma_wait3A_290, %dma_wait3A_291] : memref<10240x32xf32, #tpu.memory_space<vmem_shared>> -> memref<10240x32xf32, #tpu.memory_space<vmem_shared>>
      tpu.wait_indirect_dma semaphore(%arg21 : memref<!tpu.dma_semaphore, #tpu.memory_space<semaphore_mem>>) src(%dma_wait3A_286 : memref<128x32xf32, #tpu.memory_space<vmem>>) dst(%dma_wait3A_292 : memref<10240x32xf32, #tpu.memory_space<vmem_shared>>)
      %lt3A_293 = arith.constant 12 : i32
      %lt3A_294 = arith.cmpi slt, %add3A_96, %lt3A_293 : i32
      %convert_element_type3A_295 = arith.extui %lt3A_294 : i1 to i32
      %cond3A_296 = arith.constant 0 : i32
      %cond3A_297 = arith.cmpi ne, %convert_element_type3A_295, %cond3A_296 : i32
      scf.if %cond3A_297 {
        %add3A_338 = arith.constant 6 : i32
        %add3A_339 = arith.addi %add3A_259, %add3A_338 : i32
        %dma_start3A_340 = arith.constant 4 : i32
        %dma_start3A_341 = arith.constant 0 : i32
        %dma_start3A_342 = arith.constant 0 : i32
        %dma_start3A_343 = tpu.memref_slice %arg9[%dma_start3A_340, %dma_start3A_341, %dma_start3A_342] : memref<6x128x32xf32, #tpu.memory_space<vmem>> -> memref<1x128x32xf32, #tpu.memory_space<vmem>>
        %dma_start3A_344 = tpu.memref_squeeze %dma_start3A_343 : memref<1x128x32xf32, #tpu.memory_space<vmem>> -> memref<128x32xf32, #tpu.memory_space<vmem>>
        %dma_start3A_345 = arith.constant 0 : i32
        %dma_start3A_346 = tpu.memref_slice %arg7[%add3A_339, %dma_start3A_345] : memref<79x128xi32, #tpu.memory_space<vmem>> -> memref<1x128xi32, #tpu.memory_space<vmem>>
        %dma_start3A_347 = tpu.memref_squeeze %dma_start3A_346 : memref<1x128xi32, #tpu.memory_space<vmem>> -> memref<128xi32, #tpu.memory_space<vmem>>
        %dma_start3A_348 = arith.constant 0 : i32
        %dma_start3A_349 = arith.constant 0 : i32
        %dma_start3A_350 = tpu.memref_slice %arg2[%dma_start3A_348, %dma_start3A_349] : memref<10000x32xf32, #tpu.memory_space<hbm>> -> memref<10000x32xf32, #tpu.memory_space<hbm>>
        tpu.enqueue_indirect_dma source(%dma_start3A_350 : memref<10000x32xf32, #tpu.memory_space<hbm>>) target(%dma_start3A_344 : memref<128x32xf32, #tpu.memory_space<vmem>>) offsets(%dma_start3A_347 : memref<128xi32, #tpu.memory_space<vmem>>) semaphore(%arg15 : memref<!tpu.dma_semaphore, #tpu.memory_space<semaphore_mem>>)
      } else {
      }
      %add3A_298 = arith.constant 5 : i32
      %add3A_299 = arith.addi %mul3A_98, %add3A_298 : i32
      %dma_wait3A_300 = arith.constant 5 : i32
      %dma_wait3A_301 = arith.constant 0 : i32
      %dma_wait3A_302 = arith.constant 0 : i32
      %dma_wait3A_303 = tpu.memref_slice %arg9[%dma_wait3A_300, %dma_wait3A_301, %dma_wait3A_302] : memref<6x128x32xf32, #tpu.memory_space<vmem>> -> memref<1x128x32xf32, #tpu.memory_space<vmem>>
      %dma_wait3A_304 = tpu.memref_squeeze %dma_wait3A_303 : memref<1x128x32xf32, #tpu.memory_space<vmem>> -> memref<128x32xf32, #tpu.memory_space<vmem>>
      %dma_wait3A_305 = arith.constant 0 : i32
      %dma_wait3A_306 = tpu.memref_slice %arg7[%add3A_299, %dma_wait3A_305] : memref<79x128xi32, #tpu.memory_space<vmem>> -> memref<1x128xi32, #tpu.memory_space<vmem>>
      %dma_wait3A_307 = tpu.memref_squeeze %dma_wait3A_306 : memref<1x128xi32, #tpu.memory_space<vmem>> -> memref<128xi32, #tpu.memory_space<vmem>>
      %dma_wait3A_308 = arith.constant 0 : i32
      %dma_wait3A_309 = arith.constant 0 : i32
      %dma_wait3A_310 = tpu.memref_slice %arg2[%dma_wait3A_308, %dma_wait3A_309] : memref<10000x32xf32, #tpu.memory_space<hbm>> -> memref<10000x32xf32, #tpu.memory_space<hbm>>
      tpu.wait_indirect_dma semaphore(%arg16 : memref<!tpu.dma_semaphore, #tpu.memory_space<semaphore_mem>>) src(%dma_wait3A_310 : memref<10000x32xf32, #tpu.memory_space<hbm>>) dst(%dma_wait3A_304 : memref<128x32xf32, #tpu.memory_space<vmem>>)
      %dma_start3A_311 = arith.constant 5 : i32
      %dma_start3A_312 = arith.constant 0 : i32
      %dma_start3A_313 = arith.constant 0 : i32
      %dma_start3A_314 = tpu.memref_slice %arg9[%dma_start3A_311, %dma_start3A_312, %dma_start3A_313] : memref<6x128x32xf32, #tpu.memory_space<vmem>> -> memref<1x128x32xf32, #tpu.memory_space<vmem>>
      %dma_start3A_315 = tpu.memref_squeeze %dma_start3A_314 : memref<1x128x32xf32, #tpu.memory_space<vmem>> -> memref<128x32xf32, #tpu.memory_space<vmem>>
      %dma_start3A_316 = arith.constant 0 : i32
      %dma_start3A_317 = tpu.memref_slice %arg8[%add3A_299, %dma_start3A_316] : memref<79x128xi32, #tpu.memory_space<vmem>> -> memref<1x128xi32, #tpu.memory_space<vmem>>
      %dma_start3A_318 = tpu.memref_squeeze %dma_start3A_317 : memref<1x128xi32, #tpu.memory_space<vmem>> -> memref<128xi32, #tpu.memory_space<vmem>>
      %dma_start3A_319 = arith.constant 0 : i32
      %dma_start3A_320 = arith.constant 0 : i32
      %dma_start3A_321 = tpu.memref_slice %arg10[%dma_start3A_319, %dma_start3A_320] : memref<10240x32xf32, #tpu.memory_space<vmem_shared>> -> memref<10240x32xf32, #tpu.memory_space<vmem_shared>>
      tpu.enqueue_indirect_dma source(%dma_start3A_315 : memref<128x32xf32, #tpu.memory_space<vmem>>) target(%dma_start3A_321 : memref<10240x32xf32, #tpu.memory_space<vmem_shared>>) offsets(%dma_start3A_318 : memref<128xi32, #tpu.memory_space<vmem>>) semaphore(%arg22 : memref<!tpu.dma_semaphore, #tpu.memory_space<semaphore_mem>>) {add = true}
      %dma_wait3A_322 = arith.constant 5 : i32
      %dma_wait3A_323 = arith.constant 0 : i32
      %dma_wait3A_324 = arith.constant 0 : i32
      %dma_wait3A_325 = tpu.memref_slice %arg9[%dma_wait3A_322, %dma_wait3A_323, %dma_wait3A_324] : memref<6x128x32xf32, #tpu.memory_space<vmem>> -> memref<1x128x32xf32, #tpu.memory_space<vmem>>
      %dma_wait3A_326 = tpu.memref_squeeze %dma_wait3A_325 : memref<1x128x32xf32, #tpu.memory_space<vmem>> -> memref<128x32xf32, #tpu.memory_space<vmem>>
      %dma_wait3A_327 = arith.constant 0 : i32
      %dma_wait3A_328 = tpu.memref_slice %arg8[%add3A_299, %dma_wait3A_327] : memref<79x128xi32, #tpu.memory_space<vmem>> -> memref<1x128xi32, #tpu.memory_space<vmem>>
      %dma_wait3A_329 = tpu.memref_squeeze %dma_wait3A_328 : memref<1x128xi32, #tpu.memory_space<vmem>> -> memref<128xi32, #tpu.memory_space<vmem>>
      %dma_wait3A_330 = arith.constant 0 : i32
      %dma_wait3A_331 = arith.constant 0 : i32
      %dma_wait3A_332 = tpu.memref_slice %arg10[%dma_wait3A_330, %dma_wait3A_331] : memref<10240x32xf32, #tpu.memory_space<vmem_shared>> -> memref<10240x32xf32, #tpu.memory_space<vmem_shared>>
      tpu.wait_indirect_dma semaphore(%arg22 : memref<!tpu.dma_semaphore, #tpu.memory_space<semaphore_mem>>) src(%dma_wait3A_326 : memref<128x32xf32, #tpu.memory_space<vmem>>) dst(%dma_wait3A_332 : memref<10240x32xf32, #tpu.memory_space<vmem_shared>>)
      %lt3A_333 = arith.constant 12 : i32
      %lt3A_334 = arith.cmpi slt, %add3A_96, %lt3A_333 : i32
      %convert_element_type3A_335 = arith.extui %lt3A_334 : i1 to i32
      %cond3A_336 = arith.constant 0 : i32
      %cond3A_337 = arith.cmpi ne, %convert_element_type3A_335, %cond3A_336 : i32
      scf.if %cond3A_337 {
        %add3A_338 = arith.constant 6 : i32
        %add3A_339 = arith.addi %add3A_299, %add3A_338 : i32
        %dma_start3A_340 = arith.constant 5 : i32
        %dma_start3A_341 = arith.constant 0 : i32
        %dma_start3A_342 = arith.constant 0 : i32
        %dma_start3A_343 = tpu.memref_slice %arg9[%dma_start3A_340, %dma_start3A_341, %dma_start3A_342] : memref<6x128x32xf32, #tpu.memory_space<vmem>> -> memref<1x128x32xf32, #tpu.memory_space<vmem>>
        %dma_start3A_344 = tpu.memref_squeeze %dma_start3A_343 : memref<1x128x32xf32, #tpu.memory_space<vmem>> -> memref<128x32xf32, #tpu.memory_space<vmem>>
        %dma_start3A_345 = arith.constant 0 : i32
        %dma_start3A_346 = tpu.memref_slice %arg7[%add3A_339, %dma_start3A_345] : memref<79x128xi32, #tpu.memory_space<vmem>> -> memref<1x128xi32, #tpu.memory_space<vmem>>
        %dma_start3A_347 = tpu.memref_squeeze %dma_start3A_346 : memref<1x128xi32, #tpu.memory_space<vmem>> -> memref<128xi32, #tpu.memory_space<vmem>>
        %dma_start3A_348 = arith.constant 0 : i32
        %dma_start3A_349 = arith.constant 0 : i32
        %dma_start3A_350 = tpu.memref_slice %arg2[%dma_start3A_348, %dma_start3A_349] : memref<10000x32xf32, #tpu.memory_space<hbm>> -> memref<10000x32xf32, #tpu.memory_space<hbm>>
        tpu.enqueue_indirect_dma source(%dma_start3A_350 : memref<10000x32xf32, #tpu.memory_space<hbm>>) target(%dma_start3A_344 : memref<128x32xf32, #tpu.memory_space<vmem>>) offsets(%dma_start3A_347 : memref<128xi32, #tpu.memory_space<vmem>>) semaphore(%arg16 : memref<!tpu.dma_semaphore, #tpu.memory_space<semaphore_mem>>)
      } else {
      }
    }
    %scan3A_84 = arith.constant 13 : i32
    %lt3A = arith.constant 4 : i32
    %lt3A_85 = arith.cmpi slt, %add3A, %lt3A : i32
    %convert_element_type3A = arith.extui %lt3A_85 : i1 to i32
    %cond3A = arith.constant 0 : i32
    %cond3A_86 = arith.cmpi ne, %convert_element_type3A, %cond3A : i32
    scf.if %cond3A_86 {
      %add3A_92 = arith.constant 78 : i32
      %add3A_93 = arith.addi %add3A_8, %add3A_92 : i32
      %run_scoped3A_94 = arith.constant 0 : i32
      "tpu.region"() ({
        %run_scoped3A_123 = tpu.sem_alloc : memref<!tpu.dma_semaphore, #tpu.memory_space<semaphore_mem>>
        %dma_start3A_124 = arith.constant 78 : i32
        %dma_start3A_125 = arith.constant 0 : i32
        %dma_start3A_126 = tpu.memref_slice %arg7[%dma_start3A_124, %dma_start3A_125] : memref<79x128xi32, #tpu.memory_space<vmem>> -> memref<1x128xi32, #tpu.memory_space<vmem>>
        %dma_start3A_127 = arith.constant 0 : i32
        %dma_start3A_128 = tpu.memref_slice %arg3[%run_scoped3A_94, %add3A_93, %dma_start3A_127] : memref<2x2500x128xi32, #tpu.memory_space<hbm>> -> memref<1x1x128xi32, #tpu.memory_space<hbm>>
        %dma_start3A_129 = tpu.memref_squeeze %dma_start3A_128 : memref<1x1x128xi32, #tpu.memory_space<hbm>> -> memref<1x128xi32, #tpu.memory_space<hbm>>
        %dma_start3A_130 = arith.constant 78 : i32
        %dma_start3A_131 = arith.constant 0 : i32
        %dma_start3A_132 = tpu.memref_slice %arg7[%dma_start3A_130, %dma_start3A_131] : memref<79x128xi32, #tpu.memory_space<vmem>> -> memref<1x128xi32, #tpu.memory_space<vmem>>
        %dma_start3A_133 = arith.constant 0 : i32
        %dma_start3A_134 = tpu.memref_slice %arg3[%run_scoped3A_94, %add3A_93, %dma_start3A_133] : memref<2x2500x128xi32, #tpu.memory_space<hbm>> -> memref<1x1x128xi32, #tpu.memory_space<hbm>>
        %dma_start3A_135 = tpu.memref_squeeze %dma_start3A_134 : memref<1x1x128xi32, #tpu.memory_space<hbm>> -> memref<1x128xi32, #tpu.memory_space<hbm>>
        tpu.enqueue_dma source(%dma_start3A_135 : memref<1x128xi32, #tpu.memory_space<hbm>>) target(%dma_start3A_132 : memref<1x128xi32, #tpu.memory_space<vmem>>) target_semaphore(%run_scoped3A_123 : memref<!tpu.dma_semaphore, #tpu.memory_space<semaphore_mem>>)
        %dma_wait3A_136 = arith.constant 78 : i32
        %dma_wait3A_137 = arith.constant 0 : i32
        %dma_wait3A_138 = tpu.memref_slice %arg7[%dma_wait3A_136, %dma_wait3A_137] : memref<79x128xi32, #tpu.memory_space<vmem>> -> memref<1x128xi32, #tpu.memory_space<vmem>>
        %dma_wait3A_139 = arith.constant 0 : i32
        %dma_wait3A_140 = tpu.memref_slice %arg3[%run_scoped3A_94, %add3A_93, %dma_wait3A_139] : memref<2x2500x128xi32, #tpu.memory_space<hbm>> -> memref<1x1x128xi32, #tpu.memory_space<hbm>>
        %dma_wait3A_141 = tpu.memref_squeeze %dma_wait3A_140 : memref<1x1x128xi32, #tpu.memory_space<hbm>> -> memref<1x128xi32, #tpu.memory_space<hbm>>
        %dma_wait3A_142 = arith.constant 78 : i32
        %dma_wait3A_143 = arith.constant 0 : i32
        %dma_wait3A_144 = tpu.memref_slice %arg7[%dma_wait3A_142, %dma_wait3A_143] : memref<79x128xi32, #tpu.memory_space<vmem>> -> memref<1x128xi32, #tpu.memory_space<vmem>>
        %dma_wait3A_145 = arith.constant 0 : i32
        %dma_wait3A_146 = tpu.memref_slice %arg3[%run_scoped3A_94, %add3A_93, %dma_wait3A_145] : memref<2x2500x128xi32, #tpu.memory_space<hbm>> -> memref<1x1x128xi32, #tpu.memory_space<hbm>>
        %dma_wait3A_147 = tpu.memref_squeeze %dma_wait3A_146 : memref<1x1x128xi32, #tpu.memory_space<hbm>> -> memref<1x128xi32, #tpu.memory_space<hbm>>
        tpu.wait_dma2 semaphore(%run_scoped3A_123 : memref<!tpu.dma_semaphore, #tpu.memory_space<semaphore_mem>>) src(%dma_wait3A_147 : memref<1x128xi32, #tpu.memory_space<hbm>>) dst(%dma_wait3A_144 : memref<1x128xi32, #tpu.memory_space<vmem>>)
        tpu.yield
      }) : () -> ()
      %add3A_95 = arith.constant 78 : i32
      %add3A_96 = arith.addi %add3A_8, %add3A_95 : i32
      %run_scoped3A_97 = arith.constant 1 : i32
      "tpu.region"() ({
        %run_scoped3A_123 = tpu.sem_alloc : memref<!tpu.dma_semaphore, #tpu.memory_space<semaphore_mem>>
        %dma_start3A_124 = arith.constant 78 : i32
        %dma_start3A_125 = arith.constant 0 : i32
        %dma_start3A_126 = tpu.memref_slice %arg8[%dma_start3A_124, %dma_start3A_125] : memref<79x128xi32, #tpu.memory_space<vmem>> -> memref<1x128xi32, #tpu.memory_space<vmem>>
        %dma_start3A_127 = arith.constant 0 : i32
        %dma_start3A_128 = tpu.memref_slice %arg3[%run_scoped3A_97, %add3A_96, %dma_start3A_127] : memref<2x2500x128xi32, #tpu.memory_space<hbm>> -> memref<1x1x128xi32, #tpu.memory_space<hbm>>
        %dma_start3A_129 = tpu.memref_squeeze %dma_start3A_128 : memref<1x1x128xi32, #tpu.memory_space<hbm>> -> memref<1x128xi32, #tpu.memory_space<hbm>>
        %dma_start3A_130 = arith.constant 78 : i32
        %dma_start3A_131 = arith.constant 0 : i32
        %dma_start3A_132 = tpu.memref_slice %arg8[%dma_start3A_130, %dma_start3A_131] : memref<79x128xi32, #tpu.memory_space<vmem>> -> memref<1x128xi32, #tpu.memory_space<vmem>>
        %dma_start3A_133 = arith.constant 0 : i32
        %dma_start3A_134 = tpu.memref_slice %arg3[%run_scoped3A_97, %add3A_96, %dma_start3A_133] : memref<2x2500x128xi32, #tpu.memory_space<hbm>> -> memref<1x1x128xi32, #tpu.memory_space<hbm>>
        %dma_start3A_135 = tpu.memref_squeeze %dma_start3A_134 : memref<1x1x128xi32, #tpu.memory_space<hbm>> -> memref<1x128xi32, #tpu.memory_space<hbm>>
        tpu.enqueue_dma source(%dma_start3A_135 : memref<1x128xi32, #tpu.memory_space<hbm>>) target(%dma_start3A_132 : memref<1x128xi32, #tpu.memory_space<vmem>>) target_semaphore(%run_scoped3A_123 : memref<!tpu.dma_semaphore, #tpu.memory_space<semaphore_mem>>)
        %dma_wait3A_136 = arith.constant 78 : i32
        %dma_wait3A_137 = arith.constant 0 : i32
        %dma_wait3A_138 = tpu.memref_slice %arg8[%dma_wait3A_136, %dma_wait3A_137] : memref<79x128xi32, #tpu.memory_space<vmem>> -> memref<1x128xi32, #tpu.memory_space<vmem>>
        %dma_wait3A_139 = arith.constant 0 : i32
        %dma_wait3A_140 = tpu.memref_slice %arg3[%run_scoped3A_97, %add3A_96, %dma_wait3A_139] : memref<2x2500x128xi32, #tpu.memory_space<hbm>> -> memref<1x1x128xi32, #tpu.memory_space<hbm>>
        %dma_wait3A_141 = tpu.memref_squeeze %dma_wait3A_140 : memref<1x1x128xi32, #tpu.memory_space<hbm>> -> memref<1x128xi32, #tpu.memory_space<hbm>>
        %dma_wait3A_142 = arith.constant 78 : i32
        %dma_wait3A_143 = arith.constant 0 : i32
        %dma_wait3A_144 = tpu.memref_slice %arg8[%dma_wait3A_142, %dma_wait3A_143] : memref<79x128xi32, #tpu.memory_space<vmem>> -> memref<1x128xi32, #tpu.memory_space<vmem>>
        %dma_wait3A_145 = arith.constant 0 : i32
        %dma_wait3A_146 = tpu.memref_slice %arg3[%run_scoped3A_97, %add3A_96, %dma_wait3A_145] : memref<2x2500x128xi32, #tpu.memory_space<hbm>> -> memref<1x1x128xi32, #tpu.memory_space<hbm>>
        %dma_wait3A_147 = tpu.memref_squeeze %dma_wait3A_146 : memref<1x1x128xi32, #tpu.memory_space<hbm>> -> memref<1x128xi32, #tpu.memory_space<hbm>>
        tpu.wait_dma2 semaphore(%run_scoped3A_123 : memref<!tpu.dma_semaphore, #tpu.memory_space<semaphore_mem>>) src(%dma_wait3A_147 : memref<1x128xi32, #tpu.memory_space<hbm>>) dst(%dma_wait3A_144 : memref<1x128xi32, #tpu.memory_space<vmem>>)
        tpu.yield
      }) : () -> ()
      %dma_start3A_98 = arith.constant 78 : i32
      %dma_start3A_99 = arith.constant 0 : i32
      %dma_start3A_100 = arith.constant 0 : i32
      %dma_start3A_101 = arith.constant 0 : i32
      %dma_start3A_102 = tpu.memref_slice %arg9[%dma_start3A_99, %dma_start3A_100, %dma_start3A_101] : memref<6x128x32xf32, #tpu.memory_space<vmem>> -> memref<1x128x32xf32, #tpu.memory_space<vmem>>
      %dma_start3A_103 = tpu.memref_squeeze %dma_start3A_102 : memref<1x128x32xf32, #tpu.memory_space<vmem>> -> memref<128x32xf32, #tpu.memory_space<vmem>>
      %dma_start3A_104 = arith.constant 0 : i32
      %dma_start3A_105 = tpu.memref_slice %arg7[%dma_start3A_98, %dma_start3A_104] : memref<79x128xi32, #tpu.memory_space<vmem>> -> memref<1x128xi32, #tpu.memory_space<vmem>>
      %dma_start3A_106 = tpu.memref_squeeze %dma_start3A_105 : memref<1x128xi32, #tpu.memory_space<vmem>> -> memref<128xi32, #tpu.memory_space<vmem>>
      %dma_start3A_107 = arith.constant 0 : i32
      %dma_start3A_108 = arith.constant 0 : i32
      %dma_start3A_109 = tpu.memref_slice %arg2[%dma_start3A_107, %dma_start3A_108] : memref<10000x32xf32, #tpu.memory_space<hbm>> -> memref<10000x32xf32, #tpu.memory_space<hbm>>
      tpu.enqueue_indirect_dma source(%dma_start3A_109 : memref<10000x32xf32, #tpu.memory_space<hbm>>) target(%dma_start3A_103 : memref<128x32xf32, #tpu.memory_space<vmem>>) offsets(%dma_start3A_106 : memref<128xi32, #tpu.memory_space<vmem>>) semaphore(%arg11 : memref<!tpu.dma_semaphore, #tpu.memory_space<semaphore_mem>>)
      %dma_wait3A = arith.constant 78 : i32
      %dma_wait3A_110 = arith.constant 0 : i32
      %dma_wait3A_111 = arith.constant 0 : i32
      %dma_wait3A_112 = arith.constant 0 : i32
      %dma_wait3A_113 = tpu.memref_slice %arg9[%dma_wait3A_110, %dma_wait3A_111, %dma_wait3A_112] : memref<6x128x32xf32, #tpu.memory_space<vmem>> -> memref<1x128x32xf32, #tpu.memory_space<vmem>>
      %dma_wait3A_114 = tpu.memref_squeeze %dma_wait3A_113 : memref<1x128x32xf32, #tpu.memory_space<vmem>> -> memref<128x32xf32, #tpu.memory_space<vmem>>
      %dma_wait3A_115 = arith.constant 0 : i32
      %dma_wait3A_116 = tpu.memref_slice %arg7[%dma_wait3A, %dma_wait3A_115] : memref<79x128xi32, #tpu.memory_space<vmem>> -> memref<1x128xi32, #tpu.memory_space<vmem>>
      %dma_wait3A_117 = tpu.memref_squeeze %dma_wait3A_116 : memref<1x128xi32, #tpu.memory_space<vmem>> -> memref<128xi32, #tpu.memory_space<vmem>>
      %dma_wait3A_118 = arith.constant 0 : i32
      %dma_wait3A_119 = arith.constant 0 : i32
      %dma_wait3A_120 = tpu.memref_slice %arg2[%dma_wait3A_118, %dma_wait3A_119] : memref<10000x32xf32, #tpu.memory_space<hbm>> -> memref<10000x32xf32, #tpu.memory_space<hbm>>
      tpu.wait_indirect_dma semaphore(%arg11 : memref<!tpu.dma_semaphore, #tpu.memory_space<semaphore_mem>>) src(%dma_wait3A_120 : memref<10000x32xf32, #tpu.memory_space<hbm>>) dst(%dma_wait3A_114 : memref<128x32xf32, #tpu.memory_space<vmem>>)
      %run_scoped3A_121 = arith.constant 0 : i32
      %run_scoped3A_122 = arith.constant 78 : i32
      "tpu.region"() ({
        %run_scoped3A_123 = tpu.sem_alloc : memref<!tpu.dma_semaphore, #tpu.memory_space<semaphore_mem>>
        %dma_start3A_124 = arith.constant 0 : i32
        %dma_start3A_125 = arith.constant 0 : i32
        %dma_start3A_126 = tpu.memref_slice %arg9[%run_scoped3A_121, %dma_start3A_124, %dma_start3A_125] : memref<6x128x32xf32, #tpu.memory_space<vmem>> -> memref<1x128x32xf32, #tpu.memory_space<vmem>>
        %dma_start3A_127 = tpu.memref_squeeze %dma_start3A_126 : memref<1x128x32xf32, #tpu.memory_space<vmem>> -> memref<128x32xf32, #tpu.memory_space<vmem>>
        %dma_start3A_128 = arith.constant 0 : i32
        %dma_start3A_129 = tpu.memref_slice %arg8[%run_scoped3A_122, %dma_start3A_128] : memref<79x128xi32, #tpu.memory_space<vmem>> -> memref<1x128xi32, #tpu.memory_space<vmem>>
        %dma_start3A_130 = tpu.memref_squeeze %dma_start3A_129 : memref<1x128xi32, #tpu.memory_space<vmem>> -> memref<128xi32, #tpu.memory_space<vmem>>
        %dma_start3A_131 = arith.constant 0 : i32
        %dma_start3A_132 = arith.constant 0 : i32
        %dma_start3A_133 = tpu.memref_slice %arg10[%dma_start3A_131, %dma_start3A_132] : memref<10240x32xf32, #tpu.memory_space<vmem_shared>> -> memref<10240x32xf32, #tpu.memory_space<vmem_shared>>
        tpu.enqueue_indirect_dma source(%dma_start3A_127 : memref<128x32xf32, #tpu.memory_space<vmem>>) target(%dma_start3A_133 : memref<10240x32xf32, #tpu.memory_space<vmem_shared>>) offsets(%dma_start3A_130 : memref<128xi32, #tpu.memory_space<vmem>>) semaphore(%run_scoped3A_123 : memref<!tpu.dma_semaphore, #tpu.memory_space<semaphore_mem>>) {add = true}
        %dma_wait3A_134 = arith.constant 0 : i32
        %dma_wait3A_135 = arith.constant 0 : i32
        %dma_wait3A_136 = tpu.memref_slice %arg9[%run_scoped3A_121, %dma_wait3A_134, %dma_wait3A_135] : memref<6x128x32xf32, #tpu.memory_space<vmem>> -> memref<1x128x32xf32, #tpu.memory_space<vmem>>
        %dma_wait3A_137 = tpu.memref_squeeze %dma_wait3A_136 : memref<1x128x32xf32, #tpu.memory_space<vmem>> -> memref<128x32xf32, #tpu.memory_space<vmem>>
        %dma_wait3A_138 = arith.constant 0 : i32
        %dma_wait3A_139 = tpu.memref_slice %arg8[%run_scoped3A_122, %dma_wait3A_138] : memref<79x128xi32, #tpu.memory_space<vmem>> -> memref<1x128xi32, #tpu.memory_space<vmem>>
        %dma_wait3A_140 = tpu.memref_squeeze %dma_wait3A_139 : memref<1x128xi32, #tpu.memory_space<vmem>> -> memref<128xi32, #tpu.memory_space<vmem>>
        %dma_wait3A_141 = arith.constant 0 : i32
        %dma_wait3A_142 = arith.constant 0 : i32
        %dma_wait3A_143 = tpu.memref_slice %arg10[%dma_wait3A_141, %dma_wait3A_142] : memref<10240x32xf32, #tpu.memory_space<vmem_shared>> -> memref<10240x32xf32, #tpu.memory_space<vmem_shared>>
        tpu.wait_indirect_dma semaphore(%run_scoped3A_123 : memref<!tpu.dma_semaphore, #tpu.memory_space<semaphore_mem>>) src(%dma_wait3A_137 : memref<128x32xf32, #tpu.memory_space<vmem>>) dst(%dma_wait3A_143 : memref<10240x32xf32, #tpu.memory_space<vmem_shared>>)
        tpu.yield
      }) : () -> ()
    } else {
    }
    %barrier3A_87 = arith.constant 0 : index
    tpu.barrier barrier_id(%barrier3A_87)
    %mul3A_88 = arith.constant 640 : i32
    %mul3A_89 = arith.muli %arg1, %mul3A_88 : i32
    %mul3A_90 = arith.constant 640 : i32
    %mul3A_91 = arith.muli %arg1, %mul3A_90 : i32
    "tpu.region"() ({
      %run_scoped3A_92 = tpu.sem_alloc : memref<!tpu.dma_semaphore, #tpu.memory_space<semaphore_mem>>
      %dma_start3A_93 = arith.constant 0 : i32
      %dma_start3A_94 = tpu.memref_slice %arg6[%arg0, %mul3A_91, %dma_start3A_93] : memref<2x10240x32xf32, #tpu.memory_space<hbm>> -> memref<1x640x32xf32, #tpu.memory_space<hbm>>
      %dma_start3A_95 = tpu.memref_squeeze %dma_start3A_94 : memref<1x640x32xf32, #tpu.memory_space<hbm>> -> memref<640x32xf32, #tpu.memory_space<hbm>>
      %dma_start3A_96 = arith.constant 0 : i32
      %dma_start3A_97 = tpu.memref_slice %arg10[%mul3A_89, %dma_start3A_96] : memref<10240x32xf32, #tpu.memory_space<vmem_shared>> -> memref<640x32xf32, #tpu.memory_space<vmem_shared>>
      tpu.enqueue_dma source(%dma_start3A_97 : memref<640x32xf32, #tpu.memory_space<vmem_shared>>) target(%dma_start3A_95 : memref<640x32xf32, #tpu.memory_space<hbm>>) target_semaphore(%run_scoped3A_92 : memref<!tpu.dma_semaphore, #tpu.memory_space<semaphore_mem>>)
      %dma_wait3A = arith.constant 0 : i32
      %dma_wait3A_98 = tpu.memref_slice %arg6[%arg0, %mul3A_91, %dma_wait3A] : memref<2x10240x32xf32, #tpu.memory_space<hbm>> -> memref<1x640x32xf32, #tpu.memory_space<hbm>>
      %dma_wait3A_99 = tpu.memref_squeeze %dma_wait3A_98 : memref<1x640x32xf32, #tpu.memory_space<hbm>> -> memref<640x32xf32, #tpu.memory_space<hbm>>
      %dma_wait3A_100 = arith.constant 0 : i32
      %dma_wait3A_101 = tpu.memref_slice %arg10[%mul3A_89, %dma_wait3A_100] : memref<10240x32xf32, #tpu.memory_space<vmem_shared>> -> memref<640x32xf32, #tpu.memory_space<vmem_shared>>
      tpu.wait_dma2 semaphore(%run_scoped3A_92 : memref<!tpu.dma_semaphore, #tpu.memory_space<semaphore_mem>>) src(%dma_wait3A_101 : memref<640x32xf32, #tpu.memory_space<vmem_shared>>) dst(%dma_wait3A_99 : memref<640x32xf32, #tpu.memory_space<hbm>>)
      tpu.yield
    }) : () -> ()
    return
  }
}

#map = affine_map<(d0, d1) -> (0, 0)>
#map1 = affine_map<(d0, d1) -> (0, 0, 0)>
#map2 = affine_map<(d0, d1) -> (0)>
module attributes {stable_mosaic.version = 14 : i64} {
  func.func @_seg_body(%arg0: i32, %arg1: i32, %arg2: memref<10000x32xf32, #tpu.memory_space<hbm>>, %arg3: memref<2x2500x128xi32, #tpu.memory_space<hbm>>, %arg4: memref<10240x32xf32, #tpu.memory_space<hbm>>, %arg5: memref<10240xf32, #tpu.memory_space<hbm>>, %arg6: memref<2x10240x32xf32, #tpu.memory_space<hbm>>, %arg7: memref<2x10240xf32, #tpu.memory_space<hbm>>, %arg8: memref<79x128xi32, #tpu.memory_space<vmem>>, %arg9: memref<79x128xi32, #tpu.memory_space<vmem>>, %arg10: memref<6x128x32xf32, #tpu.memory_space<vmem>>, %arg11: memref<128xf32, #tpu.memory_space<vmem>>, %arg12: memref<10240x32xf32, #tpu.memory_space<vmem_shared>>, %arg13: memref<10240xf32, #tpu.memory_space<vmem_shared>>, %arg14: memref<!tpu.dma_semaphore, #tpu.memory_space<semaphore_mem>>, %arg15: memref<!tpu.dma_semaphore, #tpu.memory_space<semaphore_mem>>, %arg16: memref<!tpu.dma_semaphore, #tpu.memory_space<semaphore_mem>>, %arg17: memref<!tpu.dma_semaphore, #tpu.memory_space<semaphore_mem>>, %arg18: memref<!tpu.dma_semaphore, #tpu.memory_space<semaphore_mem>>, %arg19: memref<!tpu.dma_semaphore, #tpu.memory_space<semaphore_mem>>, %arg20: memref<!tpu.dma_semaphore, #tpu.memory_space<semaphore_mem>>, %arg21: memref<!tpu.dma_semaphore, #tpu.memory_space<semaphore_mem>>, %arg22: memref<!tpu.dma_semaphore, #tpu.memory_space<semaphore_mem>>, %arg23: memref<!tpu.dma_semaphore, #tpu.memory_space<semaphore_mem>>, %arg24: memref<!tpu.dma_semaphore, #tpu.memory_space<semaphore_mem>>, %arg25: memref<!tpu.dma_semaphore, #tpu.memory_space<semaphore_mem>>, %arg26: memref<!tpu.dma_semaphore, #tpu.memory_space<semaphore_mem>>) attributes {dimension_semantics = [#tpu.dimension_semantics<core_parallel>, #tpu.dimension_semantics<subcore_parallel>], iteration_bounds = array<i64: 2, 16>, scalar_prefetch = 0 : i64, scratch_operands = 19 : i64, tpu.core_type = #tpu.core_type<sc_vector_subcore>, window_params = [{transform_indices = #map}, {transform_indices = #map1}, {transform_indices = #map}, {transform_indices = #map2}, {transform_indices = #map1}, {transform_indices = #map}]} {
    %mul3A = arith.constant 16 : i32
    %mul3A_0 = arith.muli %arg0, %mul3A : i32
    %add3A = arith.addi %mul3A_0, %arg1 : i32
    %mul3A_1 = arith.constant 640 : i32
    %mul3A_2 = arith.muli %arg1, %mul3A_1 : i32
    %mul3A_3 = arith.constant 640 : i32
    %mul3A_4 = arith.muli %arg1, %mul3A_3 : i32
    "tpu.region"() ({
      %run_scoped3A_146 = tpu.sem_alloc : memref<!tpu.dma_semaphore, #tpu.memory_space<semaphore_mem>>
      %dma_start3A_147 = arith.constant 0 : i32
      %dma_start3A_148 = tpu.memref_slice %arg12[%mul3A_4, %dma_start3A_147] : memref<10240x32xf32, #tpu.memory_space<vmem_shared>> -> memref<640x32xf32, #tpu.memory_space<vmem_shared>>
      %dma_start3A_149 = arith.constant 0 : i32
      %dma_start3A_150 = tpu.memref_slice %arg4[%mul3A_2, %dma_start3A_149] : memref<10240x32xf32, #tpu.memory_space<hbm>> -> memref<640x32xf32, #tpu.memory_space<hbm>>
      tpu.enqueue_dma source(%dma_start3A_150 : memref<640x32xf32, #tpu.memory_space<hbm>>) target(%dma_start3A_148 : memref<640x32xf32, #tpu.memory_space<vmem_shared>>) target_semaphore(%run_scoped3A_146 : memref<!tpu.dma_semaphore, #tpu.memory_space<semaphore_mem>>)
      %dma_wait3A = arith.constant 0 : i32
      %dma_wait3A_151 = tpu.memref_slice %arg12[%mul3A_4, %dma_wait3A] : memref<10240x32xf32, #tpu.memory_space<vmem_shared>> -> memref<640x32xf32, #tpu.memory_space<vmem_shared>>
      %dma_wait3A_152 = arith.constant 0 : i32
      %dma_wait3A_153 = tpu.memref_slice %arg4[%mul3A_2, %dma_wait3A_152] : memref<10240x32xf32, #tpu.memory_space<hbm>> -> memref<640x32xf32, #tpu.memory_space<hbm>>
      tpu.wait_dma2 semaphore(%run_scoped3A_146 : memref<!tpu.dma_semaphore, #tpu.memory_space<semaphore_mem>>) src(%dma_wait3A_153 : memref<640x32xf32, #tpu.memory_space<hbm>>) dst(%dma_wait3A_151 : memref<640x32xf32, #tpu.memory_space<vmem_shared>>)
      tpu.yield
    }) : () -> ()
    %mul3A_5 = arith.constant 640 : i32
    %mul3A_6 = arith.muli %arg1, %mul3A_5 : i32
    %mul3A_7 = arith.constant 640 : i32
    %mul3A_8 = arith.muli %arg1, %mul3A_7 : i32
    "tpu.region"() ({
      %run_scoped3A_146 = tpu.sem_alloc : memref<!tpu.dma_semaphore, #tpu.memory_space<semaphore_mem>>
      %dma_start3A_147 = tpu.memref_slice %arg13[%mul3A_8] : memref<10240xf32, #tpu.memory_space<vmem_shared>> -> memref<640xf32, #tpu.memory_space<vmem_shared>>
      %dma_start3A_148 = tpu.memref_slice %arg5[%mul3A_6] : memref<10240xf32, #tpu.memory_space<hbm>> -> memref<640xf32, #tpu.memory_space<hbm>>
      tpu.enqueue_dma source(%dma_start3A_148 : memref<640xf32, #tpu.memory_space<hbm>>) target(%dma_start3A_147 : memref<640xf32, #tpu.memory_space<vmem_shared>>) target_semaphore(%run_scoped3A_146 : memref<!tpu.dma_semaphore, #tpu.memory_space<semaphore_mem>>)
      %dma_wait3A = tpu.memref_slice %arg13[%mul3A_8] : memref<10240xf32, #tpu.memory_space<vmem_shared>> -> memref<640xf32, #tpu.memory_space<vmem_shared>>
      %dma_wait3A_149 = tpu.memref_slice %arg5[%mul3A_6] : memref<10240xf32, #tpu.memory_space<hbm>> -> memref<640xf32, #tpu.memory_space<hbm>>
      tpu.wait_dma2 semaphore(%run_scoped3A_146 : memref<!tpu.dma_semaphore, #tpu.memory_space<semaphore_mem>>) src(%dma_wait3A_149 : memref<640xf32, #tpu.memory_space<hbm>>) dst(%dma_wait3A : memref<640xf32, #tpu.memory_space<vmem_shared>>)
      tpu.yield
    }) : () -> ()
    %broadcast_in_dim3A = arith.constant 1.000000e+00 : f32
    %broadcast_in_dim3A_9 = vector.broadcast %broadcast_in_dim3A : f32 to vector<16xf32>
    %swap3A = arith.constant 0 : index
    %swap3A_10 = tpu.vector_load %arg11[%swap3A] {strides = array<i32>} : memref<128xf32, #tpu.memory_space<vmem>>, vector<16xf32>,
    %swap3A_11 = vector.shape_cast %swap3A_10 : vector<16xf32> to vector<16xf32>
    %swap3A_12 = vector.shape_cast %broadcast_in_dim3A_9 : vector<16xf32> to vector<16xf32>
    tpu.vector_store %arg11[%swap3A], %swap3A_12 {strides = array<i32>} : memref<128xf32, #tpu.memory_space<vmem>>, vector<16xf32>,
    %broadcast_in_dim3A_13 = arith.constant 1.000000e+00 : f32
    %broadcast_in_dim3A_14 = vector.broadcast %broadcast_in_dim3A_13 : f32 to vector<16xf32>
    %swap3A_15 = arith.constant 16 : index
    %swap3A_16 = tpu.vector_load %arg11[%swap3A_15] {strides = array<i32>} : memref<128xf32, #tpu.memory_space<vmem>>, vector<16xf32>,
    %swap3A_17 = vector.shape_cast %swap3A_16 : vector<16xf32> to vector<16xf32>
    %swap3A_18 = vector.shape_cast %broadcast_in_dim3A_14 : vector<16xf32> to vector<16xf32>
    tpu.vector_store %arg11[%swap3A_15], %swap3A_18 {strides = array<i32>} : memref<128xf32, #tpu.memory_space<vmem>>, vector<16xf32>,
    %broadcast_in_dim3A_19 = arith.constant 1.000000e+00 : f32
    %broadcast_in_dim3A_20 = vector.broadcast %broadcast_in_dim3A_19 : f32 to vector<16xf32>
    %swap3A_21 = arith.constant 32 : index
    %swap3A_22 = tpu.vector_load %arg11[%swap3A_21] {strides = array<i32>} : memref<128xf32, #tpu.memory_space<vmem>>, vector<16xf32>,
    %swap3A_23 = vector.shape_cast %swap3A_22 : vector<16xf32> to vector<16xf32>
    %swap3A_24 = vector.shape_cast %broadcast_in_dim3A_20 : vector<16xf32> to vector<16xf32>
    tpu.vector_store %arg11[%swap3A_21], %swap3A_24 {strides = array<i32>} : memref<128xf32, #tpu.memory_space<vmem>>, vector<16xf32>,
    %broadcast_in_dim3A_25 = arith.constant 1.000000e+00 : f32
    %broadcast_in_dim3A_26 = vector.broadcast %broadcast_in_dim3A_25 : f32 to vector<16xf32>
    %swap3A_27 = arith.constant 48 : index
    %swap3A_28 = tpu.vector_load %arg11[%swap3A_27] {strides = array<i32>} : memref<128xf32, #tpu.memory_space<vmem>>, vector<16xf32>,
    %swap3A_29 = vector.shape_cast %swap3A_28 : vector<16xf32> to vector<16xf32>
    %swap3A_30 = vector.shape_cast %broadcast_in_dim3A_26 : vector<16xf32> to vector<16xf32>
    tpu.vector_store %arg11[%swap3A_27], %swap3A_30 {strides = array<i32>} : memref<128xf32, #tpu.memory_space<vmem>>, vector<16xf32>,
    %broadcast_in_dim3A_31 = arith.constant 1.000000e+00 : f32
    %broadcast_in_dim3A_32 = vector.broadcast %broadcast_in_dim3A_31 : f32 to vector<16xf32>
    %swap3A_33 = arith.constant 64 : index
    %swap3A_34 = tpu.vector_load %arg11[%swap3A_33] {strides = array<i32>} : memref<128xf32, #tpu.memory_space<vmem>>, vector<16xf32>,
    %swap3A_35 = vector.shape_cast %swap3A_34 : vector<16xf32> to vector<16xf32>
    %swap3A_36 = vector.shape_cast %broadcast_in_dim3A_32 : vector<16xf32> to vector<16xf32>
    tpu.vector_store %arg11[%swap3A_33], %swap3A_36 {strides = array<i32>} : memref<128xf32, #tpu.memory_space<vmem>>, vector<16xf32>,
    %broadcast_in_dim3A_37 = arith.constant 1.000000e+00 : f32
    %broadcast_in_dim3A_38 = vector.broadcast %broadcast_in_dim3A_37 : f32 to vector<16xf32>
    %swap3A_39 = arith.constant 80 : index
    %swap3A_40 = tpu.vector_load %arg11[%swap3A_39] {strides = array<i32>} : memref<128xf32, #tpu.memory_space<vmem>>, vector<16xf32>,
    %swap3A_41 = vector.shape_cast %swap3A_40 : vector<16xf32> to vector<16xf32>
    %swap3A_42 = vector.shape_cast %broadcast_in_dim3A_38 : vector<16xf32> to vector<16xf32>
    tpu.vector_store %arg11[%swap3A_39], %swap3A_42 {strides = array<i32>} : memref<128xf32, #tpu.memory_space<vmem>>, vector<16xf32>,
    %broadcast_in_dim3A_43 = arith.constant 1.000000e+00 : f32
    %broadcast_in_dim3A_44 = vector.broadcast %broadcast_in_dim3A_43 : f32 to vector<16xf32>
    %swap3A_45 = arith.constant 96 : index
    %swap3A_46 = tpu.vector_load %arg11[%swap3A_45] {strides = array<i32>} : memref<128xf32, #tpu.memory_space<vmem>>, vector<16xf32>,
    %swap3A_47 = vector.shape_cast %swap3A_46 : vector<16xf32> to vector<16xf32>
    %swap3A_48 = vector.shape_cast %broadcast_in_dim3A_44 : vector<16xf32> to vector<16xf32>
    tpu.vector_store %arg11[%swap3A_45], %swap3A_48 {strides = array<i32>} : memref<128xf32, #tpu.memory_space<vmem>>, vector<16xf32>,
    %broadcast_in_dim3A_49 = arith.constant 1.000000e+00 : f32
    %broadcast_in_dim3A_50 = vector.broadcast %broadcast_in_dim3A_49 : f32 to vector<16xf32>
    %swap3A_51 = arith.constant 112 : index
    %swap3A_52 = tpu.vector_load %arg11[%swap3A_51] {strides = array<i32>} : memref<128xf32, #tpu.memory_space<vmem>>, vector<16xf32>,
    %swap3A_53 = vector.shape_cast %swap3A_52 : vector<16xf32> to vector<16xf32>
    %swap3A_54 = vector.shape_cast %broadcast_in_dim3A_50 : vector<16xf32> to vector<16xf32>
    tpu.vector_store %arg11[%swap3A_51], %swap3A_54 {strides = array<i32>} : memref<128xf32, #tpu.memory_space<vmem>>, vector<16xf32>,
    %barrier3A = arith.constant 0 : index
    tpu.barrier barrier_id(%barrier3A)
    %mul3A_55 = arith.constant 78 : i32
    %mul3A_56 = arith.muli %mul3A_55, %add3A : i32
    %min3A = arith.constant 4 : i32
    %min3A_57 = arith.minsi %add3A, %min3A : i32
    %add3A_58 = arith.addi %mul3A_56, %min3A_57 : i32
    %run_scoped3A = arith.constant 0 : i32
    "tpu.region"() ({
      %run_scoped3A_146 = tpu.sem_alloc : memref<!tpu.dma_semaphore, #tpu.memory_space<semaphore_mem>>
      %dma_start3A_147 = arith.constant 0 : i32
      %dma_start3A_148 = arith.constant 0 : i32
      %dma_start3A_149 = tpu.memref_slice %arg8[%dma_start3A_147, %dma_start3A_148] : memref<79x128xi32, #tpu.memory_space<vmem>> -> memref<78x128xi32, #tpu.memory_space<vmem>>
      %dma_start3A_150 = arith.constant 0 : i32
      %dma_start3A_151 = tpu.memref_slice %arg3[%run_scoped3A, %add3A_58, %dma_start3A_150] : memref<2x2500x128xi32, #tpu.memory_space<hbm>> -> memref<1x78x128xi32, #tpu.memory_space<hbm>>
      %dma_start3A_152 = tpu.memref_squeeze %dma_start3A_151 : memref<1x78x128xi32, #tpu.memory_space<hbm>> -> memref<78x128xi32, #tpu.memory_space<hbm>>
      %dma_start3A_153 = arith.constant 0 : i32
      %dma_start3A_154 = arith.constant 0 : i32
      %dma_start3A_155 = tpu.memref_slice %arg8[%dma_start3A_153, %dma_start3A_154] : memref<79x128xi32, #tpu.memory_space<vmem>> -> memref<78x128xi32, #tpu.memory_space<vmem>>
      %dma_start3A_156 = arith.constant 0 : i32
      %dma_start3A_157 = tpu.memref_slice %arg3[%run_scoped3A, %add3A_58, %dma_start3A_156] : memref<2x2500x128xi32, #tpu.memory_space<hbm>> -> memref<1x78x128xi32, #tpu.memory_space<hbm>>
      %dma_start3A_158 = tpu.memref_squeeze %dma_start3A_157 : memref<1x78x128xi32, #tpu.memory_space<hbm>> -> memref<78x128xi32, #tpu.memory_space<hbm>>
      tpu.enqueue_dma source(%dma_start3A_158 : memref<78x128xi32, #tpu.memory_space<hbm>>) target(%dma_start3A_155 : memref<78x128xi32, #tpu.memory_space<vmem>>) target_semaphore(%run_scoped3A_146 : memref<!tpu.dma_semaphore, #tpu.memory_space<semaphore_mem>>)
      %dma_wait3A = arith.constant 0 : i32
      %dma_wait3A_159 = arith.constant 0 : i32
      %dma_wait3A_160 = tpu.memref_slice %arg8[%dma_wait3A, %dma_wait3A_159] : memref<79x128xi32, #tpu.memory_space<vmem>> -> memref<78x128xi32, #tpu.memory_space<vmem>>
      %dma_wait3A_161 = arith.constant 0 : i32
      %dma_wait3A_162 = tpu.memref_slice %arg3[%run_scoped3A, %add3A_58, %dma_wait3A_161] : memref<2x2500x128xi32, #tpu.memory_space<hbm>> -> memref<1x78x128xi32, #tpu.memory_space<hbm>>
      %dma_wait3A_163 = tpu.memref_squeeze %dma_wait3A_162 : memref<1x78x128xi32, #tpu.memory_space<hbm>> -> memref<78x128xi32, #tpu.memory_space<hbm>>
      %dma_wait3A_164 = arith.constant 0 : i32
      %dma_wait3A_165 = arith.constant 0 : i32
      %dma_wait3A_166 = tpu.memref_slice %arg8[%dma_wait3A_164, %dma_wait3A_165] : memref<79x128xi32, #tpu.memory_space<vmem>> -> memref<78x128xi32, #tpu.memory_space<vmem>>
      %dma_wait3A_167 = arith.constant 0 : i32
      %dma_wait3A_168 = tpu.memref_slice %arg3[%run_scoped3A, %add3A_58, %dma_wait3A_167] : memref<2x2500x128xi32, #tpu.memory_space<hbm>> -> memref<1x78x128xi32, #tpu.memory_space<hbm>>
      %dma_wait3A_169 = tpu.memref_squeeze %dma_wait3A_168 : memref<1x78x128xi32, #tpu.memory_space<hbm>> -> memref<78x128xi32, #tpu.memory_space<hbm>>
      tpu.wait_dma2 semaphore(%run_scoped3A_146 : memref<!tpu.dma_semaphore, #tpu.memory_space<semaphore_mem>>) src(%dma_wait3A_169 : memref<78x128xi32, #tpu.memory_space<hbm>>) dst(%dma_wait3A_166 : memref<78x128xi32, #tpu.memory_space<vmem>>)
      tpu.yield
    }) : () -> ()
    %run_scoped3A_59 = arith.constant 1 : i32
    "tpu.region"() ({
      %run_scoped3A_146 = tpu.sem_alloc : memref<!tpu.dma_semaphore, #tpu.memory_space<semaphore_mem>>
      %dma_start3A_147 = arith.constant 0 : i32
      %dma_start3A_148 = arith.constant 0 : i32
      %dma_start3A_149 = tpu.memref_slice %arg9[%dma_start3A_147, %dma_start3A_148] : memref<79x128xi32, #tpu.memory_space<vmem>> -> memref<78x128xi32, #tpu.memory_space<vmem>>
      %dma_start3A_150 = arith.constant 0 : i32
      %dma_start3A_151 = tpu.memref_slice %arg3[%run_scoped3A_59, %add3A_58, %dma_start3A_150] : memref<2x2500x128xi32, #tpu.memory_space<hbm>> -> memref<1x78x128xi32, #tpu.memory_space<hbm>>
      %dma_start3A_152 = tpu.memref_squeeze %dma_start3A_151 : memref<1x78x128xi32, #tpu.memory_space<hbm>> -> memref<78x128xi32, #tpu.memory_space<hbm>>
      %dma_start3A_153 = arith.constant 0 : i32
      %dma_start3A_154 = arith.constant 0 : i32
      %dma_start3A_155 = tpu.memref_slice %arg9[%dma_start3A_153, %dma_start3A_154] : memref<79x128xi32, #tpu.memory_space<vmem>> -> memref<78x128xi32, #tpu.memory_space<vmem>>
      %dma_start3A_156 = arith.constant 0 : i32
      %dma_start3A_157 = tpu.memref_slice %arg3[%run_scoped3A_59, %add3A_58, %dma_start3A_156] : memref<2x2500x128xi32, #tpu.memory_space<hbm>> -> memref<1x78x128xi32, #tpu.memory_space<hbm>>
      %dma_start3A_158 = tpu.memref_squeeze %dma_start3A_157 : memref<1x78x128xi32, #tpu.memory_space<hbm>> -> memref<78x128xi32, #tpu.memory_space<hbm>>
      tpu.enqueue_dma source(%dma_start3A_158 : memref<78x128xi32, #tpu.memory_space<hbm>>) target(%dma_start3A_155 : memref<78x128xi32, #tpu.memory_space<vmem>>) target_semaphore(%run_scoped3A_146 : memref<!tpu.dma_semaphore, #tpu.memory_space<semaphore_mem>>)
      %dma_wait3A = arith.constant 0 : i32
      %dma_wait3A_159 = arith.constant 0 : i32
      %dma_wait3A_160 = tpu.memref_slice %arg9[%dma_wait3A, %dma_wait3A_159] : memref<79x128xi32, #tpu.memory_space<vmem>> -> memref<78x128xi32, #tpu.memory_space<vmem>>
      %dma_wait3A_161 = arith.constant 0 : i32
      %dma_wait3A_162 = tpu.memref_slice %arg3[%run_scoped3A_59, %add3A_58, %dma_wait3A_161] : memref<2x2500x128xi32, #tpu.memory_space<hbm>> -> memref<1x78x128xi32, #tpu.memory_space<hbm>>
      %dma_wait3A_163 = tpu.memref_squeeze %dma_wait3A_162 : memref<1x78x128xi32, #tpu.memory_space<hbm>> -> memref<78x128xi32, #tpu.memory_space<hbm>>
      %dma_wait3A_164 = arith.constant 0 : i32
      %dma_wait3A_165 = arith.constant 0 : i32
      %dma_wait3A_166 = tpu.memref_slice %arg9[%dma_wait3A_164, %dma_wait3A_165] : memref<79x128xi32, #tpu.memory_space<vmem>> -> memref<78x128xi32, #tpu.memory_space<vmem>>
      %dma_wait3A_167 = arith.constant 0 : i32
      %dma_wait3A_168 = tpu.memref_slice %arg3[%run_scoped3A_59, %add3A_58, %dma_wait3A_167] : memref<2x2500x128xi32, #tpu.memory_space<hbm>> -> memref<1x78x128xi32, #tpu.memory_space<hbm>>
      %dma_wait3A_169 = tpu.memref_squeeze %dma_wait3A_168 : memref<1x78x128xi32, #tpu.memory_space<hbm>> -> memref<78x128xi32, #tpu.memory_space<hbm>>
      tpu.wait_dma2 semaphore(%run_scoped3A_146 : memref<!tpu.dma_semaphore, #tpu.memory_space<semaphore_mem>>) src(%dma_wait3A_169 : memref<78x128xi32, #tpu.memory_space<hbm>>) dst(%dma_wait3A_166 : memref<78x128xi32, #tpu.memory_space<vmem>>)
      tpu.yield
    }) : () -> ()
    %dma_start3A = arith.constant 0 : i32
    %dma_start3A_60 = arith.constant 0 : i32
    %dma_start3A_61 = arith.constant 0 : i32
    %dma_start3A_62 = arith.constant 0 : i32
    %dma_start3A_63 = tpu.memref_slice %arg10[%dma_start3A_60, %dma_start3A_61, %dma_start3A_62] : memref<6x128x32xf32, #tpu.memory_space<vmem>> -> memref<1x128x32xf32, #tpu.memory_space<vmem>>
    %dma_start3A_64 = tpu.memref_squeeze %dma_start3A_63 : memref<1x128x32xf32, #tpu.memory_space<vmem>> -> memref<128x32xf32, #tpu.memory_space<vmem>>
    %dma_start3A_65 = arith.constant 0 : i32
    %dma_start3A_66 = tpu.memref_slice %arg8[%dma_start3A, %dma_start3A_65] : memref<79x128xi32, #tpu.memory_space<vmem>> -> memref<1x128xi32, #tpu.memory_space<vmem>>
    %dma_start3A_67 = tpu.memref_squeeze %dma_start3A_66 : memref<1x128xi32, #tpu.memory_space<vmem>> -> memref<128xi32, #tpu.memory_space<vmem>>
    %dma_start3A_68 = arith.constant 0 : i32
    %dma_start3A_69 = arith.constant 0 : i32
    %dma_start3A_70 = tpu.memref_slice %arg2[%dma_start3A_68, %dma_start3A_69] : memref<10000x32xf32, #tpu.memory_space<hbm>> -> memref<10000x32xf32, #tpu.memory_space<hbm>>
    tpu.enqueue_indirect_dma source(%dma_start3A_70 : memref<10000x32xf32, #tpu.memory_space<hbm>>) target(%dma_start3A_64 : memref<128x32xf32, #tpu.memory_space<vmem>>) offsets(%dma_start3A_67 : memref<128xi32, #tpu.memory_space<vmem>>) semaphore(%arg15 : memref<!tpu.dma_semaphore, #tpu.memory_space<semaphore_mem>>)
    %dma_start3A_71 = arith.constant 1 : i32
    %dma_start3A_72 = arith.constant 1 : i32
    %dma_start3A_73 = arith.constant 0 : i32
    %dma_start3A_74 = arith.constant 0 : i32
    %dma_start3A_75 = tpu.memref_slice %arg10[%dma_start3A_72, %dma_start3A_73, %dma_start3A_74] : memref<6x128x32xf32, #tpu.memory_space<vmem>> -> memref<1x128x32xf32, #tpu.memory_space<vmem>>
    %dma_start3A_76 = tpu.memref_squeeze %dma_start3A_75 : memref<1x128x32xf32, #tpu.memory_space<vmem>> -> memref<128x32xf32, #tpu.memory_space<vmem>>
    %dma_start3A_77 = arith.constant 0 : i32
    %dma_start3A_78 = tpu.memref_slice %arg8[%dma_start3A_71, %dma_start3A_77] : memref<79x128xi32, #tpu.memory_space<vmem>> -> memref<1x128xi32, #tpu.memory_space<vmem>>
    %dma_start3A_79 = tpu.memref_squeeze %dma_start3A_78 : memref<1x128xi32, #tpu.memory_space<vmem>> -> memref<128xi32, #tpu.memory_space<vmem>>
    %dma_start3A_80 = arith.constant 0 : i32
    %dma_start3A_81 = arith.constant 0 : i32
    %dma_start3A_82 = tpu.memref_slice %arg2[%dma_start3A_80, %dma_start3A_81] : memref<10000x32xf32, #tpu.memory_space<hbm>> -> memref<10000x32xf32, #tpu.memory_space<hbm>>
    tpu.enqueue_indirect_dma source(%dma_start3A_82 : memref<10000x32xf32, #tpu.memory_space<hbm>>) target(%dma_start3A_76 : memref<128x32xf32, #tpu.memory_space<vmem>>) offsets(%dma_start3A_79 : memref<128xi32, #tpu.memory_space<vmem>>) semaphore(%arg16 : memref<!tpu.dma_semaphore, #tpu.memory_space<semaphore_mem>>)
    %dma_start3A_83 = arith.constant 2 : i32
    %dma_start3A_84 = arith.constant 2 : i32
    %dma_start3A_85 = arith.constant 0 : i32
    %dma_start3A_86 = arith.constant 0 : i32
    %dma_start3A_87 = tpu.memref_slice %arg10[%dma_start3A_84, %dma_start3A_85, %dma_start3A_86] : memref<6x128x32xf32, #tpu.memory_space<vmem>> -> memref<1x128x32xf32, #tpu.memory_space<vmem>>
    %dma_start3A_88 = tpu.memref_squeeze %dma_start3A_87 : memref<1x128x32xf32, #tpu.memory_space<vmem>> -> memref<128x32xf32, #tpu.memory_space<vmem>>
    %dma_start3A_89 = arith.constant 0 : i32
    %dma_start3A_90 = tpu.memref_slice %arg8[%dma_start3A_83, %dma_start3A_89] : memref<79x128xi32, #tpu.memory_space<vmem>> -> memref<1x128xi32, #tpu.memory_space<vmem>>
    %dma_start3A_91 = tpu.memref_squeeze %dma_start3A_90 : memref<1x128xi32, #tpu.memory_space<vmem>> -> memref<128xi32, #tpu.memory_space<vmem>>
    %dma_start3A_92 = arith.constant 0 : i32
    %dma_start3A_93 = arith.constant 0 : i32
    %dma_start3A_94 = tpu.memref_slice %arg2[%dma_start3A_92, %dma_start3A_93] : memref<10000x32xf32, #tpu.memory_space<hbm>> -> memref<10000x32xf32, #tpu.memory_space<hbm>>
    tpu.enqueue_indirect_dma source(%dma_start3A_94 : memref<10000x32xf32, #tpu.memory_space<hbm>>) target(%dma_start3A_88 : memref<128x32xf32, #tpu.memory_space<vmem>>) offsets(%dma_start3A_91 : memref<128xi32, #tpu.memory_space<vmem>>) semaphore(%arg17 : memref<!tpu.dma_semaphore, #tpu.memory_space<semaphore_mem>>)
    %dma_start3A_95 = arith.constant 3 : i32
    %dma_start3A_96 = arith.constant 3 : i32
    %dma_start3A_97 = arith.constant 0 : i32
    %dma_start3A_98 = arith.constant 0 : i32
    %dma_start3A_99 = tpu.memref_slice %arg10[%dma_start3A_96, %dma_start3A_97, %dma_start3A_98] : memref<6x128x32xf32, #tpu.memory_space<vmem>> -> memref<1x128x32xf32, #tpu.memory_space<vmem>>
    %dma_start3A_100 = tpu.memref_squeeze %dma_start3A_99 : memref<1x128x32xf32, #tpu.memory_space<vmem>> -> memref<128x32xf32, #tpu.memory_space<vmem>>
    %dma_start3A_101 = arith.constant 0 : i32
    %dma_start3A_102 = tpu.memref_slice %arg8[%dma_start3A_95, %dma_start3A_101] : memref<79x128xi32, #tpu.memory_space<vmem>> -> memref<1x128xi32, #tpu.memory_space<vmem>>
    %dma_start3A_103 = tpu.memref_squeeze %dma_start3A_102 : memref<1x128xi32, #tpu.memory_space<vmem>> -> memref<128xi32, #tpu.memory_space<vmem>>
    %dma_start3A_104 = arith.constant 0 : i32
    %dma_start3A_105 = arith.constant 0 : i32
    %dma_start3A_106 = tpu.memref_slice %arg2[%dma_start3A_104, %dma_start3A_105] : memref<10000x32xf32, #tpu.memory_space<hbm>> -> memref<10000x32xf32, #tpu.memory_space<hbm>>
    tpu.enqueue_indirect_dma source(%dma_start3A_106 : memref<10000x32xf32, #tpu.memory_space<hbm>>) target(%dma_start3A_100 : memref<128x32xf32, #tpu.memory_space<vmem>>) offsets(%dma_start3A_103 : memref<128xi32, #tpu.memory_space<vmem>>) semaphore(%arg18 : memref<!tpu.dma_semaphore, #tpu.memory_space<semaphore_mem>>)
    %dma_start3A_107 = arith.constant 4 : i32
    %dma_start3A_108 = arith.constant 4 : i32
    %dma_start3A_109 = arith.constant 0 : i32
    %dma_start3A_110 = arith.constant 0 : i32
    %dma_start3A_111 = tpu.memref_slice %arg10[%dma_start3A_108, %dma_start3A_109, %dma_start3A_110] : memref<6x128x32xf32, #tpu.memory_space<vmem>> -> memref<1x128x32xf32, #tpu.memory_space<vmem>>
    %dma_start3A_112 = tpu.memref_squeeze %dma_start3A_111 : memref<1x128x32xf32, #tpu.memory_space<vmem>> -> memref<128x32xf32, #tpu.memory_space<vmem>>
    %dma_start3A_113 = arith.constant 0 : i32
    %dma_start3A_114 = tpu.memref_slice %arg8[%dma_start3A_107, %dma_start3A_113] : memref<79x128xi32, #tpu.memory_space<vmem>> -> memref<1x128xi32, #tpu.memory_space<vmem>>
    %dma_start3A_115 = tpu.memref_squeeze %dma_start3A_114 : memref<1x128xi32, #tpu.memory_space<vmem>> -> memref<128xi32, #tpu.memory_space<vmem>>
    %dma_start3A_116 = arith.constant 0 : i32
    %dma_start3A_117 = arith.constant 0 : i32
    %dma_start3A_118 = tpu.memref_slice %arg2[%dma_start3A_116, %dma_start3A_117] : memref<10000x32xf32, #tpu.memory_space<hbm>> -> memref<10000x32xf32, #tpu.memory_space<hbm>>
    tpu.enqueue_indirect_dma source(%dma_start3A_118 : memref<10000x32xf32, #tpu.memory_space<hbm>>) target(%dma_start3A_112 : memref<128x32xf32, #tpu.memory_space<vmem>>) offsets(%dma_start3A_115 : memref<128xi32, #tpu.memory_space<vmem>>) semaphore(%arg19 : memref<!tpu.dma_semaphore, #tpu.memory_space<semaphore_mem>>)
    %dma_start3A_119 = arith.constant 5 : i32
    %dma_start3A_120 = arith.constant 5 : i32
    %dma_start3A_121 = arith.constant 0 : i32
    %dma_start3A_122 = arith.constant 0 : i32
    %dma_start3A_123 = tpu.memref_slice %arg10[%dma_start3A_120, %dma_start3A_121, %dma_start3A_122] : memref<6x128x32xf32, #tpu.memory_space<vmem>> -> memref<1x128x32xf32, #tpu.memory_space<vmem>>
    %dma_start3A_124 = tpu.memref_squeeze %dma_start3A_123 : memref<1x128x32xf32, #tpu.memory_space<vmem>> -> memref<128x32xf32, #tpu.memory_space<vmem>>
    %dma_start3A_125 = arith.constant 0 : i32
    %dma_start3A_126 = tpu.memref_slice %arg8[%dma_start3A_119, %dma_start3A_125] : memref<79x128xi32, #tpu.memory_space<vmem>> -> memref<1x128xi32, #tpu.memory_space<vmem>>
    %dma_start3A_127 = tpu.memref_squeeze %dma_start3A_126 : memref<1x128xi32, #tpu.memory_space<vmem>> -> memref<128xi32, #tpu.memory_space<vmem>>
    %dma_start3A_128 = arith.constant 0 : i32
    %dma_start3A_129 = arith.constant 0 : i32
    %dma_start3A_130 = tpu.memref_slice %arg2[%dma_start3A_128, %dma_start3A_129] : memref<10000x32xf32, #tpu.memory_space<hbm>> -> memref<10000x32xf32, #tpu.memory_space<hbm>>
    tpu.enqueue_indirect_dma source(%dma_start3A_130 : memref<10000x32xf32, #tpu.memory_space<hbm>>) target(%dma_start3A_124 : memref<128x32xf32, #tpu.memory_space<vmem>>) offsets(%dma_start3A_127 : memref<128xi32, #tpu.memory_space<vmem>>) semaphore(%arg20 : memref<!tpu.dma_semaphore, #tpu.memory_space<semaphore_mem>>)
    %scan3A = arith.constant 0 : i32
    %scan3A_131 = arith.constant 13 : i32
    %scan3A_132 = arith.addi %scan3A, %scan3A_131 : i32
    %scan3A_133 = arith.constant 1 : i32
    scf.for %scan3A_146 = %scan3A to %scan3A_132 step %scan3A_133  : i32 {
      %mul3A_147 = arith.constant 1 : i32
      %mul3A_148 = arith.muli %scan3A_146, %mul3A_147 : i32
      %add3A_149 = arith.constant 0 : i32
      %add3A_150 = arith.addi %add3A_149, %mul3A_148 : i32
      %mul3A_151 = arith.constant 6 : i32
      %mul3A_152 = arith.muli %add3A_150, %mul3A_151 : i32
      %add3A_153 = arith.constant 0 : i32
      %add3A_154 = arith.addi %mul3A_152, %add3A_153 : i32
      %dma_wait3A = arith.constant 0 : i32
      %dma_wait3A_155 = arith.constant 0 : i32
      %dma_wait3A_156 = arith.constant 0 : i32
      %dma_wait3A_157 = tpu.memref_slice %arg10[%dma_wait3A, %dma_wait3A_155, %dma_wait3A_156] : memref<6x128x32xf32, #tpu.memory_space<vmem>> -> memref<1x128x32xf32, #tpu.memory_space<vmem>>
      %dma_wait3A_158 = tpu.memref_squeeze %dma_wait3A_157 : memref<1x128x32xf32, #tpu.memory_space<vmem>> -> memref<128x32xf32, #tpu.memory_space<vmem>>
      %dma_wait3A_159 = arith.constant 0 : i32
      %dma_wait3A_160 = tpu.memref_slice %arg8[%add3A_154, %dma_wait3A_159] : memref<79x128xi32, #tpu.memory_space<vmem>> -> memref<1x128xi32, #tpu.memory_space<vmem>>
      %dma_wait3A_161 = tpu.memref_squeeze %dma_wait3A_160 : memref<1x128xi32, #tpu.memory_space<vmem>> -> memref<128xi32, #tpu.memory_space<vmem>>
      %dma_wait3A_162 = arith.constant 0 : i32
      %dma_wait3A_163 = arith.constant 0 : i32
      %dma_wait3A_164 = tpu.memref_slice %arg2[%dma_wait3A_162, %dma_wait3A_163] : memref<10000x32xf32, #tpu.memory_space<hbm>> -> memref<10000x32xf32, #tpu.memory_space<hbm>>
      tpu.wait_indirect_dma semaphore(%arg15 : memref<!tpu.dma_semaphore, #tpu.memory_space<semaphore_mem>>) src(%dma_wait3A_164 : memref<10000x32xf32, #tpu.memory_space<hbm>>) dst(%dma_wait3A_158 : memref<128x32xf32, #tpu.memory_space<vmem>>)
      %dma_start3A_165 = arith.constant 0 : i32
      %dma_start3A_166 = arith.constant 0 : i32
      %dma_start3A_167 = arith.constant 0 : i32
      %dma_start3A_168 = tpu.memref_slice %arg10[%dma_start3A_165, %dma_start3A_166, %dma_start3A_167] : memref<6x128x32xf32, #tpu.memory_space<vmem>> -> memref<1x128x32xf32, #tpu.memory_space<vmem>>
      %dma_start3A_169 = tpu.memref_squeeze %dma_start3A_168 : memref<1x128x32xf32, #tpu.memory_space<vmem>> -> memref<128x32xf32, #tpu.memory_space<vmem>>
      %dma_start3A_170 = arith.constant 0 : i32
      %dma_start3A_171 = tpu.memref_slice %arg9[%add3A_154, %dma_start3A_170] : memref<79x128xi32, #tpu.memory_space<vmem>> -> memref<1x128xi32, #tpu.memory_space<vmem>>
      %dma_start3A_172 = tpu.memref_squeeze %dma_start3A_171 : memref<1x128xi32, #tpu.memory_space<vmem>> -> memref<128xi32, #tpu.memory_space<vmem>>
      %dma_start3A_173 = arith.constant 0 : i32
      %dma_start3A_174 = arith.constant 0 : i32
      %dma_start3A_175 = tpu.memref_slice %arg12[%dma_start3A_173, %dma_start3A_174] : memref<10240x32xf32, #tpu.memory_space<vmem_shared>> -> memref<10240x32xf32, #tpu.memory_space<vmem_shared>>
      tpu.enqueue_indirect_dma source(%dma_start3A_169 : memref<128x32xf32, #tpu.memory_space<vmem>>) target(%dma_start3A_175 : memref<10240x32xf32, #tpu.memory_space<vmem_shared>>) offsets(%dma_start3A_172 : memref<128xi32, #tpu.memory_space<vmem>>) semaphore(%arg21 : memref<!tpu.dma_semaphore, #tpu.memory_space<semaphore_mem>>) {add = true}
      %dma_start3A_176 = arith.constant 0 : i32
      %dma_start3A_177 = tpu.memref_slice %arg9[%add3A_154, %dma_start3A_176] : memref<79x128xi32, #tpu.memory_space<vmem>> -> memref<1x128xi32, #tpu.memory_space<vmem>>
      %dma_start3A_178 = tpu.memref_squeeze %dma_start3A_177 : memref<1x128xi32, #tpu.memory_space<vmem>> -> memref<128xi32, #tpu.memory_space<vmem>>
      %dma_start3A_179 = arith.constant 0 : i32
      %dma_start3A_180 = tpu.memref_slice %arg13[%dma_start3A_179] : memref<10240xf32, #tpu.memory_space<vmem_shared>> -> memref<10240xf32, #tpu.memory_space<vmem_shared>>
      tpu.enqueue_indirect_dma source(%arg11 : memref<128xf32, #tpu.memory_space<vmem>>) target(%dma_start3A_180 : memref<10240xf32, #tpu.memory_space<vmem_shared>>) offsets(%dma_start3A_178 : memref<128xi32, #tpu.memory_space<vmem>>) semaphore(%arg14 : memref<!tpu.dma_semaphore, #tpu.memory_space<semaphore_mem>>) {add = true}
      %dma_wait3A_181 = arith.constant 0 : i32
      %dma_wait3A_182 = arith.constant 0 : i32
      %dma_wait3A_183 = arith.constant 0 : i32
      %dma_wait3A_184 = tpu.memref_slice %arg10[%dma_wait3A_181, %dma_wait3A_182, %dma_wait3A_183] : memref<6x128x32xf32, #tpu.memory_space<vmem>> -> memref<1x128x32xf32, #tpu.memory_space<vmem>>
      %dma_wait3A_185 = tpu.memref_squeeze %dma_wait3A_184 : memref<1x128x32xf32, #tpu.memory_space<vmem>> -> memref<128x32xf32, #tpu.memory_space<vmem>>
      %dma_wait3A_186 = arith.constant 0 : i32
      %dma_wait3A_187 = tpu.memref_slice %arg9[%add3A_154, %dma_wait3A_186] : memref<79x128xi32, #tpu.memory_space<vmem>> -> memref<1x128xi32, #tpu.memory_space<vmem>>
      %dma_wait3A_188 = tpu.memref_squeeze %dma_wait3A_187 : memref<1x128xi32, #tpu.memory_space<vmem>> -> memref<128xi32, #tpu.memory_space<vmem>>
      %dma_wait3A_189 = arith.constant 0 : i32
      %dma_wait3A_190 = arith.constant 0 : i32
      %dma_wait3A_191 = tpu.memref_slice %arg12[%dma_wait3A_189, %dma_wait3A_190] : memref<10240x32xf32, #tpu.memory_space<vmem_shared>> -> memref<10240x32xf32, #tpu.memory_space<vmem_shared>>
      tpu.wait_indirect_dma semaphore(%arg21 : memref<!tpu.dma_semaphore, #tpu.memory_space<semaphore_mem>>) src(%dma_wait3A_185 : memref<128x32xf32, #tpu.memory_space<vmem>>) dst(%dma_wait3A_191 : memref<10240x32xf32, #tpu.memory_space<vmem_shared>>)
      %lt3A_192 = arith.constant 12 : i32
      %lt3A_193 = arith.cmpi slt, %add3A_150, %lt3A_192 : i32
      %convert_element_type3A_194 = arith.extui %lt3A_193 : i1 to i32
      %cond3A_195 = arith.constant 0 : i32
      %cond3A_196 = arith.cmpi ne, %convert_element_type3A_194, %cond3A_195 : i32
      scf.if %cond3A_196 {
        %add3A_452 = arith.constant 6 : i32
        %add3A_453 = arith.addi %add3A_154, %add3A_452 : i32
        %dma_start3A_454 = arith.constant 0 : i32
        %dma_start3A_455 = arith.constant 0 : i32
        %dma_start3A_456 = arith.constant 0 : i32
        %dma_start3A_457 = tpu.memref_slice %arg10[%dma_start3A_454, %dma_start3A_455, %dma_start3A_456] : memref<6x128x32xf32, #tpu.memory_space<vmem>> -> memref<1x128x32xf32, #tpu.memory_space<vmem>>
        %dma_start3A_458 = tpu.memref_squeeze %dma_start3A_457 : memref<1x128x32xf32, #tpu.memory_space<vmem>> -> memref<128x32xf32, #tpu.memory_space<vmem>>
        %dma_start3A_459 = arith.constant 0 : i32
        %dma_start3A_460 = tpu.memref_slice %arg8[%add3A_453, %dma_start3A_459] : memref<79x128xi32, #tpu.memory_space<vmem>> -> memref<1x128xi32, #tpu.memory_space<vmem>>
        %dma_start3A_461 = tpu.memref_squeeze %dma_start3A_460 : memref<1x128xi32, #tpu.memory_space<vmem>> -> memref<128xi32, #tpu.memory_space<vmem>>
        %dma_start3A_462 = arith.constant 0 : i32
        %dma_start3A_463 = arith.constant 0 : i32
        %dma_start3A_464 = tpu.memref_slice %arg2[%dma_start3A_462, %dma_start3A_463] : memref<10000x32xf32, #tpu.memory_space<hbm>> -> memref<10000x32xf32, #tpu.memory_space<hbm>>
        tpu.enqueue_indirect_dma source(%dma_start3A_464 : memref<10000x32xf32, #tpu.memory_space<hbm>>) target(%dma_start3A_458 : memref<128x32xf32, #tpu.memory_space<vmem>>) offsets(%dma_start3A_461 : memref<128xi32, #tpu.memory_space<vmem>>) semaphore(%arg15 : memref<!tpu.dma_semaphore, #tpu.memory_space<semaphore_mem>>)
      } else {
      }
      %add3A_197 = arith.constant 1 : i32
      %add3A_198 = arith.addi %mul3A_152, %add3A_197 : i32
      %dma_wait3A_199 = arith.constant 1 : i32
      %dma_wait3A_200 = arith.constant 0 : i32
      %dma_wait3A_201 = arith.constant 0 : i32
      %dma_wait3A_202 = tpu.memref_slice %arg10[%dma_wait3A_199, %dma_wait3A_200, %dma_wait3A_201] : memref<6x128x32xf32, #tpu.memory_space<vmem>> -> memref<1x128x32xf32, #tpu.memory_space<vmem>>
      %dma_wait3A_203 = tpu.memref_squeeze %dma_wait3A_202 : memref<1x128x32xf32, #tpu.memory_space<vmem>> -> memref<128x32xf32, #tpu.memory_space<vmem>>
      %dma_wait3A_204 = arith.constant 0 : i32
      %dma_wait3A_205 = tpu.memref_slice %arg8[%add3A_198, %dma_wait3A_204] : memref<79x128xi32, #tpu.memory_space<vmem>> -> memref<1x128xi32, #tpu.memory_space<vmem>>
      %dma_wait3A_206 = tpu.memref_squeeze %dma_wait3A_205 : memref<1x128xi32, #tpu.memory_space<vmem>> -> memref<128xi32, #tpu.memory_space<vmem>>
      %dma_wait3A_207 = arith.constant 0 : i32
      %dma_wait3A_208 = arith.constant 0 : i32
      %dma_wait3A_209 = tpu.memref_slice %arg2[%dma_wait3A_207, %dma_wait3A_208] : memref<10000x32xf32, #tpu.memory_space<hbm>> -> memref<10000x32xf32, #tpu.memory_space<hbm>>
      tpu.wait_indirect_dma semaphore(%arg16 : memref<!tpu.dma_semaphore, #tpu.memory_space<semaphore_mem>>) src(%dma_wait3A_209 : memref<10000x32xf32, #tpu.memory_space<hbm>>) dst(%dma_wait3A_203 : memref<128x32xf32, #tpu.memory_space<vmem>>)
      %dma_start3A_210 = arith.constant 1 : i32
      %dma_start3A_211 = arith.constant 0 : i32
      %dma_start3A_212 = arith.constant 0 : i32
      %dma_start3A_213 = tpu.memref_slice %arg10[%dma_start3A_210, %dma_start3A_211, %dma_start3A_212] : memref<6x128x32xf32, #tpu.memory_space<vmem>> -> memref<1x128x32xf32, #tpu.memory_space<vmem>>
      %dma_start3A_214 = tpu.memref_squeeze %dma_start3A_213 : memref<1x128x32xf32, #tpu.memory_space<vmem>> -> memref<128x32xf32, #tpu.memory_space<vmem>>
      %dma_start3A_215 = arith.constant 0 : i32
      %dma_start3A_216 = tpu.memref_slice %arg9[%add3A_198, %dma_start3A_215] : memref<79x128xi32, #tpu.memory_space<vmem>> -> memref<1x128xi32, #tpu.memory_space<vmem>>
      %dma_start3A_217 = tpu.memref_squeeze %dma_start3A_216 : memref<1x128xi32, #tpu.memory_space<vmem>> -> memref<128xi32, #tpu.memory_space<vmem>>
      %dma_start3A_218 = arith.constant 0 : i32
      %dma_start3A_219 = arith.constant 0 : i32
      %dma_start3A_220 = tpu.memref_slice %arg12[%dma_start3A_218, %dma_start3A_219] : memref<10240x32xf32, #tpu.memory_space<vmem_shared>> -> memref<10240x32xf32, #tpu.memory_space<vmem_shared>>
      tpu.enqueue_indirect_dma source(%dma_start3A_214 : memref<128x32xf32, #tpu.memory_space<vmem>>) target(%dma_start3A_220 : memref<10240x32xf32, #tpu.memory_space<vmem_shared>>) offsets(%dma_start3A_217 : memref<128xi32, #tpu.memory_space<vmem>>) semaphore(%arg22 : memref<!tpu.dma_semaphore, #tpu.memory_space<semaphore_mem>>) {add = true}
      %dma_start3A_221 = arith.constant 0 : i32
      %dma_start3A_222 = tpu.memref_slice %arg9[%add3A_198, %dma_start3A_221] : memref<79x128xi32, #tpu.memory_space<vmem>> -> memref<1x128xi32, #tpu.memory_space<vmem>>
      %dma_start3A_223 = tpu.memref_squeeze %dma_start3A_222 : memref<1x128xi32, #tpu.memory_space<vmem>> -> memref<128xi32, #tpu.memory_space<vmem>>
      %dma_start3A_224 = arith.constant 0 : i32
      %dma_start3A_225 = tpu.memref_slice %arg13[%dma_start3A_224] : memref<10240xf32, #tpu.memory_space<vmem_shared>> -> memref<10240xf32, #tpu.memory_space<vmem_shared>>
      tpu.enqueue_indirect_dma source(%arg11 : memref<128xf32, #tpu.memory_space<vmem>>) target(%dma_start3A_225 : memref<10240xf32, #tpu.memory_space<vmem_shared>>) offsets(%dma_start3A_223 : memref<128xi32, #tpu.memory_space<vmem>>) semaphore(%arg14 : memref<!tpu.dma_semaphore, #tpu.memory_space<semaphore_mem>>) {add = true}
      %dma_wait3A_226 = arith.constant 1 : i32
      %dma_wait3A_227 = arith.constant 0 : i32
      %dma_wait3A_228 = arith.constant 0 : i32
      %dma_wait3A_229 = tpu.memref_slice %arg10[%dma_wait3A_226, %dma_wait3A_227, %dma_wait3A_228] : memref<6x128x32xf32, #tpu.memory_space<vmem>> -> memref<1x128x32xf32, #tpu.memory_space<vmem>>
      %dma_wait3A_230 = tpu.memref_squeeze %dma_wait3A_229 : memref<1x128x32xf32, #tpu.memory_space<vmem>> -> memref<128x32xf32, #tpu.memory_space<vmem>>
      %dma_wait3A_231 = arith.constant 0 : i32
      %dma_wait3A_232 = tpu.memref_slice %arg9[%add3A_198, %dma_wait3A_231] : memref<79x128xi32, #tpu.memory_space<vmem>> -> memref<1x128xi32, #tpu.memory_space<vmem>>
      %dma_wait3A_233 = tpu.memref_squeeze %dma_wait3A_232 : memref<1x128xi32, #tpu.memory_space<vmem>> -> memref<128xi32, #tpu.memory_space<vmem>>
      %dma_wait3A_234 = arith.constant 0 : i32
      %dma_wait3A_235 = arith.constant 0 : i32
      %dma_wait3A_236 = tpu.memref_slice %arg12[%dma_wait3A_234, %dma_wait3A_235] : memref<10240x32xf32, #tpu.memory_space<vmem_shared>> -> memref<10240x32xf32, #tpu.memory_space<vmem_shared>>
      tpu.wait_indirect_dma semaphore(%arg22 : memref<!tpu.dma_semaphore, #tpu.memory_space<semaphore_mem>>) src(%dma_wait3A_230 : memref<128x32xf32, #tpu.memory_space<vmem>>) dst(%dma_wait3A_236 : memref<10240x32xf32, #tpu.memory_space<vmem_shared>>)
      %lt3A_237 = arith.constant 12 : i32
      %lt3A_238 = arith.cmpi slt, %add3A_150, %lt3A_237 : i32
      %convert_element_type3A_239 = arith.extui %lt3A_238 : i1 to i32
      %cond3A_240 = arith.constant 0 : i32
      %cond3A_241 = arith.cmpi ne, %convert_element_type3A_239, %cond3A_240 : i32
      scf.if %cond3A_241 {
        %add3A_452 = arith.constant 6 : i32
        %add3A_453 = arith.addi %add3A_198, %add3A_452 : i32
        %dma_start3A_454 = arith.constant 1 : i32
        %dma_start3A_455 = arith.constant 0 : i32
        %dma_start3A_456 = arith.constant 0 : i32
        %dma_start3A_457 = tpu.memref_slice %arg10[%dma_start3A_454, %dma_start3A_455, %dma_start3A_456] : memref<6x128x32xf32, #tpu.memory_space<vmem>> -> memref<1x128x32xf32, #tpu.memory_space<vmem>>
        %dma_start3A_458 = tpu.memref_squeeze %dma_start3A_457 : memref<1x128x32xf32, #tpu.memory_space<vmem>> -> memref<128x32xf32, #tpu.memory_space<vmem>>
        %dma_start3A_459 = arith.constant 0 : i32
        %dma_start3A_460 = tpu.memref_slice %arg8[%add3A_453, %dma_start3A_459] : memref<79x128xi32, #tpu.memory_space<vmem>> -> memref<1x128xi32, #tpu.memory_space<vmem>>
        %dma_start3A_461 = tpu.memref_squeeze %dma_start3A_460 : memref<1x128xi32, #tpu.memory_space<vmem>> -> memref<128xi32, #tpu.memory_space<vmem>>
        %dma_start3A_462 = arith.constant 0 : i32
        %dma_start3A_463 = arith.constant 0 : i32
        %dma_start3A_464 = tpu.memref_slice %arg2[%dma_start3A_462, %dma_start3A_463] : memref<10000x32xf32, #tpu.memory_space<hbm>> -> memref<10000x32xf32, #tpu.memory_space<hbm>>
        tpu.enqueue_indirect_dma source(%dma_start3A_464 : memref<10000x32xf32, #tpu.memory_space<hbm>>) target(%dma_start3A_458 : memref<128x32xf32, #tpu.memory_space<vmem>>) offsets(%dma_start3A_461 : memref<128xi32, #tpu.memory_space<vmem>>) semaphore(%arg16 : memref<!tpu.dma_semaphore, #tpu.memory_space<semaphore_mem>>)
      } else {
      }
      %add3A_242 = arith.constant 2 : i32
      %add3A_243 = arith.addi %mul3A_152, %add3A_242 : i32
      %dma_wait3A_244 = arith.constant 2 : i32
      %dma_wait3A_245 = arith.constant 0 : i32
      %dma_wait3A_246 = arith.constant 0 : i32
      %dma_wait3A_247 = tpu.memref_slice %arg10[%dma_wait3A_244, %dma_wait3A_245, %dma_wait3A_246] : memref<6x128x32xf32, #tpu.memory_space<vmem>> -> memref<1x128x32xf32, #tpu.memory_space<vmem>>
      %dma_wait3A_248 = tpu.memref_squeeze %dma_wait3A_247 : memref<1x128x32xf32, #tpu.memory_space<vmem>> -> memref<128x32xf32, #tpu.memory_space<vmem>>
      %dma_wait3A_249 = arith.constant 0 : i32
      %dma_wait3A_250 = tpu.memref_slice %arg8[%add3A_243, %dma_wait3A_249] : memref<79x128xi32, #tpu.memory_space<vmem>> -> memref<1x128xi32, #tpu.memory_space<vmem>>
      %dma_wait3A_251 = tpu.memref_squeeze %dma_wait3A_250 : memref<1x128xi32, #tpu.memory_space<vmem>> -> memref<128xi32, #tpu.memory_space<vmem>>
      %dma_wait3A_252 = arith.constant 0 : i32
      %dma_wait3A_253 = arith.constant 0 : i32
      %dma_wait3A_254 = tpu.memref_slice %arg2[%dma_wait3A_252, %dma_wait3A_253] : memref<10000x32xf32, #tpu.memory_space<hbm>> -> memref<10000x32xf32, #tpu.memory_space<hbm>>
      tpu.wait_indirect_dma semaphore(%arg17 : memref<!tpu.dma_semaphore, #tpu.memory_space<semaphore_mem>>) src(%dma_wait3A_254 : memref<10000x32xf32, #tpu.memory_space<hbm>>) dst(%dma_wait3A_248 : memref<128x32xf32, #tpu.memory_space<vmem>>)
      %dma_start3A_255 = arith.constant 2 : i32
      %dma_start3A_256 = arith.constant 0 : i32
      %dma_start3A_257 = arith.constant 0 : i32
      %dma_start3A_258 = tpu.memref_slice %arg10[%dma_start3A_255, %dma_start3A_256, %dma_start3A_257] : memref<6x128x32xf32, #tpu.memory_space<vmem>> -> memref<1x128x32xf32, #tpu.memory_space<vmem>>
      %dma_start3A_259 = tpu.memref_squeeze %dma_start3A_258 : memref<1x128x32xf32, #tpu.memory_space<vmem>> -> memref<128x32xf32, #tpu.memory_space<vmem>>
      %dma_start3A_260 = arith.constant 0 : i32
      %dma_start3A_261 = tpu.memref_slice %arg9[%add3A_243, %dma_start3A_260] : memref<79x128xi32, #tpu.memory_space<vmem>> -> memref<1x128xi32, #tpu.memory_space<vmem>>
      %dma_start3A_262 = tpu.memref_squeeze %dma_start3A_261 : memref<1x128xi32, #tpu.memory_space<vmem>> -> memref<128xi32, #tpu.memory_space<vmem>>
      %dma_start3A_263 = arith.constant 0 : i32
      %dma_start3A_264 = arith.constant 0 : i32
      %dma_start3A_265 = tpu.memref_slice %arg12[%dma_start3A_263, %dma_start3A_264] : memref<10240x32xf32, #tpu.memory_space<vmem_shared>> -> memref<10240x32xf32, #tpu.memory_space<vmem_shared>>
      tpu.enqueue_indirect_dma source(%dma_start3A_259 : memref<128x32xf32, #tpu.memory_space<vmem>>) target(%dma_start3A_265 : memref<10240x32xf32, #tpu.memory_space<vmem_shared>>) offsets(%dma_start3A_262 : memref<128xi32, #tpu.memory_space<vmem>>) semaphore(%arg23 : memref<!tpu.dma_semaphore, #tpu.memory_space<semaphore_mem>>) {add = true}
      %dma_start3A_266 = arith.constant 0 : i32
      %dma_start3A_267 = tpu.memref_slice %arg9[%add3A_243, %dma_start3A_266] : memref<79x128xi32, #tpu.memory_space<vmem>> -> memref<1x128xi32, #tpu.memory_space<vmem>>
      %dma_start3A_268 = tpu.memref_squeeze %dma_start3A_267 : memref<1x128xi32, #tpu.memory_space<vmem>> -> memref<128xi32, #tpu.memory_space<vmem>>
      %dma_start3A_269 = arith.constant 0 : i32
      %dma_start3A_270 = tpu.memref_slice %arg13[%dma_start3A_269] : memref<10240xf32, #tpu.memory_space<vmem_shared>> -> memref<10240xf32, #tpu.memory_space<vmem_shared>>
      tpu.enqueue_indirect_dma source(%arg11 : memref<128xf32, #tpu.memory_space<vmem>>) target(%dma_start3A_270 : memref<10240xf32, #tpu.memory_space<vmem_shared>>) offsets(%dma_start3A_268 : memref<128xi32, #tpu.memory_space<vmem>>) semaphore(%arg14 : memref<!tpu.dma_semaphore, #tpu.memory_space<semaphore_mem>>) {add = true}
      %dma_wait3A_271 = arith.constant 2 : i32
      %dma_wait3A_272 = arith.constant 0 : i32
      %dma_wait3A_273 = arith.constant 0 : i32
      %dma_wait3A_274 = tpu.memref_slice %arg10[%dma_wait3A_271, %dma_wait3A_272, %dma_wait3A_273] : memref<6x128x32xf32, #tpu.memory_space<vmem>> -> memref<1x128x32xf32, #tpu.memory_space<vmem>>
      %dma_wait3A_275 = tpu.memref_squeeze %dma_wait3A_274 : memref<1x128x32xf32, #tpu.memory_space<vmem>> -> memref<128x32xf32, #tpu.memory_space<vmem>>
      %dma_wait3A_276 = arith.constant 0 : i32
      %dma_wait3A_277 = tpu.memref_slice %arg9[%add3A_243, %dma_wait3A_276] : memref<79x128xi32, #tpu.memory_space<vmem>> -> memref<1x128xi32, #tpu.memory_space<vmem>>
      %dma_wait3A_278 = tpu.memref_squeeze %dma_wait3A_277 : memref<1x128xi32, #tpu.memory_space<vmem>> -> memref<128xi32, #tpu.memory_space<vmem>>
      %dma_wait3A_279 = arith.constant 0 : i32
      %dma_wait3A_280 = arith.constant 0 : i32
      %dma_wait3A_281 = tpu.memref_slice %arg12[%dma_wait3A_279, %dma_wait3A_280] : memref<10240x32xf32, #tpu.memory_space<vmem_shared>> -> memref<10240x32xf32, #tpu.memory_space<vmem_shared>>
      tpu.wait_indirect_dma semaphore(%arg23 : memref<!tpu.dma_semaphore, #tpu.memory_space<semaphore_mem>>) src(%dma_wait3A_275 : memref<128x32xf32, #tpu.memory_space<vmem>>) dst(%dma_wait3A_281 : memref<10240x32xf32, #tpu.memory_space<vmem_shared>>)
      %lt3A_282 = arith.constant 12 : i32
      %lt3A_283 = arith.cmpi slt, %add3A_150, %lt3A_282 : i32
      %convert_element_type3A_284 = arith.extui %lt3A_283 : i1 to i32
      %cond3A_285 = arith.constant 0 : i32
      %cond3A_286 = arith.cmpi ne, %convert_element_type3A_284, %cond3A_285 : i32
      scf.if %cond3A_286 {
        %add3A_452 = arith.constant 6 : i32
        %add3A_453 = arith.addi %add3A_243, %add3A_452 : i32
        %dma_start3A_454 = arith.constant 2 : i32
        %dma_start3A_455 = arith.constant 0 : i32
        %dma_start3A_456 = arith.constant 0 : i32
        %dma_start3A_457 = tpu.memref_slice %arg10[%dma_start3A_454, %dma_start3A_455, %dma_start3A_456] : memref<6x128x32xf32, #tpu.memory_space<vmem>> -> memref<1x128x32xf32, #tpu.memory_space<vmem>>
        %dma_start3A_458 = tpu.memref_squeeze %dma_start3A_457 : memref<1x128x32xf32, #tpu.memory_space<vmem>> -> memref<128x32xf32, #tpu.memory_space<vmem>>
        %dma_start3A_459 = arith.constant 0 : i32
        %dma_start3A_460 = tpu.memref_slice %arg8[%add3A_453, %dma_start3A_459] : memref<79x128xi32, #tpu.memory_space<vmem>> -> memref<1x128xi32, #tpu.memory_space<vmem>>
        %dma_start3A_461 = tpu.memref_squeeze %dma_start3A_460 : memref<1x128xi32, #tpu.memory_space<vmem>> -> memref<128xi32, #tpu.memory_space<vmem>>
        %dma_start3A_462 = arith.constant 0 : i32
        %dma_start3A_463 = arith.constant 0 : i32
        %dma_start3A_464 = tpu.memref_slice %arg2[%dma_start3A_462, %dma_start3A_463] : memref<10000x32xf32, #tpu.memory_space<hbm>> -> memref<10000x32xf32, #tpu.memory_space<hbm>>
        tpu.enqueue_indirect_dma source(%dma_start3A_464 : memref<10000x32xf32, #tpu.memory_space<hbm>>) target(%dma_start3A_458 : memref<128x32xf32, #tpu.memory_space<vmem>>) offsets(%dma_start3A_461 : memref<128xi32, #tpu.memory_space<vmem>>) semaphore(%arg17 : memref<!tpu.dma_semaphore, #tpu.memory_space<semaphore_mem>>)
      } else {
      }
      %add3A_287 = arith.constant 3 : i32
      %add3A_288 = arith.addi %mul3A_152, %add3A_287 : i32
      %dma_wait3A_289 = arith.constant 3 : i32
      %dma_wait3A_290 = arith.constant 0 : i32
      %dma_wait3A_291 = arith.constant 0 : i32
      %dma_wait3A_292 = tpu.memref_slice %arg10[%dma_wait3A_289, %dma_wait3A_290, %dma_wait3A_291] : memref<6x128x32xf32, #tpu.memory_space<vmem>> -> memref<1x128x32xf32, #tpu.memory_space<vmem>>
      %dma_wait3A_293 = tpu.memref_squeeze %dma_wait3A_292 : memref<1x128x32xf32, #tpu.memory_space<vmem>> -> memref<128x32xf32, #tpu.memory_space<vmem>>
      %dma_wait3A_294 = arith.constant 0 : i32
      %dma_wait3A_295 = tpu.memref_slice %arg8[%add3A_288, %dma_wait3A_294] : memref<79x128xi32, #tpu.memory_space<vmem>> -> memref<1x128xi32, #tpu.memory_space<vmem>>
      %dma_wait3A_296 = tpu.memref_squeeze %dma_wait3A_295 : memref<1x128xi32, #tpu.memory_space<vmem>> -> memref<128xi32, #tpu.memory_space<vmem>>
      %dma_wait3A_297 = arith.constant 0 : i32
      %dma_wait3A_298 = arith.constant 0 : i32
      %dma_wait3A_299 = tpu.memref_slice %arg2[%dma_wait3A_297, %dma_wait3A_298] : memref<10000x32xf32, #tpu.memory_space<hbm>> -> memref<10000x32xf32, #tpu.memory_space<hbm>>
      tpu.wait_indirect_dma semaphore(%arg18 : memref<!tpu.dma_semaphore, #tpu.memory_space<semaphore_mem>>) src(%dma_wait3A_299 : memref<10000x32xf32, #tpu.memory_space<hbm>>) dst(%dma_wait3A_293 : memref<128x32xf32, #tpu.memory_space<vmem>>)
      %dma_start3A_300 = arith.constant 3 : i32
      %dma_start3A_301 = arith.constant 0 : i32
      %dma_start3A_302 = arith.constant 0 : i32
      %dma_start3A_303 = tpu.memref_slice %arg10[%dma_start3A_300, %dma_start3A_301, %dma_start3A_302] : memref<6x128x32xf32, #tpu.memory_space<vmem>> -> memref<1x128x32xf32, #tpu.memory_space<vmem>>
      %dma_start3A_304 = tpu.memref_squeeze %dma_start3A_303 : memref<1x128x32xf32, #tpu.memory_space<vmem>> -> memref<128x32xf32, #tpu.memory_space<vmem>>
      %dma_start3A_305 = arith.constant 0 : i32
      %dma_start3A_306 = tpu.memref_slice %arg9[%add3A_288, %dma_start3A_305] : memref<79x128xi32, #tpu.memory_space<vmem>> -> memref<1x128xi32, #tpu.memory_space<vmem>>
      %dma_start3A_307 = tpu.memref_squeeze %dma_start3A_306 : memref<1x128xi32, #tpu.memory_space<vmem>> -> memref<128xi32, #tpu.memory_space<vmem>>
      %dma_start3A_308 = arith.constant 0 : i32
      %dma_start3A_309 = arith.constant 0 : i32
      %dma_start3A_310 = tpu.memref_slice %arg12[%dma_start3A_308, %dma_start3A_309] : memref<10240x32xf32, #tpu.memory_space<vmem_shared>> -> memref<10240x32xf32, #tpu.memory_space<vmem_shared>>
      tpu.enqueue_indirect_dma source(%dma_start3A_304 : memref<128x32xf32, #tpu.memory_space<vmem>>) target(%dma_start3A_310 : memref<10240x32xf32, #tpu.memory_space<vmem_shared>>) offsets(%dma_start3A_307 : memref<128xi32, #tpu.memory_space<vmem>>) semaphore(%arg24 : memref<!tpu.dma_semaphore, #tpu.memory_space<semaphore_mem>>) {add = true}
      %dma_start3A_311 = arith.constant 0 : i32
      %dma_start3A_312 = tpu.memref_slice %arg9[%add3A_288, %dma_start3A_311] : memref<79x128xi32, #tpu.memory_space<vmem>> -> memref<1x128xi32, #tpu.memory_space<vmem>>
      %dma_start3A_313 = tpu.memref_squeeze %dma_start3A_312 : memref<1x128xi32, #tpu.memory_space<vmem>> -> memref<128xi32, #tpu.memory_space<vmem>>
      %dma_start3A_314 = arith.constant 0 : i32
      %dma_start3A_315 = tpu.memref_slice %arg13[%dma_start3A_314] : memref<10240xf32, #tpu.memory_space<vmem_shared>> -> memref<10240xf32, #tpu.memory_space<vmem_shared>>
      tpu.enqueue_indirect_dma source(%arg11 : memref<128xf32, #tpu.memory_space<vmem>>) target(%dma_start3A_315 : memref<10240xf32, #tpu.memory_space<vmem_shared>>) offsets(%dma_start3A_313 : memref<128xi32, #tpu.memory_space<vmem>>) semaphore(%arg14 : memref<!tpu.dma_semaphore, #tpu.memory_space<semaphore_mem>>) {add = true}
      %dma_wait3A_316 = arith.constant 3 : i32
      %dma_wait3A_317 = arith.constant 0 : i32
      %dma_wait3A_318 = arith.constant 0 : i32
      %dma_wait3A_319 = tpu.memref_slice %arg10[%dma_wait3A_316, %dma_wait3A_317, %dma_wait3A_318] : memref<6x128x32xf32, #tpu.memory_space<vmem>> -> memref<1x128x32xf32, #tpu.memory_space<vmem>>
      %dma_wait3A_320 = tpu.memref_squeeze %dma_wait3A_319 : memref<1x128x32xf32, #tpu.memory_space<vmem>> -> memref<128x32xf32, #tpu.memory_space<vmem>>
      %dma_wait3A_321 = arith.constant 0 : i32
      %dma_wait3A_322 = tpu.memref_slice %arg9[%add3A_288, %dma_wait3A_321] : memref<79x128xi32, #tpu.memory_space<vmem>> -> memref<1x128xi32, #tpu.memory_space<vmem>>
      %dma_wait3A_323 = tpu.memref_squeeze %dma_wait3A_322 : memref<1x128xi32, #tpu.memory_space<vmem>> -> memref<128xi32, #tpu.memory_space<vmem>>
      %dma_wait3A_324 = arith.constant 0 : i32
      %dma_wait3A_325 = arith.constant 0 : i32
      %dma_wait3A_326 = tpu.memref_slice %arg12[%dma_wait3A_324, %dma_wait3A_325] : memref<10240x32xf32, #tpu.memory_space<vmem_shared>> -> memref<10240x32xf32, #tpu.memory_space<vmem_shared>>
      tpu.wait_indirect_dma semaphore(%arg24 : memref<!tpu.dma_semaphore, #tpu.memory_space<semaphore_mem>>) src(%dma_wait3A_320 : memref<128x32xf32, #tpu.memory_space<vmem>>) dst(%dma_wait3A_326 : memref<10240x32xf32, #tpu.memory_space<vmem_shared>>)
      %lt3A_327 = arith.constant 12 : i32
      %lt3A_328 = arith.cmpi slt, %add3A_150, %lt3A_327 : i32
      %convert_element_type3A_329 = arith.extui %lt3A_328 : i1 to i32
      %cond3A_330 = arith.constant 0 : i32
      %cond3A_331 = arith.cmpi ne, %convert_element_type3A_329, %cond3A_330 : i32
      scf.if %cond3A_331 {
        %add3A_452 = arith.constant 6 : i32
        %add3A_453 = arith.addi %add3A_288, %add3A_452 : i32
        %dma_start3A_454 = arith.constant 3 : i32
        %dma_start3A_455 = arith.constant 0 : i32
        %dma_start3A_456 = arith.constant 0 : i32
        %dma_start3A_457 = tpu.memref_slice %arg10[%dma_start3A_454, %dma_start3A_455, %dma_start3A_456] : memref<6x128x32xf32, #tpu.memory_space<vmem>> -> memref<1x128x32xf32, #tpu.memory_space<vmem>>
        %dma_start3A_458 = tpu.memref_squeeze %dma_start3A_457 : memref<1x128x32xf32, #tpu.memory_space<vmem>> -> memref<128x32xf32, #tpu.memory_space<vmem>>
        %dma_start3A_459 = arith.constant 0 : i32
        %dma_start3A_460 = tpu.memref_slice %arg8[%add3A_453, %dma_start3A_459] : memref<79x128xi32, #tpu.memory_space<vmem>> -> memref<1x128xi32, #tpu.memory_space<vmem>>
        %dma_start3A_461 = tpu.memref_squeeze %dma_start3A_460 : memref<1x128xi32, #tpu.memory_space<vmem>> -> memref<128xi32, #tpu.memory_space<vmem>>
        %dma_start3A_462 = arith.constant 0 : i32
        %dma_start3A_463 = arith.constant 0 : i32
        %dma_start3A_464 = tpu.memref_slice %arg2[%dma_start3A_462, %dma_start3A_463] : memref<10000x32xf32, #tpu.memory_space<hbm>> -> memref<10000x32xf32, #tpu.memory_space<hbm>>
        tpu.enqueue_indirect_dma source(%dma_start3A_464 : memref<10000x32xf32, #tpu.memory_space<hbm>>) target(%dma_start3A_458 : memref<128x32xf32, #tpu.memory_space<vmem>>) offsets(%dma_start3A_461 : memref<128xi32, #tpu.memory_space<vmem>>) semaphore(%arg18 : memref<!tpu.dma_semaphore, #tpu.memory_space<semaphore_mem>>)
      } else {
      }
      %add3A_332 = arith.constant 4 : i32
      %add3A_333 = arith.addi %mul3A_152, %add3A_332 : i32
      %dma_wait3A_334 = arith.constant 4 : i32
      %dma_wait3A_335 = arith.constant 0 : i32
      %dma_wait3A_336 = arith.constant 0 : i32
      %dma_wait3A_337 = tpu.memref_slice %arg10[%dma_wait3A_334, %dma_wait3A_335, %dma_wait3A_336] : memref<6x128x32xf32, #tpu.memory_space<vmem>> -> memref<1x128x32xf32, #tpu.memory_space<vmem>>
      %dma_wait3A_338 = tpu.memref_squeeze %dma_wait3A_337 : memref<1x128x32xf32, #tpu.memory_space<vmem>> -> memref<128x32xf32, #tpu.memory_space<vmem>>
      %dma_wait3A_339 = arith.constant 0 : i32
      %dma_wait3A_340 = tpu.memref_slice %arg8[%add3A_333, %dma_wait3A_339] : memref<79x128xi32, #tpu.memory_space<vmem>> -> memref<1x128xi32, #tpu.memory_space<vmem>>
      %dma_wait3A_341 = tpu.memref_squeeze %dma_wait3A_340 : memref<1x128xi32, #tpu.memory_space<vmem>> -> memref<128xi32, #tpu.memory_space<vmem>>
      %dma_wait3A_342 = arith.constant 0 : i32
      %dma_wait3A_343 = arith.constant 0 : i32
      %dma_wait3A_344 = tpu.memref_slice %arg2[%dma_wait3A_342, %dma_wait3A_343] : memref<10000x32xf32, #tpu.memory_space<hbm>> -> memref<10000x32xf32, #tpu.memory_space<hbm>>
      tpu.wait_indirect_dma semaphore(%arg19 : memref<!tpu.dma_semaphore, #tpu.memory_space<semaphore_mem>>) src(%dma_wait3A_344 : memref<10000x32xf32, #tpu.memory_space<hbm>>) dst(%dma_wait3A_338 : memref<128x32xf32, #tpu.memory_space<vmem>>)
      %dma_start3A_345 = arith.constant 4 : i32
      %dma_start3A_346 = arith.constant 0 : i32
      %dma_start3A_347 = arith.constant 0 : i32
      %dma_start3A_348 = tpu.memref_slice %arg10[%dma_start3A_345, %dma_start3A_346, %dma_start3A_347] : memref<6x128x32xf32, #tpu.memory_space<vmem>> -> memref<1x128x32xf32, #tpu.memory_space<vmem>>
      %dma_start3A_349 = tpu.memref_squeeze %dma_start3A_348 : memref<1x128x32xf32, #tpu.memory_space<vmem>> -> memref<128x32xf32, #tpu.memory_space<vmem>>
      %dma_start3A_350 = arith.constant 0 : i32
      %dma_start3A_351 = tpu.memref_slice %arg9[%add3A_333, %dma_start3A_350] : memref<79x128xi32, #tpu.memory_space<vmem>> -> memref<1x128xi32, #tpu.memory_space<vmem>>
      %dma_start3A_352 = tpu.memref_squeeze %dma_start3A_351 : memref<1x128xi32, #tpu.memory_space<vmem>> -> memref<128xi32, #tpu.memory_space<vmem>>
      %dma_start3A_353 = arith.constant 0 : i32
      %dma_start3A_354 = arith.constant 0 : i32
      %dma_start3A_355 = tpu.memref_slice %arg12[%dma_start3A_353, %dma_start3A_354] : memref<10240x32xf32, #tpu.memory_space<vmem_shared>> -> memref<10240x32xf32, #tpu.memory_space<vmem_shared>>
      tpu.enqueue_indirect_dma source(%dma_start3A_349 : memref<128x32xf32, #tpu.memory_space<vmem>>) target(%dma_start3A_355 : memref<10240x32xf32, #tpu.memory_space<vmem_shared>>) offsets(%dma_start3A_352 : memref<128xi32, #tpu.memory_space<vmem>>) semaphore(%arg25 : memref<!tpu.dma_semaphore, #tpu.memory_space<semaphore_mem>>) {add = true}
      %dma_start3A_356 = arith.constant 0 : i32
      %dma_start3A_357 = tpu.memref_slice %arg9[%add3A_333, %dma_start3A_356] : memref<79x128xi32, #tpu.memory_space<vmem>> -> memref<1x128xi32, #tpu.memory_space<vmem>>
      %dma_start3A_358 = tpu.memref_squeeze %dma_start3A_357 : memref<1x128xi32, #tpu.memory_space<vmem>> -> memref<128xi32, #tpu.memory_space<vmem>>
      %dma_start3A_359 = arith.constant 0 : i32
      %dma_start3A_360 = tpu.memref_slice %arg13[%dma_start3A_359] : memref<10240xf32, #tpu.memory_space<vmem_shared>> -> memref<10240xf32, #tpu.memory_space<vmem_shared>>
      tpu.enqueue_indirect_dma source(%arg11 : memref<128xf32, #tpu.memory_space<vmem>>) target(%dma_start3A_360 : memref<10240xf32, #tpu.memory_space<vmem_shared>>) offsets(%dma_start3A_358 : memref<128xi32, #tpu.memory_space<vmem>>) semaphore(%arg14 : memref<!tpu.dma_semaphore, #tpu.memory_space<semaphore_mem>>) {add = true}
      %dma_wait3A_361 = arith.constant 4 : i32
      %dma_wait3A_362 = arith.constant 0 : i32
      %dma_wait3A_363 = arith.constant 0 : i32
      %dma_wait3A_364 = tpu.memref_slice %arg10[%dma_wait3A_361, %dma_wait3A_362, %dma_wait3A_363] : memref<6x128x32xf32, #tpu.memory_space<vmem>> -> memref<1x128x32xf32, #tpu.memory_space<vmem>>
      %dma_wait3A_365 = tpu.memref_squeeze %dma_wait3A_364 : memref<1x128x32xf32, #tpu.memory_space<vmem>> -> memref<128x32xf32, #tpu.memory_space<vmem>>
      %dma_wait3A_366 = arith.constant 0 : i32
      %dma_wait3A_367 = tpu.memref_slice %arg9[%add3A_333, %dma_wait3A_366] : memref<79x128xi32, #tpu.memory_space<vmem>> -> memref<1x128xi32, #tpu.memory_space<vmem>>
      %dma_wait3A_368 = tpu.memref_squeeze %dma_wait3A_367 : memref<1x128xi32, #tpu.memory_space<vmem>> -> memref<128xi32, #tpu.memory_space<vmem>>
      %dma_wait3A_369 = arith.constant 0 : i32
      %dma_wait3A_370 = arith.constant 0 : i32
      %dma_wait3A_371 = tpu.memref_slice %arg12[%dma_wait3A_369, %dma_wait3A_370] : memref<10240x32xf32, #tpu.memory_space<vmem_shared>> -> memref<10240x32xf32, #tpu.memory_space<vmem_shared>>
      tpu.wait_indirect_dma semaphore(%arg25 : memref<!tpu.dma_semaphore, #tpu.memory_space<semaphore_mem>>) src(%dma_wait3A_365 : memref<128x32xf32, #tpu.memory_space<vmem>>) dst(%dma_wait3A_371 : memref<10240x32xf32, #tpu.memory_space<vmem_shared>>)
      %lt3A_372 = arith.constant 12 : i32
      %lt3A_373 = arith.cmpi slt, %add3A_150, %lt3A_372 : i32
      %convert_element_type3A_374 = arith.extui %lt3A_373 : i1 to i32
      %cond3A_375 = arith.constant 0 : i32
      %cond3A_376 = arith.cmpi ne, %convert_element_type3A_374, %cond3A_375 : i32
      scf.if %cond3A_376 {
        %add3A_452 = arith.constant 6 : i32
        %add3A_453 = arith.addi %add3A_333, %add3A_452 : i32
        %dma_start3A_454 = arith.constant 4 : i32
        %dma_start3A_455 = arith.constant 0 : i32
        %dma_start3A_456 = arith.constant 0 : i32
        %dma_start3A_457 = tpu.memref_slice %arg10[%dma_start3A_454, %dma_start3A_455, %dma_start3A_456] : memref<6x128x32xf32, #tpu.memory_space<vmem>> -> memref<1x128x32xf32, #tpu.memory_space<vmem>>
        %dma_start3A_458 = tpu.memref_squeeze %dma_start3A_457 : memref<1x128x32xf32, #tpu.memory_space<vmem>> -> memref<128x32xf32, #tpu.memory_space<vmem>>
        %dma_start3A_459 = arith.constant 0 : i32
        %dma_start3A_460 = tpu.memref_slice %arg8[%add3A_453, %dma_start3A_459] : memref<79x128xi32, #tpu.memory_space<vmem>> -> memref<1x128xi32, #tpu.memory_space<vmem>>
        %dma_start3A_461 = tpu.memref_squeeze %dma_start3A_460 : memref<1x128xi32, #tpu.memory_space<vmem>> -> memref<128xi32, #tpu.memory_space<vmem>>
        %dma_start3A_462 = arith.constant 0 : i32
        %dma_start3A_463 = arith.constant 0 : i32
        %dma_start3A_464 = tpu.memref_slice %arg2[%dma_start3A_462, %dma_start3A_463] : memref<10000x32xf32, #tpu.memory_space<hbm>> -> memref<10000x32xf32, #tpu.memory_space<hbm>>
        tpu.enqueue_indirect_dma source(%dma_start3A_464 : memref<10000x32xf32, #tpu.memory_space<hbm>>) target(%dma_start3A_458 : memref<128x32xf32, #tpu.memory_space<vmem>>) offsets(%dma_start3A_461 : memref<128xi32, #tpu.memory_space<vmem>>) semaphore(%arg19 : memref<!tpu.dma_semaphore, #tpu.memory_space<semaphore_mem>>)
      } else {
      }
      %add3A_377 = arith.constant 5 : i32
      %add3A_378 = arith.addi %mul3A_152, %add3A_377 : i32
      %dma_wait3A_379 = arith.constant 5 : i32
      %dma_wait3A_380 = arith.constant 0 : i32
      %dma_wait3A_381 = arith.constant 0 : i32
      %dma_wait3A_382 = tpu.memref_slice %arg10[%dma_wait3A_379, %dma_wait3A_380, %dma_wait3A_381] : memref<6x128x32xf32, #tpu.memory_space<vmem>> -> memref<1x128x32xf32, #tpu.memory_space<vmem>>
      %dma_wait3A_383 = tpu.memref_squeeze %dma_wait3A_382 : memref<1x128x32xf32, #tpu.memory_space<vmem>> -> memref<128x32xf32, #tpu.memory_space<vmem>>
      %dma_wait3A_384 = arith.constant 0 : i32
      %dma_wait3A_385 = tpu.memref_slice %arg8[%add3A_378, %dma_wait3A_384] : memref<79x128xi32, #tpu.memory_space<vmem>> -> memref<1x128xi32, #tpu.memory_space<vmem>>
      %dma_wait3A_386 = tpu.memref_squeeze %dma_wait3A_385 : memref<1x128xi32, #tpu.memory_space<vmem>> -> memref<128xi32, #tpu.memory_space<vmem>>
      %dma_wait3A_387 = arith.constant 0 : i32
      %dma_wait3A_388 = arith.constant 0 : i32
      %dma_wait3A_389 = tpu.memref_slice %arg2[%dma_wait3A_387, %dma_wait3A_388] : memref<10000x32xf32, #tpu.memory_space<hbm>> -> memref<10000x32xf32, #tpu.memory_space<hbm>>
      tpu.wait_indirect_dma semaphore(%arg20 : memref<!tpu.dma_semaphore, #tpu.memory_space<semaphore_mem>>) src(%dma_wait3A_389 : memref<10000x32xf32, #tpu.memory_space<hbm>>) dst(%dma_wait3A_383 : memref<128x32xf32, #tpu.memory_space<vmem>>)
      %dma_start3A_390 = arith.constant 5 : i32
      %dma_start3A_391 = arith.constant 0 : i32
      %dma_start3A_392 = arith.constant 0 : i32
      %dma_start3A_393 = tpu.memref_slice %arg10[%dma_start3A_390, %dma_start3A_391, %dma_start3A_392] : memref<6x128x32xf32, #tpu.memory_space<vmem>> -> memref<1x128x32xf32, #tpu.memory_space<vmem>>
      %dma_start3A_394 = tpu.memref_squeeze %dma_start3A_393 : memref<1x128x32xf32, #tpu.memory_space<vmem>> -> memref<128x32xf32, #tpu.memory_space<vmem>>
      %dma_start3A_395 = arith.constant 0 : i32
      %dma_start3A_396 = tpu.memref_slice %arg9[%add3A_378, %dma_start3A_395] : memref<79x128xi32, #tpu.memory_space<vmem>> -> memref<1x128xi32, #tpu.memory_space<vmem>>
      %dma_start3A_397 = tpu.memref_squeeze %dma_start3A_396 : memref<1x128xi32, #tpu.memory_space<vmem>> -> memref<128xi32, #tpu.memory_space<vmem>>
      %dma_start3A_398 = arith.constant 0 : i32
      %dma_start3A_399 = arith.constant 0 : i32
      %dma_start3A_400 = tpu.memref_slice %arg12[%dma_start3A_398, %dma_start3A_399] : memref<10240x32xf32, #tpu.memory_space<vmem_shared>> -> memref<10240x32xf32, #tpu.memory_space<vmem_shared>>
      tpu.enqueue_indirect_dma source(%dma_start3A_394 : memref<128x32xf32, #tpu.memory_space<vmem>>) target(%dma_start3A_400 : memref<10240x32xf32, #tpu.memory_space<vmem_shared>>) offsets(%dma_start3A_397 : memref<128xi32, #tpu.memory_space<vmem>>) semaphore(%arg26 : memref<!tpu.dma_semaphore, #tpu.memory_space<semaphore_mem>>) {add = true}
      %dma_start3A_401 = arith.constant 0 : i32
      %dma_start3A_402 = tpu.memref_slice %arg9[%add3A_378, %dma_start3A_401] : memref<79x128xi32, #tpu.memory_space<vmem>> -> memref<1x128xi32, #tpu.memory_space<vmem>>
      %dma_start3A_403 = tpu.memref_squeeze %dma_start3A_402 : memref<1x128xi32, #tpu.memory_space<vmem>> -> memref<128xi32, #tpu.memory_space<vmem>>
      %dma_start3A_404 = arith.constant 0 : i32
      %dma_start3A_405 = tpu.memref_slice %arg13[%dma_start3A_404] : memref<10240xf32, #tpu.memory_space<vmem_shared>> -> memref<10240xf32, #tpu.memory_space<vmem_shared>>
      tpu.enqueue_indirect_dma source(%arg11 : memref<128xf32, #tpu.memory_space<vmem>>) target(%dma_start3A_405 : memref<10240xf32, #tpu.memory_space<vmem_shared>>) offsets(%dma_start3A_403 : memref<128xi32, #tpu.memory_space<vmem>>) semaphore(%arg14 : memref<!tpu.dma_semaphore, #tpu.memory_space<semaphore_mem>>) {add = true}
      %dma_wait3A_406 = arith.constant 5 : i32
      %dma_wait3A_407 = arith.constant 0 : i32
      %dma_wait3A_408 = arith.constant 0 : i32
      %dma_wait3A_409 = tpu.memref_slice %arg10[%dma_wait3A_406, %dma_wait3A_407, %dma_wait3A_408] : memref<6x128x32xf32, #tpu.memory_space<vmem>> -> memref<1x128x32xf32, #tpu.memory_space<vmem>>
      %dma_wait3A_410 = tpu.memref_squeeze %dma_wait3A_409 : memref<1x128x32xf32, #tpu.memory_space<vmem>> -> memref<128x32xf32, #tpu.memory_space<vmem>>
      %dma_wait3A_411 = arith.constant 0 : i32
      %dma_wait3A_412 = tpu.memref_slice %arg9[%add3A_378, %dma_wait3A_411] : memref<79x128xi32, #tpu.memory_space<vmem>> -> memref<1x128xi32, #tpu.memory_space<vmem>>
      %dma_wait3A_413 = tpu.memref_squeeze %dma_wait3A_412 : memref<1x128xi32, #tpu.memory_space<vmem>> -> memref<128xi32, #tpu.memory_space<vmem>>
      %dma_wait3A_414 = arith.constant 0 : i32
      %dma_wait3A_415 = arith.constant 0 : i32
      %dma_wait3A_416 = tpu.memref_slice %arg12[%dma_wait3A_414, %dma_wait3A_415] : memref<10240x32xf32, #tpu.memory_space<vmem_shared>> -> memref<10240x32xf32, #tpu.memory_space<vmem_shared>>
      tpu.wait_indirect_dma semaphore(%arg26 : memref<!tpu.dma_semaphore, #tpu.memory_space<semaphore_mem>>) src(%dma_wait3A_410 : memref<128x32xf32, #tpu.memory_space<vmem>>) dst(%dma_wait3A_416 : memref<10240x32xf32, #tpu.memory_space<vmem_shared>>)
      %lt3A_417 = arith.constant 12 : i32
      %lt3A_418 = arith.cmpi slt, %add3A_150, %lt3A_417 : i32
      %convert_element_type3A_419 = arith.extui %lt3A_418 : i1 to i32
      %cond3A_420 = arith.constant 0 : i32
      %cond3A_421 = arith.cmpi ne, %convert_element_type3A_419, %cond3A_420 : i32
      scf.if %cond3A_421 {
        %add3A_452 = arith.constant 6 : i32
        %add3A_453 = arith.addi %add3A_378, %add3A_452 : i32
        %dma_start3A_454 = arith.constant 5 : i32
        %dma_start3A_455 = arith.constant 0 : i32
        %dma_start3A_456 = arith.constant 0 : i32
        %dma_start3A_457 = tpu.memref_slice %arg10[%dma_start3A_454, %dma_start3A_455, %dma_start3A_456] : memref<6x128x32xf32, #tpu.memory_space<vmem>> -> memref<1x128x32xf32, #tpu.memory_space<vmem>>
        %dma_start3A_458 = tpu.memref_squeeze %dma_start3A_457 : memref<1x128x32xf32, #tpu.memory_space<vmem>> -> memref<128x32xf32, #tpu.memory_space<vmem>>
        %dma_start3A_459 = arith.constant 0 : i32
        %dma_start3A_460 = tpu.memref_slice %arg8[%add3A_453, %dma_start3A_459] : memref<79x128xi32, #tpu.memory_space<vmem>> -> memref<1x128xi32, #tpu.memory_space<vmem>>
        %dma_start3A_461 = tpu.memref_squeeze %dma_start3A_460 : memref<1x128xi32, #tpu.memory_space<vmem>> -> memref<128xi32, #tpu.memory_space<vmem>>
        %dma_start3A_462 = arith.constant 0 : i32
        %dma_start3A_463 = arith.constant 0 : i32
        %dma_start3A_464 = tpu.memref_slice %arg2[%dma_start3A_462, %dma_start3A_463] : memref<10000x32xf32, #tpu.memory_space<hbm>> -> memref<10000x32xf32, #tpu.memory_space<hbm>>
        tpu.enqueue_indirect_dma source(%dma_start3A_464 : memref<10000x32xf32, #tpu.memory_space<hbm>>) target(%dma_start3A_458 : memref<128x32xf32, #tpu.memory_space<vmem>>) offsets(%dma_start3A_461 : memref<128xi32, #tpu.memory_space<vmem>>) semaphore(%arg20 : memref<!tpu.dma_semaphore, #tpu.memory_space<semaphore_mem>>)
      } else {
      }
      %dma_wait3A_422 = arith.constant 0 : i32
      %dma_wait3A_423 = tpu.memref_slice %arg9[%add3A_154, %dma_wait3A_422] : memref<79x128xi32, #tpu.memory_space<vmem>> -> memref<1x128xi32, #tpu.memory_space<vmem>>
      %dma_wait3A_424 = tpu.memref_squeeze %dma_wait3A_423 : memref<1x128xi32, #tpu.memory_space<vmem>> -> memref<128xi32, #tpu.memory_space<vmem>>
      %dma_wait3A_425 = arith.constant 0 : i32
      %dma_wait3A_426 = tpu.memref_slice %arg13[%dma_wait3A_425] : memref<10240xf32, #tpu.memory_space<vmem_shared>> -> memref<10240xf32, #tpu.memory_space<vmem_shared>>
      tpu.wait_indirect_dma semaphore(%arg14 : memref<!tpu.dma_semaphore, #tpu.memory_space<semaphore_mem>>) src(%arg11 : memref<128xf32, #tpu.memory_space<vmem>>) dst(%dma_wait3A_426 : memref<10240xf32, #tpu.memory_space<vmem_shared>>)
      %dma_wait3A_427 = arith.constant 0 : i32
      %dma_wait3A_428 = tpu.memref_slice %arg9[%add3A_198, %dma_wait3A_427] : memref<79x128xi32, #tpu.memory_space<vmem>> -> memref<1x128xi32, #tpu.memory_space<vmem>>
      %dma_wait3A_429 = tpu.memref_squeeze %dma_wait3A_428 : memref<1x128xi32, #tpu.memory_space<vmem>> -> memref<128xi32, #tpu.memory_space<vmem>>
      %dma_wait3A_430 = arith.constant 0 : i32
      %dma_wait3A_431 = tpu.memref_slice %arg13[%dma_wait3A_430] : memref<10240xf32, #tpu.memory_space<vmem_shared>> -> memref<10240xf32, #tpu.memory_space<vmem_shared>>
      tpu.wait_indirect_dma semaphore(%arg14 : memref<!tpu.dma_semaphore, #tpu.memory_space<semaphore_mem>>) src(%arg11 : memref<128xf32, #tpu.memory_space<vmem>>) dst(%dma_wait3A_431 : memref<10240xf32, #tpu.memory_space<vmem_shared>>)
      %dma_wait3A_432 = arith.constant 0 : i32
      %dma_wait3A_433 = tpu.memref_slice %arg9[%add3A_243, %dma_wait3A_432] : memref<79x128xi32, #tpu.memory_space<vmem>> -> memref<1x128xi32, #tpu.memory_space<vmem>>
      %dma_wait3A_434 = tpu.memref_squeeze %dma_wait3A_433 : memref<1x128xi32, #tpu.memory_space<vmem>> -> memref<128xi32, #tpu.memory_space<vmem>>
      %dma_wait3A_435 = arith.constant 0 : i32
      %dma_wait3A_436 = tpu.memref_slice %arg13[%dma_wait3A_435] : memref<10240xf32, #tpu.memory_space<vmem_shared>> -> memref<10240xf32, #tpu.memory_space<vmem_shared>>
      tpu.wait_indirect_dma semaphore(%arg14 : memref<!tpu.dma_semaphore, #tpu.memory_space<semaphore_mem>>) src(%arg11 : memref<128xf32, #tpu.memory_space<vmem>>) dst(%dma_wait3A_436 : memref<10240xf32, #tpu.memory_space<vmem_shared>>)
      %dma_wait3A_437 = arith.constant 0 : i32
      %dma_wait3A_438 = tpu.memref_slice %arg9[%add3A_288, %dma_wait3A_437] : memref<79x128xi32, #tpu.memory_space<vmem>> -> memref<1x128xi32, #tpu.memory_space<vmem>>
      %dma_wait3A_439 = tpu.memref_squeeze %dma_wait3A_438 : memref<1x128xi32, #tpu.memory_space<vmem>> -> memref<128xi32, #tpu.memory_space<vmem>>
      %dma_wait3A_440 = arith.constant 0 : i32
      %dma_wait3A_441 = tpu.memref_slice %arg13[%dma_wait3A_440] : memref<10240xf32, #tpu.memory_space<vmem_shared>> -> memref<10240xf32, #tpu.memory_space<vmem_shared>>
      tpu.wait_indirect_dma semaphore(%arg14 : memref<!tpu.dma_semaphore, #tpu.memory_space<semaphore_mem>>) src(%arg11 : memref<128xf32, #tpu.memory_space<vmem>>) dst(%dma_wait3A_441 : memref<10240xf32, #tpu.memory_space<vmem_shared>>)
      %dma_wait3A_442 = arith.constant 0 : i32
      %dma_wait3A_443 = tpu.memref_slice %arg9[%add3A_333, %dma_wait3A_442] : memref<79x128xi32, #tpu.memory_space<vmem>> -> memref<1x128xi32, #tpu.memory_space<vmem>>
      %dma_wait3A_444 = tpu.memref_squeeze %dma_wait3A_443 : memref<1x128xi32, #tpu.memory_space<vmem>> -> memref<128xi32, #tpu.memory_space<vmem>>
      %dma_wait3A_445 = arith.constant 0 : i32
      %dma_wait3A_446 = tpu.memref_slice %arg13[%dma_wait3A_445] : memref<10240xf32, #tpu.memory_space<vmem_shared>> -> memref<10240xf32, #tpu.memory_space<vmem_shared>>
      tpu.wait_indirect_dma semaphore(%arg14 : memref<!tpu.dma_semaphore, #tpu.memory_space<semaphore_mem>>) src(%arg11 : memref<128xf32, #tpu.memory_space<vmem>>) dst(%dma_wait3A_446 : memref<10240xf32, #tpu.memory_space<vmem_shared>>)
      %dma_wait3A_447 = arith.constant 0 : i32
      %dma_wait3A_448 = tpu.memref_slice %arg9[%add3A_378, %dma_wait3A_447] : memref<79x128xi32, #tpu.memory_space<vmem>> -> memref<1x128xi32, #tpu.memory_space<vmem>>
      %dma_wait3A_449 = tpu.memref_squeeze %dma_wait3A_448 : memref<1x128xi32, #tpu.memory_space<vmem>> -> memref<128xi32, #tpu.memory_space<vmem>>
      %dma_wait3A_450 = arith.constant 0 : i32
      %dma_wait3A_451 = tpu.memref_slice %arg13[%dma_wait3A_450] : memref<10240xf32, #tpu.memory_space<vmem_shared>> -> memref<10240xf32, #tpu.memory_space<vmem_shared>>
      tpu.wait_indirect_dma semaphore(%arg14 : memref<!tpu.dma_semaphore, #tpu.memory_space<semaphore_mem>>) src(%arg11 : memref<128xf32, #tpu.memory_space<vmem>>) dst(%dma_wait3A_451 : memref<10240xf32, #tpu.memory_space<vmem_shared>>)
    }
    %scan3A_134 = arith.constant 13 : i32
    %lt3A = arith.constant 4 : i32
    %lt3A_135 = arith.cmpi slt, %add3A, %lt3A : i32
    %convert_element_type3A = arith.extui %lt3A_135 : i1 to i32
    %cond3A = arith.constant 0 : i32
    %cond3A_136 = arith.cmpi ne, %convert_element_type3A, %cond3A : i32
    scf.if %cond3A_136 {
      %add3A_146 = arith.constant 78 : i32
      %add3A_147 = arith.addi %add3A_58, %add3A_146 : i32
      %run_scoped3A_148 = arith.constant 0 : i32
      "tpu.region"() ({
        %run_scoped3A_178 = tpu.sem_alloc : memref<!tpu.dma_semaphore, #tpu.memory_space<semaphore_mem>>
        %dma_start3A_179 = arith.constant 78 : i32
        %dma_start3A_180 = arith.constant 0 : i32
        %dma_start3A_181 = tpu.memref_slice %arg8[%dma_start3A_179, %dma_start3A_180] : memref<79x128xi32, #tpu.memory_space<vmem>> -> memref<1x128xi32, #tpu.memory_space<vmem>>
        %dma_start3A_182 = arith.constant 0 : i32
        %dma_start3A_183 = tpu.memref_slice %arg3[%run_scoped3A_148, %add3A_147, %dma_start3A_182] : memref<2x2500x128xi32, #tpu.memory_space<hbm>> -> memref<1x1x128xi32, #tpu.memory_space<hbm>>
        %dma_start3A_184 = tpu.memref_squeeze %dma_start3A_183 : memref<1x1x128xi32, #tpu.memory_space<hbm>> -> memref<1x128xi32, #tpu.memory_space<hbm>>
        %dma_start3A_185 = arith.constant 78 : i32
        %dma_start3A_186 = arith.constant 0 : i32
        %dma_start3A_187 = tpu.memref_slice %arg8[%dma_start3A_185, %dma_start3A_186] : memref<79x128xi32, #tpu.memory_space<vmem>> -> memref<1x128xi32, #tpu.memory_space<vmem>>
        %dma_start3A_188 = arith.constant 0 : i32
        %dma_start3A_189 = tpu.memref_slice %arg3[%run_scoped3A_148, %add3A_147, %dma_start3A_188] : memref<2x2500x128xi32, #tpu.memory_space<hbm>> -> memref<1x1x128xi32, #tpu.memory_space<hbm>>
        %dma_start3A_190 = tpu.memref_squeeze %dma_start3A_189 : memref<1x1x128xi32, #tpu.memory_space<hbm>> -> memref<1x128xi32, #tpu.memory_space<hbm>>
        tpu.enqueue_dma source(%dma_start3A_190 : memref<1x128xi32, #tpu.memory_space<hbm>>) target(%dma_start3A_187 : memref<1x128xi32, #tpu.memory_space<vmem>>) target_semaphore(%run_scoped3A_178 : memref<!tpu.dma_semaphore, #tpu.memory_space<semaphore_mem>>)
        %dma_wait3A_191 = arith.constant 78 : i32
        %dma_wait3A_192 = arith.constant 0 : i32
        %dma_wait3A_193 = tpu.memref_slice %arg8[%dma_wait3A_191, %dma_wait3A_192] : memref<79x128xi32, #tpu.memory_space<vmem>> -> memref<1x128xi32, #tpu.memory_space<vmem>>
        %dma_wait3A_194 = arith.constant 0 : i32
        %dma_wait3A_195 = tpu.memref_slice %arg3[%run_scoped3A_148, %add3A_147, %dma_wait3A_194] : memref<2x2500x128xi32, #tpu.memory_space<hbm>> -> memref<1x1x128xi32, #tpu.memory_space<hbm>>
        %dma_wait3A_196 = tpu.memref_squeeze %dma_wait3A_195 : memref<1x1x128xi32, #tpu.memory_space<hbm>> -> memref<1x128xi32, #tpu.memory_space<hbm>>
        %dma_wait3A_197 = arith.constant 78 : i32
        %dma_wait3A_198 = arith.constant 0 : i32
        %dma_wait3A_199 = tpu.memref_slice %arg8[%dma_wait3A_197, %dma_wait3A_198] : memref<79x128xi32, #tpu.memory_space<vmem>> -> memref<1x128xi32, #tpu.memory_space<vmem>>
        %dma_wait3A_200 = arith.constant 0 : i32
        %dma_wait3A_201 = tpu.memref_slice %arg3[%run_scoped3A_148, %add3A_147, %dma_wait3A_200] : memref<2x2500x128xi32, #tpu.memory_space<hbm>> -> memref<1x1x128xi32, #tpu.memory_space<hbm>>
        %dma_wait3A_202 = tpu.memref_squeeze %dma_wait3A_201 : memref<1x1x128xi32, #tpu.memory_space<hbm>> -> memref<1x128xi32, #tpu.memory_space<hbm>>
        tpu.wait_dma2 semaphore(%run_scoped3A_178 : memref<!tpu.dma_semaphore, #tpu.memory_space<semaphore_mem>>) src(%dma_wait3A_202 : memref<1x128xi32, #tpu.memory_space<hbm>>) dst(%dma_wait3A_199 : memref<1x128xi32, #tpu.memory_space<vmem>>)
        tpu.yield
      }) : () -> ()
      %add3A_149 = arith.constant 78 : i32
      %add3A_150 = arith.addi %add3A_58, %add3A_149 : i32
      %run_scoped3A_151 = arith.constant 1 : i32
      "tpu.region"() ({
        %run_scoped3A_178 = tpu.sem_alloc : memref<!tpu.dma_semaphore, #tpu.memory_space<semaphore_mem>>
        %dma_start3A_179 = arith.constant 78 : i32
        %dma_start3A_180 = arith.constant 0 : i32
        %dma_start3A_181 = tpu.memref_slice %arg9[%dma_start3A_179, %dma_start3A_180] : memref<79x128xi32, #tpu.memory_space<vmem>> -> memref<1x128xi32, #tpu.memory_space<vmem>>
        %dma_start3A_182 = arith.constant 0 : i32
        %dma_start3A_183 = tpu.memref_slice %arg3[%run_scoped3A_151, %add3A_150, %dma_start3A_182] : memref<2x2500x128xi32, #tpu.memory_space<hbm>> -> memref<1x1x128xi32, #tpu.memory_space<hbm>>
        %dma_start3A_184 = tpu.memref_squeeze %dma_start3A_183 : memref<1x1x128xi32, #tpu.memory_space<hbm>> -> memref<1x128xi32, #tpu.memory_space<hbm>>
        %dma_start3A_185 = arith.constant 78 : i32
        %dma_start3A_186 = arith.constant 0 : i32
        %dma_start3A_187 = tpu.memref_slice %arg9[%dma_start3A_185, %dma_start3A_186] : memref<79x128xi32, #tpu.memory_space<vmem>> -> memref<1x128xi32, #tpu.memory_space<vmem>>
        %dma_start3A_188 = arith.constant 0 : i32
        %dma_start3A_189 = tpu.memref_slice %arg3[%run_scoped3A_151, %add3A_150, %dma_start3A_188] : memref<2x2500x128xi32, #tpu.memory_space<hbm>> -> memref<1x1x128xi32, #tpu.memory_space<hbm>>
        %dma_start3A_190 = tpu.memref_squeeze %dma_start3A_189 : memref<1x1x128xi32, #tpu.memory_space<hbm>> -> memref<1x128xi32, #tpu.memory_space<hbm>>
        tpu.enqueue_dma source(%dma_start3A_190 : memref<1x128xi32, #tpu.memory_space<hbm>>) target(%dma_start3A_187 : memref<1x128xi32, #tpu.memory_space<vmem>>) target_semaphore(%run_scoped3A_178 : memref<!tpu.dma_semaphore, #tpu.memory_space<semaphore_mem>>)
        %dma_wait3A_191 = arith.constant 78 : i32
        %dma_wait3A_192 = arith.constant 0 : i32
        %dma_wait3A_193 = tpu.memref_slice %arg9[%dma_wait3A_191, %dma_wait3A_192] : memref<79x128xi32, #tpu.memory_space<vmem>> -> memref<1x128xi32, #tpu.memory_space<vmem>>
        %dma_wait3A_194 = arith.constant 0 : i32
        %dma_wait3A_195 = tpu.memref_slice %arg3[%run_scoped3A_151, %add3A_150, %dma_wait3A_194] : memref<2x2500x128xi32, #tpu.memory_space<hbm>> -> memref<1x1x128xi32, #tpu.memory_space<hbm>>
        %dma_wait3A_196 = tpu.memref_squeeze %dma_wait3A_195 : memref<1x1x128xi32, #tpu.memory_space<hbm>> -> memref<1x128xi32, #tpu.memory_space<hbm>>
        %dma_wait3A_197 = arith.constant 78 : i32
        %dma_wait3A_198 = arith.constant 0 : i32
        %dma_wait3A_199 = tpu.memref_slice %arg9[%dma_wait3A_197, %dma_wait3A_198] : memref<79x128xi32, #tpu.memory_space<vmem>> -> memref<1x128xi32, #tpu.memory_space<vmem>>
        %dma_wait3A_200 = arith.constant 0 : i32
        %dma_wait3A_201 = tpu.memref_slice %arg3[%run_scoped3A_151, %add3A_150, %dma_wait3A_200] : memref<2x2500x128xi32, #tpu.memory_space<hbm>> -> memref<1x1x128xi32, #tpu.memory_space<hbm>>
        %dma_wait3A_202 = tpu.memref_squeeze %dma_wait3A_201 : memref<1x1x128xi32, #tpu.memory_space<hbm>> -> memref<1x128xi32, #tpu.memory_space<hbm>>
        tpu.wait_dma2 semaphore(%run_scoped3A_178 : memref<!tpu.dma_semaphore, #tpu.memory_space<semaphore_mem>>) src(%dma_wait3A_202 : memref<1x128xi32, #tpu.memory_space<hbm>>) dst(%dma_wait3A_199 : memref<1x128xi32, #tpu.memory_space<vmem>>)
        tpu.yield
      }) : () -> ()
      %dma_start3A_152 = arith.constant 78 : i32
      %dma_start3A_153 = arith.constant 0 : i32
      %dma_start3A_154 = arith.constant 0 : i32
      %dma_start3A_155 = arith.constant 0 : i32
      %dma_start3A_156 = tpu.memref_slice %arg10[%dma_start3A_153, %dma_start3A_154, %dma_start3A_155] : memref<6x128x32xf32, #tpu.memory_space<vmem>> -> memref<1x128x32xf32, #tpu.memory_space<vmem>>
      %dma_start3A_157 = tpu.memref_squeeze %dma_start3A_156 : memref<1x128x32xf32, #tpu.memory_space<vmem>> -> memref<128x32xf32, #tpu.memory_space<vmem>>
      %dma_start3A_158 = arith.constant 0 : i32
      %dma_start3A_159 = tpu.memref_slice %arg8[%dma_start3A_152, %dma_start3A_158] : memref<79x128xi32, #tpu.memory_space<vmem>> -> memref<1x128xi32, #tpu.memory_space<vmem>>
      %dma_start3A_160 = tpu.memref_squeeze %dma_start3A_159 : memref<1x128xi32, #tpu.memory_space<vmem>> -> memref<128xi32, #tpu.memory_space<vmem>>
      %dma_start3A_161 = arith.constant 0 : i32
      %dma_start3A_162 = arith.constant 0 : i32
      %dma_start3A_163 = tpu.memref_slice %arg2[%dma_start3A_161, %dma_start3A_162] : memref<10000x32xf32, #tpu.memory_space<hbm>> -> memref<10000x32xf32, #tpu.memory_space<hbm>>
      tpu.enqueue_indirect_dma source(%dma_start3A_163 : memref<10000x32xf32, #tpu.memory_space<hbm>>) target(%dma_start3A_157 : memref<128x32xf32, #tpu.memory_space<vmem>>) offsets(%dma_start3A_160 : memref<128xi32, #tpu.memory_space<vmem>>) semaphore(%arg15 : memref<!tpu.dma_semaphore, #tpu.memory_space<semaphore_mem>>)
      %dma_wait3A = arith.constant 78 : i32
      %dma_wait3A_164 = arith.constant 0 : i32
      %dma_wait3A_165 = arith.constant 0 : i32
      %dma_wait3A_166 = arith.constant 0 : i32
      %dma_wait3A_167 = tpu.memref_slice %arg10[%dma_wait3A_164, %dma_wait3A_165, %dma_wait3A_166] : memref<6x128x32xf32, #tpu.memory_space<vmem>> -> memref<1x128x32xf32, #tpu.memory_space<vmem>>
      %dma_wait3A_168 = tpu.memref_squeeze %dma_wait3A_167 : memref<1x128x32xf32, #tpu.memory_space<vmem>> -> memref<128x32xf32, #tpu.memory_space<vmem>>
      %dma_wait3A_169 = arith.constant 0 : i32
      %dma_wait3A_170 = tpu.memref_slice %arg8[%dma_wait3A, %dma_wait3A_169] : memref<79x128xi32, #tpu.memory_space<vmem>> -> memref<1x128xi32, #tpu.memory_space<vmem>>
      %dma_wait3A_171 = tpu.memref_squeeze %dma_wait3A_170 : memref<1x128xi32, #tpu.memory_space<vmem>> -> memref<128xi32, #tpu.memory_space<vmem>>
      %dma_wait3A_172 = arith.constant 0 : i32
      %dma_wait3A_173 = arith.constant 0 : i32
      %dma_wait3A_174 = tpu.memref_slice %arg2[%dma_wait3A_172, %dma_wait3A_173] : memref<10000x32xf32, #tpu.memory_space<hbm>> -> memref<10000x32xf32, #tpu.memory_space<hbm>>
      tpu.wait_indirect_dma semaphore(%arg15 : memref<!tpu.dma_semaphore, #tpu.memory_space<semaphore_mem>>) src(%dma_wait3A_174 : memref<10000x32xf32, #tpu.memory_space<hbm>>) dst(%dma_wait3A_168 : memref<128x32xf32, #tpu.memory_space<vmem>>)
      %run_scoped3A_175 = arith.constant 0 : i32
      %run_scoped3A_176 = arith.constant 78 : i32
      "tpu.region"() ({
        %run_scoped3A_178 = tpu.sem_alloc : memref<!tpu.dma_semaphore, #tpu.memory_space<semaphore_mem>>
        %dma_start3A_179 = arith.constant 0 : i32
        %dma_start3A_180 = arith.constant 0 : i32
        %dma_start3A_181 = tpu.memref_slice %arg10[%run_scoped3A_175, %dma_start3A_179, %dma_start3A_180] : memref<6x128x32xf32, #tpu.memory_space<vmem>> -> memref<1x128x32xf32, #tpu.memory_space<vmem>>
        %dma_start3A_182 = tpu.memref_squeeze %dma_start3A_181 : memref<1x128x32xf32, #tpu.memory_space<vmem>> -> memref<128x32xf32, #tpu.memory_space<vmem>>
        %dma_start3A_183 = arith.constant 0 : i32
        %dma_start3A_184 = tpu.memref_slice %arg9[%run_scoped3A_176, %dma_start3A_183] : memref<79x128xi32, #tpu.memory_space<vmem>> -> memref<1x128xi32, #tpu.memory_space<vmem>>
        %dma_start3A_185 = tpu.memref_squeeze %dma_start3A_184 : memref<1x128xi32, #tpu.memory_space<vmem>> -> memref<128xi32, #tpu.memory_space<vmem>>
        %dma_start3A_186 = arith.constant 0 : i32
        %dma_start3A_187 = arith.constant 0 : i32
        %dma_start3A_188 = tpu.memref_slice %arg12[%dma_start3A_186, %dma_start3A_187] : memref<10240x32xf32, #tpu.memory_space<vmem_shared>> -> memref<10240x32xf32, #tpu.memory_space<vmem_shared>>
        tpu.enqueue_indirect_dma source(%dma_start3A_182 : memref<128x32xf32, #tpu.memory_space<vmem>>) target(%dma_start3A_188 : memref<10240x32xf32, #tpu.memory_space<vmem_shared>>) offsets(%dma_start3A_185 : memref<128xi32, #tpu.memory_space<vmem>>) semaphore(%run_scoped3A_178 : memref<!tpu.dma_semaphore, #tpu.memory_space<semaphore_mem>>) {add = true}
        %dma_wait3A_189 = arith.constant 0 : i32
        %dma_wait3A_190 = arith.constant 0 : i32
        %dma_wait3A_191 = tpu.memref_slice %arg10[%run_scoped3A_175, %dma_wait3A_189, %dma_wait3A_190] : memref<6x128x32xf32, #tpu.memory_space<vmem>> -> memref<1x128x32xf32, #tpu.memory_space<vmem>>
        %dma_wait3A_192 = tpu.memref_squeeze %dma_wait3A_191 : memref<1x128x32xf32, #tpu.memory_space<vmem>> -> memref<128x32xf32, #tpu.memory_space<vmem>>
        %dma_wait3A_193 = arith.constant 0 : i32
        %dma_wait3A_194 = tpu.memref_slice %arg9[%run_scoped3A_176, %dma_wait3A_193] : memref<79x128xi32, #tpu.memory_space<vmem>> -> memref<1x128xi32, #tpu.memory_space<vmem>>
        %dma_wait3A_195 = tpu.memref_squeeze %dma_wait3A_194 : memref<1x128xi32, #tpu.memory_space<vmem>> -> memref<128xi32, #tpu.memory_space<vmem>>
        %dma_wait3A_196 = arith.constant 0 : i32
        %dma_wait3A_197 = arith.constant 0 : i32
        %dma_wait3A_198 = tpu.memref_slice %arg12[%dma_wait3A_196, %dma_wait3A_197] : memref<10240x32xf32, #tpu.memory_space<vmem_shared>> -> memref<10240x32xf32, #tpu.memory_space<vmem_shared>>
        tpu.wait_indirect_dma semaphore(%run_scoped3A_178 : memref<!tpu.dma_semaphore, #tpu.memory_space<semaphore_mem>>) src(%dma_wait3A_192 : memref<128x32xf32, #tpu.memory_space<vmem>>) dst(%dma_wait3A_198 : memref<10240x32xf32, #tpu.memory_space<vmem_shared>>)
        tpu.yield
      }) : () -> ()
      %run_scoped3A_177 = arith.constant 78 : i32
      "tpu.region"() ({
        %run_scoped3A_178 = tpu.sem_alloc : memref<!tpu.dma_semaphore, #tpu.memory_space<semaphore_mem>>
        %dma_start3A_179 = arith.constant 0 : i32
        %dma_start3A_180 = tpu.memref_slice %arg9[%run_scoped3A_177, %dma_start3A_179] : memref<79x128xi32, #tpu.memory_space<vmem>> -> memref<1x128xi32, #tpu.memory_space<vmem>>
        %dma_start3A_181 = tpu.memref_squeeze %dma_start3A_180 : memref<1x128xi32, #tpu.memory_space<vmem>> -> memref<128xi32, #tpu.memory_space<vmem>>
        %dma_start3A_182 = arith.constant 0 : i32
        %dma_start3A_183 = tpu.memref_slice %arg13[%dma_start3A_182] : memref<10240xf32, #tpu.memory_space<vmem_shared>> -> memref<10240xf32, #tpu.memory_space<vmem_shared>>
        tpu.enqueue_indirect_dma source(%arg11 : memref<128xf32, #tpu.memory_space<vmem>>) target(%dma_start3A_183 : memref<10240xf32, #tpu.memory_space<vmem_shared>>) offsets(%dma_start3A_181 : memref<128xi32, #tpu.memory_space<vmem>>) semaphore(%run_scoped3A_178 : memref<!tpu.dma_semaphore, #tpu.memory_space<semaphore_mem>>) {add = true}
        %dma_wait3A_184 = arith.constant 0 : i32
        %dma_wait3A_185 = tpu.memref_slice %arg9[%run_scoped3A_177, %dma_wait3A_184] : memref<79x128xi32, #tpu.memory_space<vmem>> -> memref<1x128xi32, #tpu.memory_space<vmem>>
        %dma_wait3A_186 = tpu.memref_squeeze %dma_wait3A_185 : memref<1x128xi32, #tpu.memory_space<vmem>> -> memref<128xi32, #tpu.memory_space<vmem>>
        %dma_wait3A_187 = arith.constant 0 : i32
        %dma_wait3A_188 = tpu.memref_slice %arg13[%dma_wait3A_187] : memref<10240xf32, #tpu.memory_space<vmem_shared>> -> memref<10240xf32, #tpu.memory_space<vmem_shared>>
        tpu.wait_indirect_dma semaphore(%run_scoped3A_178 : memref<!tpu.dma_semaphore, #tpu.memory_space<semaphore_mem>>) src(%arg11 : memref<128xf32, #tpu.memory_space<vmem>>) dst(%dma_wait3A_188 : memref<10240xf32, #tpu.memory_space<vmem_shared>>)
        tpu.yield
      }) : () -> ()
    } else {
    }
    %barrier3A_137 = arith.constant 0 : index
    tpu.barrier barrier_id(%barrier3A_137)
    %mul3A_138 = arith.constant 640 : i32
    %mul3A_139 = arith.muli %arg1, %mul3A_138 : i32
    %mul3A_140 = arith.constant 640 : i32
    %mul3A_141 = arith.muli %arg1, %mul3A_140 : i32
    "tpu.region"() ({
      %run_scoped3A_146 = tpu.sem_alloc : memref<!tpu.dma_semaphore, #tpu.memory_space<semaphore_mem>>
      %dma_start3A_147 = arith.constant 0 : i32
      %dma_start3A_148 = tpu.memref_slice %arg6[%arg0, %mul3A_141, %dma_start3A_147] : memref<2x10240x32xf32, #tpu.memory_space<hbm>> -> memref<1x640x32xf32, #tpu.memory_space<hbm>>
      %dma_start3A_149 = tpu.memref_squeeze %dma_start3A_148 : memref<1x640x32xf32, #tpu.memory_space<hbm>> -> memref<640x32xf32, #tpu.memory_space<hbm>>
      %dma_start3A_150 = arith.constant 0 : i32
      %dma_start3A_151 = tpu.memref_slice %arg12[%mul3A_139, %dma_start3A_150] : memref<10240x32xf32, #tpu.memory_space<vmem_shared>> -> memref<640x32xf32, #tpu.memory_space<vmem_shared>>
      tpu.enqueue_dma source(%dma_start3A_151 : memref<640x32xf32, #tpu.memory_space<vmem_shared>>) target(%dma_start3A_149 : memref<640x32xf32, #tpu.memory_space<hbm>>) target_semaphore(%run_scoped3A_146 : memref<!tpu.dma_semaphore, #tpu.memory_space<semaphore_mem>>)
      %dma_wait3A = arith.constant 0 : i32
      %dma_wait3A_152 = tpu.memref_slice %arg6[%arg0, %mul3A_141, %dma_wait3A] : memref<2x10240x32xf32, #tpu.memory_space<hbm>> -> memref<1x640x32xf32, #tpu.memory_space<hbm>>
      %dma_wait3A_153 = tpu.memref_squeeze %dma_wait3A_152 : memref<1x640x32xf32, #tpu.memory_space<hbm>> -> memref<640x32xf32, #tpu.memory_space<hbm>>
      %dma_wait3A_154 = arith.constant 0 : i32
      %dma_wait3A_155 = tpu.memref_slice %arg12[%mul3A_139, %dma_wait3A_154] : memref<10240x32xf32, #tpu.memory_space<vmem_shared>> -> memref<640x32xf32, #tpu.memory_space<vmem_shared>>
      tpu.wait_dma2 semaphore(%run_scoped3A_146 : memref<!tpu.dma_semaphore, #tpu.memory_space<semaphore_mem>>) src(%dma_wait3A_155 : memref<640x32xf32, #tpu.memory_space<vmem_shared>>) dst(%dma_wait3A_153 : memref<640x32xf32, #tpu.memory_space<hbm>>)
      tpu.yield
    }) : () -> ()
    %mul3A_142 = arith.constant 640 : i32
    %mul3A_143 = arith.muli %arg1, %mul3A_142 : i32
    %mul3A_144 = arith.constant 640 : i32
    %mul3A_145 = arith.muli %arg1, %mul3A_144 : i32
    "tpu.region"() ({
      %run_scoped3A_146 = tpu.sem_alloc : memref<!tpu.dma_semaphore, #tpu.memory_space<semaphore_mem>>
      %dma_start3A_147 = tpu.memref_slice %arg7[%arg0, %mul3A_145] : memref<2x10240xf32, #tpu.memory_space<hbm>> -> memref<1x640xf32, #tpu.memory_space<hbm>>
      %dma_start3A_148 = tpu.memref_squeeze %dma_start3A_147 : memref<1x640xf32, #tpu.memory_space<hbm>> -> memref<640xf32, #tpu.memory_space<hbm>>
      %dma_start3A_149 = tpu.memref_slice %arg13[%mul3A_143] : memref<10240xf32, #tpu.memory_space<vmem_shared>> -> memref<640xf32, #tpu.memory_space<vmem_shared>>
      tpu.enqueue_dma source(%dma_start3A_149 : memref<640xf32, #tpu.memory_space<vmem_shared>>) target(%dma_start3A_148 : memref<640xf32, #tpu.memory_space<hbm>>) target_semaphore(%run_scoped3A_146 : memref<!tpu.dma_semaphore, #tpu.memory_space<semaphore_mem>>)
      %dma_wait3A = tpu.memref_slice %arg7[%arg0, %mul3A_145] : memref<2x10240xf32, #tpu.memory_space<hbm>> -> memref<1x640xf32, #tpu.memory_space<hbm>>
      %dma_wait3A_150 = tpu.memref_squeeze %dma_wait3A : memref<1x640xf32, #tpu.memory_space<hbm>> -> memref<640xf32, #tpu.memory_space<hbm>>
      %dma_wait3A_151 = tpu.memref_slice %arg13[%mul3A_143] : memref<10240xf32, #tpu.memory_space<vmem_shared>> -> memref<640xf32, #tpu.memory_space<vmem_shared>>
      tpu.wait_dma2 semaphore(%run_scoped3A_146 : memref<!tpu.dma_semaphore, #tpu.memory_space<semaphore_mem>>) src(%dma_wait3A_151 : memref<640xf32, #tpu.memory_space<vmem_shared>>) dst(%dma_wait3A_150 : memref<640xf32, #tpu.memory_space<hbm>>)
      tpu.yield
    }) : () -> ()
    return
  }
}

module attributes {stable_mosaic.version = 14 : i64} {
  func.func @_proj_body(%arg0: i32, %arg1: memref<5000x128xf32, #tpu.memory_space<vmem>>, %arg2: memref<32x128xf32, #tpu.memory_space<vmem>>, %arg3: memref<32x128xf32, #tpu.memory_space<vmem>>, %arg4: memref<1x32xf32, #tpu.memory_space<vmem>>, %arg5: memref<5000x32xf32, #tpu.memory_space<vmem>>, %arg6: memref<5000x32xf32, #tpu.memory_space<vmem>>) attributes {dimension_semantics = [#tpu.dimension_semantics<arbitrary>], iteration_bounds = array<i64: 2>, scalar_prefetch = 0 : i64, scratch_operands = 0 : i64, tpu.core_type = #tpu.core_type<tc>, window_params = [{transform_indices = @transform_0, window_bounds = array<i64: 5000, 128>}, {pipeline_mode = #tpu.pipeline_mode<synchronous>, transform_indices = @transform_1, window_bounds = array<i64: 32, 128>}, {pipeline_mode = #tpu.pipeline_mode<synchronous>, transform_indices = @transform_2, window_bounds = array<i64: 32, 128>}, {pipeline_mode = #tpu.pipeline_mode<synchronous>, transform_indices = @transform_3, window_bounds = array<i64: 1, 32>}, {transform_indices = @transform_4, window_bounds = array<i64: 5000, 32>}, {transform_indices = @transform_5, window_bounds = array<i64: 5000, 32>}]} {
    %get3A = arith.constant 0 : index
    %get3A_0 = arith.constant 0 : index
    %get3A_1 = vector.load %arg1[%get3A, %get3A_0] : memref<5000x128xf32, #tpu.memory_space<vmem>>, vector<5000x128xf32>
    %get3A_2 = arith.constant 0 : index
    %get3A_3 = arith.constant 0 : index
    %get3A_4 = vector.load %arg2[%get3A_2, %get3A_3] : memref<32x128xf32, #tpu.memory_space<vmem>>, vector<32x128xf32>
    %dot_general3A = arith.constant dense<0.000000e+00> : vector<5000x32xf32>
    %dot_general3A_5 = tpu.matmul %get3A_1, %get3A_4, %dot_general3A {dimension_numbers = #tpu.dot_dimension_numbers<[1], [1], [0], [0], [0, 0, 1, 0], [], []>, transpose_lhs_hint = false} : vector<5000x128xf32>, vector<32x128xf32>, vector<5000x32xf32> -> vector<5000x32xf32>
    %swap3A = arith.constant 0 : index
    %swap3A_6 = arith.constant 0 : index
    %swap3A_7 = vector.load %arg5[%swap3A, %swap3A_6] : memref<5000x32xf32, #tpu.memory_space<vmem>>, vector<5000x32xf32>
    tpu.vector_store %arg5[%swap3A, %swap3A_6], %dot_general3A_5 {strides = array<i32>} : memref<5000x32xf32, #tpu.memory_space<vmem>>, vector<5000x32xf32>,
    %get3A_8 = arith.constant 0 : index
    %get3A_9 = arith.constant 0 : index
    %get3A_10 = vector.load %arg3[%get3A_8, %get3A_9] : memref<32x128xf32, #tpu.memory_space<vmem>>, vector<32x128xf32>
    %dot_general3A_11 = arith.constant dense<0.000000e+00> : vector<5000x32xf32>
    %dot_general3A_12 = tpu.matmul %get3A_1, %get3A_10, %dot_general3A_11 {dimension_numbers = #tpu.dot_dimension_numbers<[1], [1], [0], [0], [0, 0, 1, 0], [], []>, transpose_lhs_hint = false} : vector<5000x128xf32>, vector<32x128xf32>, vector<5000x32xf32> -> vector<5000x32xf32>
    %get3A_13 = arith.constant 0 : index
    %get3A_14 = arith.constant 0 : index
    %get3A_15 = vector.load %arg4[%get3A_13, %get3A_14] : memref<1x32xf32, #tpu.memory_space<vmem>>, vector<1x32xf32>
    %add3A = vector.broadcast %get3A_15 : vector<1x32xf32> to vector<5000x32xf32>
    %add3A_16 = arith.addf %dot_general3A_12, %add3A : vector<5000x32xf32>
    %swap3A_17 = arith.constant 0 : index
    %swap3A_18 = arith.constant 0 : index
    %swap3A_19 = vector.load %arg6[%swap3A_17, %swap3A_18] : memref<5000x32xf32, #tpu.memory_space<vmem>>, vector<5000x32xf32>
    tpu.vector_store %arg6[%swap3A_17, %swap3A_18], %add3A_16 {strides = array<i32>} : memref<5000x32xf32, #tpu.memory_space<vmem>>, vector<5000x32xf32>,
    return
  }
  func.func @transform_0(%arg0: i32) -> (i32, i32) {
    %c0_i32 = arith.constant 0 : i32
    %c0_i32_0 = arith.constant 0 : i32
    return %arg0, %c0_i32 : i32, i32
  }
  func.func @transform_1(%arg0: i32) -> (i32, i32) {
    %c0_i32 = arith.constant 0 : i32
    %c0_i32_0 = arith.constant 0 : i32
    %c0_i32_1 = arith.constant 0 : i32
    return %c0_i32, %c0_i32_0 : i32, i32
  }
  func.func @transform_2(%arg0: i32) -> (i32, i32) {
    %c0_i32 = arith.constant 0 : i32
    %c0_i32_0 = arith.constant 0 : i32
    %c0_i32_1 = arith.constant 0 : i32
    return %c0_i32, %c0_i32_0 : i32, i32
  }
  func.func @transform_3(%arg0: i32) -> (i32, i32) {
    %c0_i32 = arith.constant 0 : i32
    %c0_i32_0 = arith.constant 0 : i32
    %c0_i32_1 = arith.constant 0 : i32
    return %c0_i32, %c0_i32_0 : i32, i32
  }
  func.func @transform_4(%arg0: i32) -> (i32, i32) {
    %c0_i32 = arith.constant 0 : i32
    %c0_i32_0 = arith.constant 0 : i32
    return %arg0, %c0_i32 : i32, i32
  }
  func.func @transform_5(%arg0: i32) -> (i32, i32) {
    %c0_i32 = arith.constant 0 : i32
    %c0_i32_0 = arith.constant 0 : i32
    return %arg0, %c0_i32 : i32, i32
  }
}

module attributes {stable_mosaic.version = 14 : i64} {
  func.func @_comb1_body(%arg0: i32, %arg1: memref<2x5000x32xf32, #tpu.memory_space<vmem>>, %arg2: memref<2x5000x1xf32, #tpu.memory_space<vmem>>, %arg3: memref<5000x32xf32, #tpu.memory_space<vmem>>, %arg4: memref<5000x32xf32, #tpu.memory_space<vmem>>) attributes {dimension_semantics = [#tpu.dimension_semantics<arbitrary>], iteration_bounds = array<i64: 2>, scalar_prefetch = 0 : i64, scratch_operands = 0 : i64, tpu.core_type = #tpu.core_type<tc>, window_params = [{transform_indices = @transform_0, window_bounds = array<i64: 2, 5000, 32>}, {transform_indices = @transform_1, window_bounds = array<i64: 2, 5000, 1>}, {transform_indices = @transform_2, window_bounds = array<i64: 5000, 32>}, {transform_indices = @transform_3, window_bounds = array<i64: 5000, 32>}]} {
    %get3A = arith.constant 0 : index
    %get3A_0 = arith.constant 0 : index
    %get3A_1 = arith.constant 0 : index
    %get3A_2 = vector.load %arg1[%get3A, %get3A_0, %get3A_1] : memref<2x5000x32xf32, #tpu.memory_space<vmem>>, vector<1x5000x32xf32>
    %get3A_3 = vector.shape_cast %get3A_2 : vector<1x5000x32xf32> to vector<5000x32xf32>
    %get3A_4 = arith.constant 1 : index
    %get3A_5 = arith.constant 0 : index
    %get3A_6 = arith.constant 0 : index
    %get3A_7 = vector.load %arg1[%get3A_4, %get3A_5, %get3A_6] : memref<2x5000x32xf32, #tpu.memory_space<vmem>>, vector<1x5000x32xf32>
    %get3A_8 = vector.shape_cast %get3A_7 : vector<1x5000x32xf32> to vector<5000x32xf32>
    %add3A = arith.addf %get3A_3, %get3A_8 : vector<5000x32xf32>
    %get3A_9 = arith.constant 0 : index
    %get3A_10 = arith.constant 0 : index
    %get3A_11 = arith.constant 0 : index
    %get3A_12 = vector.load %arg2[%get3A_9, %get3A_10, %get3A_11] : memref<2x5000x1xf32, #tpu.memory_space<vmem>>, vector<1x5000x1xf32>
    %get3A_13 = vector.shape_cast %get3A_12 : vector<1x5000x1xf32> to vector<5000x1xf32>
    %get3A_14 = arith.constant 1 : index
    %get3A_15 = arith.constant 0 : index
    %get3A_16 = arith.constant 0 : index
    %get3A_17 = vector.load %arg2[%get3A_14, %get3A_15, %get3A_16] : memref<2x5000x1xf32, #tpu.memory_space<vmem>>, vector<1x5000x1xf32>
    %get3A_18 = vector.shape_cast %get3A_17 : vector<1x5000x1xf32> to vector<5000x1xf32>
    %add3A_19 = arith.addf %get3A_13, %get3A_18 : vector<5000x1xf32>
    %max3A = arith.constant 1.000000e+00 : f32
    %max3A_20 = vector.broadcast %max3A : f32 to vector<5000x1xf32>
    %max3A_21 = arith.maximumf %add3A_19, %max3A_20 : vector<5000x1xf32>
    %div3A = vector.broadcast %max3A_21 : vector<5000x1xf32> to vector<5000x32xf32>
    %div3A_22 = arith.divf %add3A, %div3A : vector<5000x32xf32>
    %get3A_23 = arith.constant 0 : index
    %get3A_24 = arith.constant 0 : index
    %get3A_25 = vector.load %arg3[%get3A_23, %get3A_24] : memref<5000x32xf32, #tpu.memory_space<vmem>>, vector<5000x32xf32>
    %add3A_26 = arith.addf %div3A_22, %get3A_25 : vector<5000x32xf32>
    %mul3A = arith.mulf %add3A_26, %add3A_26 : vector<5000x32xf32>
    %reduce_sum3A = arith.constant dense<0.000000e+00> : vector<5000xf32>
    %reduce_sum3A_27 = vector.multi_reduction <add>, %mul3A, %reduce_sum3A [1] : vector<5000x32xf32> to vector<5000xf32>
    %broadcast_in_dim3A = vector.shape_cast %reduce_sum3A_27 : vector<5000xf32> to vector<5000x1xf32>
    %sqrt3A = math.sqrt %broadcast_in_dim3A : vector<5000x1xf32>
    %max3A_28 = arith.constant 9.99999996E-13 : f32
    %max3A_29 = vector.broadcast %max3A_28 : f32 to vector<5000x1xf32>
    %max3A_30 = arith.maximumf %sqrt3A, %max3A_29 : vector<5000x1xf32>
    %div3A_31 = vector.broadcast %max3A_30 : vector<5000x1xf32> to vector<5000x32xf32>
    %div3A_32 = arith.divf %add3A_26, %div3A_31 : vector<5000x32xf32>
    %max3A_33 = arith.constant 0.000000e+00 : f32
    %max3A_34 = vector.broadcast %max3A_33 : f32 to vector<5000x32xf32>
    %max3A_35 = arith.maximumf %div3A_32, %max3A_34 : vector<5000x32xf32>
    %swap3A = arith.constant 0 : index
    %swap3A_36 = arith.constant 0 : index
    %swap3A_37 = vector.load %arg4[%swap3A, %swap3A_36] : memref<5000x32xf32, #tpu.memory_space<vmem>>, vector<5000x32xf32>
    tpu.vector_store %arg4[%swap3A, %swap3A_36], %max3A_35 {strides = array<i32>} : memref<5000x32xf32, #tpu.memory_space<vmem>>, vector<5000x32xf32>,
    return
  }
  func.func @transform_0(%arg0: i32) -> (i32, i32, i32) {
    %c0_i32 = arith.constant 0 : i32
    %c0_i32_0 = arith.constant 0 : i32
    %c0_i32_1 = arith.constant 0 : i32
    return %c0_i32, %arg0, %c0_i32_0 : i32, i32, i32
  }
  func.func @transform_1(%arg0: i32) -> (i32, i32, i32) {
    %c0_i32 = arith.constant 0 : i32
    %c0_i32_0 = arith.constant 0 : i32
    %c0_i32_1 = arith.constant 0 : i32
    return %c0_i32, %arg0, %c0_i32_0 : i32, i32, i32
  }
  func.func @transform_2(%arg0: i32) -> (i32, i32) {
    %c0_i32 = arith.constant 0 : i32
    %c0_i32_0 = arith.constant 0 : i32
    return %arg0, %c0_i32 : i32, i32
  }
  func.func @transform_3(%arg0: i32) -> (i32, i32) {
    %c0_i32 = arith.constant 0 : i32
    %c0_i32_0 = arith.constant 0 : i32
    return %arg0, %c0_i32 : i32, i32
  }
}

module attributes {stable_mosaic.version = 14 : i64} {
  func.func @_comb2_body(%arg0: i32, %arg1: memref<2x5000x32xf32, #tpu.memory_space<vmem>>, %arg2: memref<2x5000x1xf32, #tpu.memory_space<vmem>>, %arg3: memref<5000x32xf32, #tpu.memory_space<vmem>>, %arg4: memref<128x32xf32, #tpu.memory_space<vmem>>, %arg5: memref<1x128xf32, #tpu.memory_space<vmem>>, %arg6: memref<128x32xf32, #tpu.memory_space<vmem>>, %arg7: memref<5000x128xf32, #tpu.memory_space<vmem>>) attributes {dimension_semantics = [#tpu.dimension_semantics<arbitrary>], iteration_bounds = array<i64: 2>, scalar_prefetch = 0 : i64, scratch_operands = 0 : i64, tpu.core_type = #tpu.core_type<tc>, window_params = [{transform_indices = @transform_0, window_bounds = array<i64: 2, 5000, 32>}, {transform_indices = @transform_1, window_bounds = array<i64: 2, 5000, 1>}, {transform_indices = @transform_2, window_bounds = array<i64: 5000, 32>}, {pipeline_mode = #tpu.pipeline_mode<synchronous>, transform_indices = @transform_3, window_bounds = array<i64: 128, 32>}, {pipeline_mode = #tpu.pipeline_mode<synchronous>, transform_indices = @transform_4, window_bounds = array<i64: 1, 128>}, {pipeline_mode = #tpu.pipeline_mode<synchronous>, transform_indices = @transform_5, window_bounds = array<i64: 128, 32>}, {transform_indices = @transform_6, window_bounds = array<i64: 5000, 128>}]} {
    %get3A = arith.constant 0 : index
    %get3A_0 = arith.constant 0 : index
    %get3A_1 = arith.constant 0 : index
    %get3A_2 = vector.load %arg1[%get3A, %get3A_0, %get3A_1] : memref<2x5000x32xf32, #tpu.memory_space<vmem>>, vector<1x5000x32xf32>
    %get3A_3 = vector.shape_cast %get3A_2 : vector<1x5000x32xf32> to vector<5000x32xf32>
    %get3A_4 = arith.constant 1 : index
    %get3A_5 = arith.constant 0 : index
    %get3A_6 = arith.constant 0 : index
    %get3A_7 = vector.load %arg1[%get3A_4, %get3A_5, %get3A_6] : memref<2x5000x32xf32, #tpu.memory_space<vmem>>, vector<1x5000x32xf32>
    %get3A_8 = vector.shape_cast %get3A_7 : vector<1x5000x32xf32> to vector<5000x32xf32>
    %add3A = arith.addf %get3A_3, %get3A_8 : vector<5000x32xf32>
    %get3A_9 = arith.constant 0 : index
    %get3A_10 = arith.constant 0 : index
    %get3A_11 = arith.constant 0 : index
    %get3A_12 = vector.load %arg2[%get3A_9, %get3A_10, %get3A_11] : memref<2x5000x1xf32, #tpu.memory_space<vmem>>, vector<1x5000x1xf32>
    %get3A_13 = vector.shape_cast %get3A_12 : vector<1x5000x1xf32> to vector<5000x1xf32>
    %get3A_14 = arith.constant 1 : index
    %get3A_15 = arith.constant 0 : index
    %get3A_16 = arith.constant 0 : index
    %get3A_17 = vector.load %arg2[%get3A_14, %get3A_15, %get3A_16] : memref<2x5000x1xf32, #tpu.memory_space<vmem>>, vector<1x5000x1xf32>
    %get3A_18 = vector.shape_cast %get3A_17 : vector<1x5000x1xf32> to vector<5000x1xf32>
    %add3A_19 = arith.addf %get3A_13, %get3A_18 : vector<5000x1xf32>
    %max3A = arith.constant 1.000000e+00 : f32
    %max3A_20 = vector.broadcast %max3A : f32 to vector<5000x1xf32>
    %max3A_21 = arith.maximumf %add3A_19, %max3A_20 : vector<5000x1xf32>
    %div3A = vector.broadcast %max3A_21 : vector<5000x1xf32> to vector<5000x32xf32>
    %div3A_22 = arith.divf %add3A, %div3A : vector<5000x32xf32>
    %get3A_23 = arith.constant 0 : index
    %get3A_24 = arith.constant 0 : index
    %get3A_25 = vector.load %arg4[%get3A_23, %get3A_24] : memref<128x32xf32, #tpu.memory_space<vmem>>, vector<128x32xf32>
    %dot_general3A = arith.constant dense<0.000000e+00> : vector<5000x128xf32>
    %dot_general3A_26 = tpu.matmul %div3A_22, %get3A_25, %dot_general3A {dimension_numbers = #tpu.dot_dimension_numbers<[1], [1], [0], [0], [0, 0, 1, 0], [], []>, transpose_lhs_hint = false} : vector<5000x32xf32>, vector<128x32xf32>, vector<5000x128xf32> -> vector<5000x128xf32>
    %get3A_27 = arith.constant 0 : index
    %get3A_28 = arith.constant 0 : index
    %get3A_29 = vector.load %arg5[%get3A_27, %get3A_28] : memref<1x128xf32, #tpu.memory_space<vmem>>, vector<1x128xf32>
    %add3A_30 = vector.broadcast %get3A_29 : vector<1x128xf32> to vector<5000x128xf32>
    %add3A_31 = arith.addf %dot_general3A_26, %add3A_30 : vector<5000x128xf32>
    %get3A_32 = arith.constant 0 : index
    %get3A_33 = arith.constant 0 : index
    %get3A_34 = vector.load %arg3[%get3A_32, %get3A_33] : memref<5000x32xf32, #tpu.memory_space<vmem>>, vector<5000x32xf32>
    %get3A_35 = arith.constant 0 : index
    %get3A_36 = arith.constant 0 : index
    %get3A_37 = vector.load %arg6[%get3A_35, %get3A_36] : memref<128x32xf32, #tpu.memory_space<vmem>>, vector<128x32xf32>
    %dot_general3A_38 = arith.constant dense<0.000000e+00> : vector<5000x128xf32>
    %dot_general3A_39 = tpu.matmul %get3A_34, %get3A_37, %dot_general3A_38 {dimension_numbers = #tpu.dot_dimension_numbers<[1], [1], [0], [0], [0, 0, 1, 0], [], []>, transpose_lhs_hint = false} : vector<5000x32xf32>, vector<128x32xf32>, vector<5000x128xf32> -> vector<5000x128xf32>
    %add3A_40 = arith.addf %add3A_31, %dot_general3A_39 : vector<5000x128xf32>
    %mul3A = arith.mulf %add3A_40, %add3A_40 : vector<5000x128xf32>
    %reduce_sum3A = arith.constant dense<0.000000e+00> : vector<5000xf32>
    %reduce_sum3A_41 = vector.multi_reduction <add>, %mul3A, %reduce_sum3A [1] : vector<5000x128xf32> to vector<5000xf32>
    %broadcast_in_dim3A = vector.shape_cast %reduce_sum3A_41 : vector<5000xf32> to vector<5000x1xf32>
    %sqrt3A = math.sqrt %broadcast_in_dim3A : vector<5000x1xf32>
    %max3A_42 = arith.constant 9.99999996E-13 : f32
    %max3A_43 = vector.broadcast %max3A_42 : f32 to vector<5000x1xf32>
    %max3A_44 = arith.maximumf %sqrt3A, %max3A_43 : vector<5000x1xf32>
    %div3A_45 = vector.broadcast %max3A_44 : vector<5000x1xf32> to vector<5000x128xf32>
    %div3A_46 = arith.divf %add3A_40, %div3A_45 : vector<5000x128xf32>
    %swap3A = arith.constant 0 : index
    %swap3A_47 = arith.constant 0 : index
    %swap3A_48 = vector.load %arg7[%swap3A, %swap3A_47] : memref<5000x128xf32, #tpu.memory_space<vmem>>, vector<5000x128xf32>
    tpu.vector_store %arg7[%swap3A, %swap3A_47], %div3A_46 {strides = array<i32>} : memref<5000x128xf32, #tpu.memory_space<vmem>>, vector<5000x128xf32>,
    return
  }
  func.func @transform_0(%arg0: i32) -> (i32, i32, i32) {
    %c0_i32 = arith.constant 0 : i32
    %c0_i32_0 = arith.constant 0 : i32
    %c0_i32_1 = arith.constant 0 : i32
    return %c0_i32, %arg0, %c0_i32_0 : i32, i32, i32
  }
  func.func @transform_1(%arg0: i32) -> (i32, i32, i32) {
    %c0_i32 = arith.constant 0 : i32
    %c0_i32_0 = arith.constant 0 : i32
    %c0_i32_1 = arith.constant 0 : i32
    return %c0_i32, %arg0, %c0_i32_0 : i32, i32, i32
  }
  func.func @transform_2(%arg0: i32) -> (i32, i32) {
    %c0_i32 = arith.constant 0 : i32
    %c0_i32_0 = arith.constant 0 : i32
    return %arg0, %c0_i32 : i32, i32
  }
  func.func @transform_3(%arg0: i32) -> (i32, i32) {
    %c0_i32 = arith.constant 0 : i32
    %c0_i32_0 = arith.constant 0 : i32
    %c0_i32_1 = arith.constant 0 : i32
    return %c0_i32, %c0_i32_0 : i32, i32
  }
  func.func @transform_4(%arg0: i32) -> (i32, i32) {
    %c0_i32 = arith.constant 0 : i32
    %c0_i32_0 = arith.constant 0 : i32
    %c0_i32_1 = arith.constant 0 : i32
    return %c0_i32, %c0_i32_0 : i32, i32
  }
  func.func @transform_5(%arg0: i32) -> (i32, i32) {
    %c0_i32 = arith.constant 0 : i32
    %c0_i32_0 = arith.constant 0 : i32
    %c0_i32_1 = arith.constant 0 : i32
    return %c0_i32, %c0_i32_0 : i32, i32
  }
  func.func @transform_6(%arg0: i32) -> (i32, i32) {
    %c0_i32 = arith.constant 0 : i32
    %c0_i32_0 = arith.constant 0 : i32
    return %arg0, %c0_i32 : i32, i32
  }
}

</mosaic_0001>

<sc_bundles>
// kernel: kernel.10.cloned.1.call-start
scs
__scs_entry_jumppad:
0x0: {  	(pc) =	sbr.rel $0x88, $3  }
0x1: {  	(tag) =	ssettag $0x0;
	lr =	simm.s32 $0x1  }
0x2: {  	[smem:$0x3F99] =	sst lr;
	_ =	strace $0xD0000000  }
0x3: {  	_ = 	snop  }
0x4: {  	_ = 	snop  }
0x5: {  	_ = 	snop  }
0x6: {  	_ = 	snop  }
0x7: {  	_ = 	snop  }
__scs_overlays_trampoline_lowered:
0x8: {  	[smem:$0x3FA8] =	sst s0  }
0x9: {  	[smem:$0x3FA9] =	sst s1  }
0xa: {  	[smem:$0x3FAA] =	sst s2  }
0xb: {  	[smem:$0x3FAB] =	sst s3  }
0xc: {  	[smem:$0x3FAC] =	sst s4  }
0xd: {  	[smem:$0x3FAD] =	sst s5  }
0xe: {  	[smem:$0x3FAE] =	sst s6  }
0xf: {  	[smem:$0x3FAF] =	sst s7  }
0x10: {  	[smem:$0x3FB0] =	sst s8  }
0x11: {  	[smem:$0x3FB1] =	sst s9;
	s0 =	simm.s32 @!p0 $0x0  }
0x12: {  	s1 =	sld [smem:$0x3F97];
	s0 =	simm.s32 @p0 $0x1  }
0x13: {  	[smem:$0x3FB2] =	sst s0;
	s0 =	simm.s32 @!p1 $0x0  }
0x14: {  	s2 =	sld [smem:$0x3F96];
	s0 =	simm.s32 @p1 $0x1  }
0x15: {  	[smem:$0x3FB3] =	sst s0;
	s0 =	simm.s32 @!p2 $0x0  }
0x16: {  	s3 =	sld [smem:$0x3FDB];
	s0 =	simm.s32 @p2 $0x1  }
0x17: {  	s4 =	simm.s32 $0x1BF5;
	[smem:$0x3FB5] =	sst s0  }
0x18: {  	s0 =	sld [smem:$0x3F98];
	_ =	swait.ge [sflag:s4], $0x0  }
0x19: {  	s7 =	sld [smem:$0x3F99]  }
0x1a: {  	s8 =	sadd.s32 $0xFFFFE003, lr  }
0x1b: {  	s9 =	sadd.s32 $0xFFFFFEF7, lr;
	s5 =	simm.s32 $0xFFFFFFFF;
	p2 =	slt.u32 s8, $0xFFFFF086  }
0x1c: {  	p1 =	slt.u32 s9, $0xF7A;
	s5 =	simm.s32 @!p2 $0x0  }
0x1d: {  	s5 =	simm.s32 @p1 $0x1;
	p0 =	seq.s32 s7, s2  }
0x1e: {  	s7 =	smul.u32 @!p0 $0xF7A, s2;
	p2 =	seq.s32 @!p0 s5, $0x0  }
0x1f: {  	s9 =	smul.u32 $0xF7A, s1;
	s8 =	simm.s32 @!p0 $0x1BF5;
	p2 =	por !p2, p0  }
0x20: {  	[sflag:s8] =	ssyncset.s32 @!p0 $0xFFFFF086;
	s6 =	sadd.s32 @!p0 s3, s7;
	s7 =	simm.s32 @!p0 $0x108  }
0x21: {  	s3 =	sadd.s32 s3, s9;
	s6 =	sadd.s32 @!p0 $0x88, s6;
	s7 =	simm.s32 @p2 $0x1082  }
0x22: {  	[simem:s7], [sflag:s8] =	dma.local @!p0 [hbm:s6], $0xF7A  }
0x23: {  	s9 =	sor.u32 $0xD0000000, s2;
	s6 =	simm.s32 $0x108;
	_ =	swait.ge @!p0 [sflag:s8], $0x0  }
0x24: {  	s3 =	sadd.s32 $0x88, s3;
	s6 =	simm.s32 @!p1 $0x1082;
	[sflag:s4] =	ssyncset.s32 $0xFFFFF086  }
0x25: {  	[simem:s6], [sflag:s4] =	dma.local [hbm:s3], $0xF7A  }
0x26: {  	[smem:$0x3F99] =	sst s1;
	(tag) =	ssettag s2;
	_ =	strace s9  }
0x27: {  	s1 =	sld [smem:$0x3FA9]  }
0x28: {  	s2 =	sld [smem:$0x3FAA]  }
0x29: {  	s4 =	sld [smem:$0x3FAC]  }
0x2a: {  	p0 =	seq.s32 s5, $0x0;
	s5 =	sld [smem:$0x3FAD]  }
0x2b: {  	s6 =	sld [smem:$0x3FAE]  }
0x2c: {  	s7 =	sld [smem:$0x3FAF]  }
0x2d: {  	s3 =	simm.s32 $0x108;
	s8 =	sld [smem:$0x3FB0]  }
0x2e: {  	s3 =	simm.s32 @!p0 $0x1082;
	s9 =	sld [smem:$0x3FB1]  }
0x2f: {  	lr =	sadd.s32 s0, s3;
	s0 =	sld [smem:$0x3FA8]  }
0x30: {  	s3 =	sld [smem:$0x3FAB]  }
0x31: {  	[smem:$0x3FB4] =	sst s10  }
0x32: {  	s10 =	sld [smem:$0x3FB2];
	_ =	sdelay $0x3  }
0x33: {  	p0 =	seq.s32 s10, $0x1;
	s10 =	sld [smem:$0x3FB4];
	_ =	sdelay $0x3  }
0x34: {  	[smem:$0x3FB4] =	sst s10  }
0x35: {  	s10 =	sld [smem:$0x3FB3];
	_ =	sdelay $0x3  }
0x36: {  	p1 =	seq.s32 s10, $0x1;
	s10 =	sld [smem:$0x3FB4];
	_ =	sdelay $0x3  }
0x37: {  	[smem:$0x3FB4] =	sst s10  }
0x38: {  	s10 =	sld [smem:$0x3FB5]  }
0x39: {  	_ = 	snop;
	(pc) =	sbr.ind lr, $3  }
0x3a: {  	_ = 	snop  }
0x3b: {  	_ = 	snop  }
0x3c: {  	p2 =	seq.s32 s10, $0x1;
	s10 =	sld [smem:$0x3FB4]  }
0x3d: {  	_ =	shalt  }
0x3e: {  	_ =	shalt  }
0x3f: {  	_ =	shalt  }
0x40: {  	_ =	shalt  }
0x41: {  	_ =	shalt  }
0x42: {  	_ =	shalt  }
0x43: {  	_ =	shalt  }
0x44: {  	_ =	shalt  }
0x45: {  	_ =	shalt  }
0x46: {  	_ =	shalt  }
0x47: {  	_ =	shalt  }
0x48: {  	_ =	shalt  }
0x49: {  	_ =	shalt  }
0x4a: {  	_ =	shalt  }
0x4b: {  	_ =	shalt  }
0x4c: {  	_ =	shalt  }
0x4d: {  	_ =	shalt  }
0x4e: {  	_ =	shalt  }
0x4f: {  	_ =	shalt  }
0x50: {  	_ =	shalt  }
0x51: {  	_ =	shalt  }
0x52: {  	_ =	shalt  }
0x53: {  	_ =	shalt  }
0x54: {  	_ =	shalt  }
0x55: {  	_ =	shalt  }
0x56: {  	_ =	shalt  }
0x57: {  	_ =	shalt  }
0x58: {  	_ =	shalt  }
0x59: {  	_ =	shalt  }
0x5a: {  	_ =	shalt  }
0x5b: {  	_ =	shalt  }
0x5c: {  	_ =	shalt  }
0x5d: {  	_ =	shalt  }
0x5e: {  	_ =	shalt  }
0x5f: {  	_ =	shalt  }
0x60: {  	_ =	shalt  }
0x61: {  	_ =	shalt  }
0x62: {  	_ =	shalt  }
0x63: {  	_ =	shalt  }
0x64: {  	_ =	shalt  }
0x65: {  	_ =	shalt  }
0x66: {  	_ =	shalt  }
0x67: {  	_ =	shalt  }
0x68: {  	_ =	shalt  }
0x69: {  	_ =	shalt  }
0x6a: {  	_ =	shalt  }
0x6b: {  	_ =	shalt  }
0x6c: {  	_ =	shalt  }
0x6d: {  	_ =	shalt  }
0x6e: {  	_ =	shalt  }
0x6f: {  	_ =	shalt  }
0x70: {  	_ =	shalt  }
0x71: {  	_ =	shalt  }
0x72: {  	_ =	shalt  }
0x73: {  	_ =	shalt  }
0x74: {  	_ =	shalt  }
0x75: {  	_ =	shalt  }
0x76: {  	_ =	shalt  }
0x77: {  	_ =	shalt  }
0x78: {  	_ =	shalt  }
0x79: {  	_ =	shalt  }
0x7a: {  	_ =	shalt  }
0x7b: {  	_ =	shalt  }
0x7c: {  	_ =	shalt  }
0x7d: {  	_ =	shalt  }
0x7e: {  	_ =	shalt  }
0x7f: {  	_ =	shalt  }
0x80: {  	_ =	shalt  }
0x81: {  	_ =	shalt  }
0x82: {  	_ =	shalt  }
0x83: {  	_ =	shalt  }
0x84: {  	_ =	shalt  }
0x85: {  	_ =	shalt  }
0x86: {  	_ =	shalt  }
0x87: {  	_ =	shalt  }
.Lfunc_end0:
.L_simem_size_0:
called_computation.1_lowered:
.L_overlay_start_0:
0x88: {  	s2 =	sld [smem:$0x3FD9]  }
0x89: {  	s3 =	sld [smem:$0x3FFE];
	_ =	sdelay $0x1  }
0x8a: {  	s1 =	srdreg.scid  }
0x8b: {  	s0 =	sand.u32 $0x1, s1  }
0x8c: {  	s17 =	sshll.u32 s0, $0xA;
	s2 =	sadd.s32 s3, s2  }
0x8d: {  	s2 =	sadd.s32 s2, s17  }
0x8e: {  	[smem:$0x3FC0] =	sst s2  }
0x8f: {  	_ = 	snop  }
0x90: {  	s2 =	sld [smem:$0x3FD0];
	(tm) =	ssettm $0x1  }
0x91: {  	s18 =	sld [smem:$0x3FFB];
	_ =	sdelay $0x3  }
0x92: {  	_ =	strace s18  }
0x93: {  	s3 =	sld [smem:$0x3FFC];
	_ =	sdelay $0x3  }
0x94: {  	_ =	strace s3  }
0x95: {  	s3 =	sld [smem:$0x3FFD];
	_ =	sdelay $0x3  }
0x96: {  	_ =	strace s3  }
0x97: {  	_ =	strace $0x8FFFFFFF  }
0x98: {  	s19 =	sld [smem:$0x3FDB];
	_ =	sdelay $0x1  }
0x99: {  	s4 =	simm.s32 $_scs_section_size  }
0x9a: {  	s5 =	simm.s32 $_size__tile_overlayer_lowered;
	s6 =	simm.s32 $_tile_overlayer_lowered  }
0x9b: {  	s22 =	simm.s32 $0x1BFF;
	s21 =	sshll.u32 s6, $0x1;
	s3 =	sadd.s32 s4, s19  }
0x9c: {  	s7 =	simm.s32 $0x0;
	s20 =	sshll.u32 s5, $0x1;
	s5 =	sadd.s32 s21, s3  }
0x9d: {  	[timem:s7], [sflag:s22] =	dma.local [hbm:s5], s20  }
0x9e: {  	_ =	swait.ge [sflag:s22], s20  }
0x9f: {  	s4 =	ssub.s32 $0x0, s20;
	[sflag:s22] =	ssyncset.done $0x0  }
0xa0: {  	[sflag:s22] =	ssyncadd.s32 s4;
	_ =	sdelay $0x1  }
0xa1: {  	s23 =	simm.s32 $0x1B8B  }
0xa2: {  	_ =	swait.ge [sflag:s23], $0x1  }
0xa3: {  	[sflag:s23] =	ssyncset.done $0x0  }
0xa4: {  	s25 =	simm.s32 $0x1B8E;
	s24 =	sld [smem:$0x3FFE];
	[sflag:s23] =	ssyncadd.s32 $0xFFFFFFFF  }
0xa5: {  	s26 =	simm.s32 $execute0_lowered;
	[smem:$0x3FD2] =	sst s25  }
0xa6: {  	s5 =	sshll.u32 s26, $0x1;
	_ =	strace $0x80000049;
	[dreg:$0x1] =	wrdreg $0xFFFFFFFF  }
0xa7: {  	s28 =	simm.s32 $_size_execute0_lowered;
	s3 =	sadd.s32 s3, s5;
	[dreg:$0x0] =	wrdreg $0x0  }
0xa8: {  	s5 =	sshll.u32 s28, $0x1;
	[dreg:$0x2] =	wrdreg s3  }
0xa9: {  	[dreg:$0x3] =	wrdreg s5  }
0xaa: {  	[dreg:$0x4] =	wrdreg $0xC0  }
0xab: {  	_ =	task [dreg:s7], $0x5FFFF  }
0xac: {  	[dreg:$0x1] =	wrdreg $0xFFFFFFFF  }
0xad: {  	[dreg:$0x0] =	wrdreg $0x60  }
0xae: {  	[dreg:$0x2] =	wrdreg s24  }
0xaf: {  	[dreg:$0x3] =	wrdreg s2  }
0xb0: {  	[dreg:$0x4] =	wrdreg $0xAF000  }
0xb1: {  	[dreg:$0x5] =	wrdreg $0x9  }
0xb2: {  	_ =	task.clear_ibuf [dreg:s7], $0x6FFFF;
	_ =	strace $0x90000049  }
0xb3: {  	s29 =	simm.s32 $0x9;
	_ =	strace $0x8000004B  }
0xb4: {  	_ =	swait.ge [sflag:s29], $0x1  }
0xb5: {  	[sflag:s29] =	ssyncadd.s32 $0xFFFFFFFF  }
0xb6: {  	_ =	strace $0x9000004B  }
0xb7: {  	_ =	sfence  }
0xb8: {  	s30 =	sld [smem:$0x0];
	_ =	sdelay $0x2  }
0xb9: {  	s31 =	sshll.u32 s1, $0xD;
	s1 =	sshrl.u32 s1, $0x2  }
0xba: {  	s3 =	sand.u32 $0x4000, s31;
	s1 =	sadd.s32 s1, s30  }
0xbb: {  	s0 =	sor.u32 s3, s0;
	s1 =	sshll.u32 s1, $0x11  }
0xbc: {  	s0 =	sor.u32 s1, s0  }
0xbd: {  	s0 =	sadd.s32 $0x8F2B, s0  }
0xbe: {  	[sflag:s0] =	ssyncadd.remote.s32 $0x1  }
0xbf: {  	_ =	sfence.sel $0xFFFF  }
0xc0: {  	[dreg:$0x0] =	wrdreg $0xFFFFFFFF;
	(pc) =	sbr.abs _section_cstart, $3  }
0xc1: {  	[dreg:$0x1] =	wrdreg $0xFFFFFFFF  }
0xc2: {  	_ =	task.clear_ibuf [dreg:s7], $0x2FFFF;
	_ =	strace $0x9FFFFFFF  }
0xc3: {  	(tm) =	ssettm $0x7FFFFFFF  }
tec
execute0_lowered:
.L_overlay_start_1:
0x0: {  	(tag) =	ssettag $0x1  }
0x1: {  	s0 =	srdreg.scid;
	s1 =	rddreg [dreg:$0x0]  }
0x2: {  	s11 =	rddreg [dreg:$0x1];
	s9 =	stileid.u32  }
0x3: {  	s2 =	rddreg [dreg:$0x2];
	s14 =	simm.s32 $0xD;
	s16 =	simm.s32 $0x80  }
0x4: {  	s17 =	simm.s32 $0x4F00;
	s20 =	simm.s32 $0x6F00;
	s28 =	simm.s32 $0x1  }
0x5: {  	s29 =	simm.s32 $0x7;
	s30 =	simm.s32 $0x3;
	s31 =	simm.s32 $0x9  }
0x6: {  	s18 =	simm.s32 $0xC;
	s19 =	simm.s32 $0x0;
	s0 =	sand.u32 $0x1, s0  }
0x7: {  	s8 =	smul.u32 $0x5000, s9;
	s23 =	sshll.u32 s9, $0x6;
	s3 =	sshll.u32 s0, $0x4  }
0x8: {  	s6 =	ssub.s32 $0x2, s0;
	s0 =	smul.u32 $0x50000, s0;
	s15 =	sor.u32 s9, s3  }
0x9: {  	s3 =	simm.s32 $0x0;
	s22 =	sshrl.u32 s8, $0x3;
	s7 =	sshrl.u32 s6, $0x1  }
0xa: {  	s13 =	sadd.s32 s8, s2;
	s4 =	smul.u32 $0x4E, s15;
	[smem:$0x7FF] =	sst s3  }
0xb: {  	s5 =	smin.u32 s15, $0x4;
	s12 =	ssub.s32 s6, s7;
	s6 =	sor.u32 $0x1C0D, s23  }
0xc: {  	s0 =	sadd.s32 s8, s0;
	s13 =	sshrl.u32 s13, $0x3;
	s5 =	sadd.s32 s5, s4  }
0xd: {  	p0 =	sgt.u32 s15, $0x3;
	s15 =	simm.s32 $0x6;
	s5 =	sshll.u32 s5, $0x4  }
0xe: {  	s4 =	sadd.s32 $0x2000, s1;
	s10 =	sadd.s32 s5, s1;
	s1 =	sadd.s32 s22, s1  }
0xf: {  	_ =	strace $0x8000004A;
	s0 =	sshrl.u32 s0, $0x3;
	s1 =	sadd.s32 $0x1F800, s1  }
.Ltmp0:
0x10: {  	s24 =	sadd.s32 $0xBE00, s10;
	[dreg:$0x4] =	wrdreg s1;
	(pc) =	sbr.rel .LBB2_1-.Ltmp0, $4  }
0x11: {  	s12 =	smax.u32 s12, $0x1;
	s25 =	sadd.s32 $0x15A40, s10;
	[dreg:$0x5] =	wrdreg s24  }
0x12: {  	s11 =	sadd.s32 s11, s0;
	s26 =	sadd.s32 $0xC2E0, s10;
	[dreg:$0x6] =	wrdreg s25  }
0x13: {  	s0 =	simm.s32 $0xB;
	s10 =	sadd.s32 $0x15F20, s10;
	[dreg:$0x7] =	wrdreg s26  }
0x14: {  	s24 =	simm.s32 $0x8F00;
	s26 =	simm.s32 $0x9F00;
	s1 =	simm.s32 $0x5  }
.LBB2_4:
0x15: {  	_ =	swait.ge [sflag:s15], $0x1000  }
0x16: {  	[sflag:s15] =	ssyncset.done $0x0  }
0x17: {  	[sflag:s15] =	ssyncadd.s32 $0xFFFFF000  }
0x18: {  	[spmem:s2] =	stream.indirect.scatter.add.f32 [tilespmem:s26], [sflag:$0xC], $0x20, s23, s16, $0xb8;
	[tilespmem:$0xFF00] =	vst v63  }
0x19: {  	_ =	swait.ge [sflag:s18], $0x1000  }
0x1a: {  	s5 =	simm.s32 @!p0 $0x0;
	[sflag:s18] =	ssyncset.done $0x0  }
0x1b: {  	s7 =	simm.s32 @!p0 $0x2700;
	s8 =	rddreg [dreg:$0x7];
	[sflag:s18] =	ssyncadd.s32 $0xFFFFF000  }
0x1c: {  	[tilespmem:s7], [sflag:$0xD] =	stream.linear.gather @!p0 [hbm4b:s8+s5], $0x80, $0x38;
	[tilespmem:$0xFF00] =	vst v63  }
0x1d: {  	s8 =	simm.s32 @!p0 $0xD  }
0x1e: {  	_ =	swait.ge @!p0 [sflag:s8], $0x80  }
0x1f: {  	[sflag:s8] =	ssyncset.done @!p0 $0x0  }
0x20: {  	s9 =	simm.s32 @!p0 $0x4E80;
	[sflag:s8] =	ssyncadd.s32 @!p0 $0xFFFFFF80  }
0x21: {  	[tilespmem:s9], [sflag:$0xD] =	stream.linear.gather @!p0 [hbm4b:s10+s5], $0x80, $0x38;
	[tilespmem:$0xFF00] =	vst v63  }
0x22: {  	_ =	swait.ge @!p0 [sflag:s8], $0x80  }
0x23: {  	[sflag:s8] =	ssyncset.done @!p0 $0x0  }
0x24: {  	s21 =	simm.s32 @!p0 $0x4F00;
	s5 =	simm.s32 @!p0 $0x80;
	[sflag:s8] =	ssyncadd.s32 @!p0 $0xFFFFFF80  }
0x25: {  	[tilespmem:s21], [sflag:$0x1] =	stream.indirect.gather @!p0 [hbm4b:s4+s5], $0x20, s7, s5, $0xb8;
	[tilespmem:$0xFF00] =	vst v63  }
0x26: {  	s7 =	simm.s32 @!p0 $0x1  }
0x27: {  	_ =	swait.ge @!p0 [sflag:s7], $0x1000  }
0x28: {  	[sflag:s7] =	ssyncset.done @!p0 $0x0  }
0x29: {  	[sflag:s7] =	ssyncadd.s32 @!p0 $0xFFFFF000  }
0x2a: {  	[spmem:s2] =	stream.indirect.scatter.add.f32 @!p0 [tilespmem:s21], [sflag:$0xD], $0x20, s9, s5, $0xb8;
	[tilespmem:$0xFF00] =	vst v63  }
0x2b: {  	_ =	swait.ge @!p0 [sflag:s8], $0x1000  }
0x2c: {  	s19 =	sadd.s32 $0x1, s19;
	[sflag:s8] =	ssyncset.done @!p0 $0x0  }
0x2d: {  	p1 =	sne.s32 s19, s12;
	[sflag:s8] =	ssyncadd.s32 @!p0 $0xFFFFF000  }
.Ltmp1:
0x2e: {  	[bflag:$0x0] =	sbarrier.arrive $0xFFFF;
	(pc) =	sbr.rel @!p1 .LBB2_5-.Ltmp1, $4  }
0x2f: {  	[hbm:s11], [sflag:s6] =	dma.local [spmem:s13], $0xA00  }
0x30: {  	_ =	swait.ge [sflag:s14], $0xA00  }
0x31: {  	[sflag:s14] =	ssyncset.done $0x0  }
0x32: {  	[sflag:s14] =	ssyncadd.s32 $0xFFFFF600  }
.LBB2_1:
0x33: {  	s5 =	rddreg [dreg:$0x4]  }
0x34: {  	[spmem:s13], [sflag:s6] =	dma.local [hbm:s5], $0xA00  }
0x35: {  	_ =	swait.ge [sflag:s14], $0xA00  }
0x36: {  	[sflag:s14] =	ssyncset.done $0x0  }
0x37: {  	[sflag:s14] =	ssyncadd.s32 $0xFFFFF600  }
0x38: {  	[bflag:$0x0] =	sbarrier.arrive $0xFFFF  }
0x39: {  	s23 =	rddreg [dreg:$0x5]  }
0x3a: {  	[tilespmem:s3], [sflag:$0xD] =	stream.linear.gather [hbm4b:s23+s3], $0x2700, $0x38;
	[tilespmem:$0xFF00] =	vst v63  }
0x3b: {  	_ =	swait.ge [sflag:s14], $0x2700  }
0x3c: {  	[sflag:s14] =	ssyncset.done $0x0  }
0x3d: {  	s7 =	simm.s32 $0x2780;
	s25 =	rddreg [dreg:$0x6];
	[sflag:s14] =	ssyncadd.s32 $0xFFFFD900  }
0x3e: {  	[tilespmem:s7], [sflag:$0xD] =	stream.linear.gather [hbm4b:s25+s3], $0x2700, $0x38;
	[tilespmem:$0xFF00] =	vst v63  }
0x3f: {  	_ =	swait.ge [sflag:s14], $0x2700  }
0x40: {  	[sflag:s14] =	ssyncset.done $0x0  }
0x41: {  	[sflag:s14] =	ssyncadd.s32 $0xFFFFD900  }
0x42: {  	[tilespmem:s17], [sflag:$0x1] =	stream.indirect.gather [hbm4b:s4+s16], $0x20, s3, s16, $0xb8;
	[tilespmem:$0xFF00] =	vst v63  }
0x43: {  	s8 =	simm.s32 $0x5F00  }
0x44: {  	[tilespmem:s8], [sflag:$0x2] =	stream.indirect.gather [hbm4b:s4+s16], $0x20, s16, s16, $0xb8;
	[tilespmem:$0xFF00] =	vst v63  }
0x45: {  	s9 =	simm.s32 $0x100  }
0x46: {  	[tilespmem:s20], [sflag:$0x3] =	stream.indirect.gather [hbm4b:s4+s16], $0x20, s9, s16, $0xb8;
	[tilespmem:$0xFF00] =	vst v63  }
0x47: {  	s21 =	simm.s32 $0x180;
	s22 =	simm.s32 $0x7F00  }
0x48: {  	[tilespmem:s22], [sflag:$0x4] =	stream.indirect.gather [hbm4b:s4+s16], $0x20, s21, s16, $0xb8;
	[tilespmem:$0xFF00] =	vst v63  }
0x49: {  	s23 =	simm.s32 $0x200  }
0x4a: {  	[tilespmem:s24], [sflag:$0x5] =	stream.indirect.gather [hbm4b:s4+s16], $0x20, s23, s16, $0xb8;
	[tilespmem:$0xFF00] =	vst v63  }
0x4b: {  	s25 =	simm.s32 $0x280;
	s21 =	simm.s32 $0x0  }
0x4c: {  	[tilespmem:s26], [sflag:$0x6] =	stream.indirect.gather [hbm4b:s4+s16], $0x20, s25, s16, $0xb8;
	[tilespmem:$0xFF00] =	vst v63  }
.LBB2_2:
0x4d: {  	_ =	swait.ge [sflag:s28], $0x1000  }
0x4e: {  	s22 =	sshra.s32 s21, $0x2;
	[sflag:s28] =	ssyncset.done $0x0  }
0x4f: {  	s23 =	sadd.s32 $0x2780, s22;
	[sflag:s28] =	ssyncadd.s32 $0xFFFFF000  }
0x50: {  	[spmem:s2] =	stream.indirect.scatter.add.f32 [tilespmem:s17], [sflag:$0x7], $0x20, s23, s16, $0xb8;
	[tilespmem:$0xFF00] =	vst v63  }
0x51: {  	_ =	swait.ge [sflag:s29], $0x1000  }
0x52: {  	p1 =	seq.s32 s21, $0x9000;
	[sflag:s29] =	ssyncset.done $0x0  }
0x53: {  	s23 =	simm.s32 @p1 $0x2;
	[sflag:s29] =	ssyncadd.s32 $0xFFFFF000  }
0x54: {  	_ =	swait.ge @p1 [sflag:s23], $0x1000  }
0x55: {  	[sflag:s23] =	ssyncset.done @p1 $0x0  }
0x56: {  	[sflag:s23] =	ssyncadd.s32 @p1 $0xFFFFF000;
	s23 =	sshra.s32 @p1 s21, $0x2  }
0x57: {  	s5 =	simm.s32 @p1 $0x80;
	s7 =	simm.s32 @p1 $0x5F00;
	s25 =	sadd.s32 @p1 $0x2800, s23  }
0x58: {  	[spmem:s2] =	stream.indirect.scatter.add.f32 @p1 [tilespmem:s7], [sflag:$0x8], $0x20, s25, s5, $0xb8;
	[tilespmem:$0xFF00] =	vst v63  }
0x59: {  	s7 =	simm.s32 @p1 $0x8  }
0x5a: {  	_ =	swait.ge @p1 [sflag:s7], $0x1000  }
0x5b: {  	[sflag:s7] =	ssyncset.done @p1 $0x0  }
0x5c: {  	[sflag:s7] =	ssyncadd.s32 @p1 $0xFFFFF000;
	s7 =	sshra.s32 @!p1 s21, $0x2  }
0x5d: {  	s8 =	simm.s32 @!p1 $0x80;
	s9 =	simm.s32 @!p1 $0x4F00;
	s25 =	sadd.s32 @!p1 $0x300, s7  }
0x5e: {  	[tilespmem:s9], [sflag:$0x1] =	stream.indirect.gather @!p1 [hbm4b:s4+s8], $0x20, s25, s8, $0xb8;
	[tilespmem:$0xFF00] =	vst v63  }
0x5f: {  	s9 =	simm.s32 @!p1 $0x2  }
0x60: {  	_ =	swait.ge @!p1 [sflag:s9], $0x1000  }
0x61: {  	[sflag:s9] =	ssyncset.done @!p1 $0x0  }
0x62: {  	s25 =	simm.s32 @!p1 $0x5F00;
	[sflag:s9] =	ssyncadd.s32 @!p1 $0xFFFFF000;
	s9 =	sadd.s32 @!p1 $0x2800, s7  }
0x63: {  	[spmem:s2] =	stream.indirect.scatter.add.f32 @!p1 [tilespmem:s25], [sflag:$0x8], $0x20, s9, s8, $0xb8;
	[tilespmem:$0xFF00] =	vst v63  }
0x64: {  	s9 =	simm.s32 @!p1 $0x8  }
0x65: {  	_ =	swait.ge @!p1 [sflag:s9], $0x1000  }
0x66: {  	[sflag:s9] =	ssyncset.done @!p1 $0x0  }
0x67: {  	[sflag:s9] =	ssyncadd.s32 @!p1 $0xFFFFF000;
	s9 =	sadd.s32 @!p1 $0x380, s7  }
0x68: {  	[tilespmem:s25], [sflag:$0x2] =	stream.indirect.gather @!p1 [hbm4b:s4+s8], $0x20, s9, s8, $0xb8;
	[tilespmem:$0xFF00] =	vst v63  }
0x69: {  	_ =	swait.ge [sflag:s30], $0x1000  }
0x6a: {  	[sflag:s30] =	ssyncset.done $0x0  }
0x6b: {  	s25 =	sadd.s32 $0x2880, s22;
	[sflag:s30] =	ssyncadd.s32 $0xFFFFF000  }
0x6c: {  	[spmem:s2] =	stream.indirect.scatter.add.f32 [tilespmem:s20], [sflag:$0x9], $0x20, s25, s16, $0xb8;
	[tilespmem:$0xFF00] =	vst v63  }
0x6d: {  	_ =	swait.ge [sflag:s31], $0x1000  }
0x6e: {  	[sflag:s31] =	ssyncset.done $0x0  }
0x6f: {  	s9 =	simm.s32 @p1 $0x4;
	[sflag:s31] =	ssyncadd.s32 $0xFFFFF000  }
0x70: {  	_ =	swait.ge @p1 [sflag:s9], $0x1000  }
0x71: {  	[sflag:s9] =	ssyncset.done @p1 $0x0  }
0x72: {  	[sflag:s9] =	ssyncadd.s32 @p1 $0xFFFFF000;
	s9 =	sadd.s32 @p1 $0x2900, s23;
	s23 =	simm.s32 @p1 $0x7F00  }
0x73: {  	[spmem:s2] =	stream.indirect.scatter.add.f32 @p1 [tilespmem:s23], [sflag:$0xA], $0x20, s9, s5, $0xb8;
	[tilespmem:$0xFF00] =	vst v63  }
0x74: {  	s5 =	simm.s32 @p1 $0xA  }
0x75: {  	_ =	swait.ge @p1 [sflag:s5], $0x1000  }
0x76: {  	[sflag:s5] =	ssyncset.done @p1 $0x0  }
0x77: {  	s9 =	simm.s32 @!p1 $0x6F00;
	[sflag:s5] =	ssyncadd.s32 @p1 $0xFFFFF000;
	s5 =	sadd.s32 @!p1 $0x400, s7  }
0x78: {  	[tilespmem:s9], [sflag:$0x3] =	stream.indirect.gather @!p1 [hbm4b:s4+s8], $0x20, s5, s8, $0xb8;
	[tilespmem:$0xFF00] =	vst v63  }
0x79: {  	s5 =	simm.s32 @!p1 $0x4  }
0x7a: {  	_ =	swait.ge @!p1 [sflag:s5], $0x1000  }
0x7b: {  	[sflag:s5] =	ssyncset.done @!p1 $0x0  }
0x7c: {  	s9 =	simm.s32 @!p1 $0x7F00;
	[sflag:s5] =	ssyncadd.s32 @!p1 $0xFFFFF000;
	s5 =	sadd.s32 @!p1 $0x2900, s7  }
0x7d: {  	[spmem:s2] =	stream.indirect.scatter.add.f32 @!p1 [tilespmem:s9], [sflag:$0xA], $0x20, s5, s8, $0xb8;
	[tilespmem:$0xFF00] =	vst v63  }
0x7e: {  	s5 =	simm.s32 @!p1 $0xA  }
0x7f: {  	_ =	swait.ge @!p1 [sflag:s5], $0x1000  }
0x80: {  	[sflag:s5] =	ssyncset.done @!p1 $0x0  }
0x81: {  	[sflag:s5] =	ssyncadd.s32 @!p1 $0xFFFFF000;
	s5 =	sadd.s32 @!p1 $0x480, s7  }
0x82: {  	[tilespmem:s9], [sflag:$0x4] =	stream.indirect.gather @!p1 [hbm4b:s4+s8], $0x20, s5, s8, $0xb8;
	[tilespmem:$0xFF00] =	vst v63  }
0x83: {  	_ =	swait.ge [sflag:s1], $0x1000  }
0x84: {  	[sflag:s1] =	ssyncset.done $0x0  }
.Ltmp2:
0x85: {  	s25 =	sadd.s32 $0x2980, s22;
	[sflag:s1] =	ssyncadd.s32 $0xFFFFF000;
	(pc) =	sbr.rel @p1 .LBB2_4-.Ltmp2, $4  }
0x86: {  	[spmem:s2] =	stream.indirect.scatter.add.f32 [tilespmem:s24], [sflag:$0xB], $0x20, s25, s16, $0xb8;
	[tilespmem:$0xFF00] =	vst v63  }
0x87: {  	_ =	swait.ge [sflag:s0], $0x1000  }
0x88: {  	[sflag:s0] =	ssyncset.done $0x0  }
0x89: {  	s23 =	sadd.s32 $0x2A00, s22;
	[sflag:s0] =	ssyncadd.s32 $0xFFFFF000  }
0x8a: {  	s5 =	sadd.s32 $0x500, s22  }
0x8b: {  	[tilespmem:s24], [sflag:$0x5] =	stream.indirect.gather [hbm4b:s4+s16], $0x20, s5, s16, $0xb8;
	[tilespmem:$0xFF00] =	vst v63  }
0x8c: {  	_ =	swait.ge [sflag:s15], $0x1000  }
0x8d: {  	[sflag:s15] =	ssyncset.done $0x0  }
0x8e: {  	[sflag:s15] =	ssyncadd.s32 $0xFFFFF000  }
0x8f: {  	[spmem:s2] =	stream.indirect.scatter.add.f32 [tilespmem:s26], [sflag:$0xC], $0x20, s23, s16, $0xb8;
	[tilespmem:$0xFF00] =	vst v63  }
.Ltmp3:
0x90: {  	_ = 	snop;
	(pc) =	sbr.rel .LBB2_2-.Ltmp3, $4  }
0x91: {  	_ =	swait.ge [sflag:s18], $0x1000  }
0x92: {  	[sflag:s18] =	ssyncset.done $0x0  }
0x93: {  	s25 =	sadd.s32 $0x580, s22;
	s21 =	sadd.s32 $0xC00, s21;
	[sflag:s18] =	ssyncadd.s32 $0xFFFFF000  }
0x94: {  	[tilespmem:s26], [sflag:$0x6] =	stream.indirect.gather [hbm4b:s4+s16], $0x20, s25, s16, $0xb8;
	[tilespmem:$0xFF00] =	vst v63  }
.LBB2_5:
0x95: {  	_ =	sfence.sel $0x180000  }
0x96: {  	[bflag:$0x0] =	sbarrier.arrive $0xFFFF  }
0x97: {  	_ =	strace $0x9000004A  }
0x98: {  	s0 =	stileid.u32;
	[bflag:$0x2] =	sbarrier.arrive $0xFFFF  }
0x99: {  	p0 =	sne.s32 s0, $0x0;
	s0 =	rddreg [dreg:$0x3]  }
0x9a: {  	s0 =	sadd.s32 @!p0 $0x100000, s0  }
0x9b: {  	[sflag:s0] =	ssyncadd.tile.s32 @!p0 $0x1;
	_ =	shalt  }
.Lfunc_end2:
_tile_overlayer_lowered:
.L_overlay_start_2:
0x9c: {  	(tag) =	ssettag $0x2  }
0x9d: {  	s0 =	rddreg [dreg:$0x0];
	s2 =	stileid.u32  }
0x9e: {  	s1 =	rddreg [dreg:$0x1];
	p0 =	sne.s32 s2, $0x0  }
0x9f: {  	s3 =	rddreg [dreg:$0x2];
	[bflag:$0x3] =	sbarrier.arrive $0xFFFF;
	s2 =	simm.s32 @!p0 $0x1C0D  }
0xa0: {  	[timem:s3], [sflag:s2] =	dma.local @!p0 [hbm:s0], s1  }
0xa1: {  	s0 =	simm.s32 @!p0 $0xD  }
0xa2: {  	_ =	swait.ge @!p0 [sflag:s0], s1  }
0xa3: {  	s1 =	ssub.s32 @!p0 $0x0, s1;
	[sflag:s0] =	ssyncset.done @!p0 $0x0  }
0xa4: {  	[sflag:s0] =	ssyncadd.s32 @!p0 s1  }
0xa5: {  	[bflag:$0x3] =	sbarrier.arrive $0xFFFF  }
0xa6: {  	_ =	shalt  }

// kernel: kernel.7.cloned.1.call-start
scs
__scs_entry_jumppad:
0x0: {  	(pc) =	sbr.rel $0x88, $3  }
0x1: {  	(tag) =	ssettag $0x0;
	lr =	simm.s32 $0x1  }
0x2: {  	[smem:$0x3F99] =	sst lr;
	_ =	strace $0xD0000000  }
0x3: {  	_ = 	snop  }
0x4: {  	_ = 	snop  }
0x5: {  	_ = 	snop  }
0x6: {  	_ = 	snop  }
0x7: {  	_ = 	snop  }
__scs_overlays_trampoline_lowered:
0x8: {  	[smem:$0x3FA8] =	sst s0  }
0x9: {  	[smem:$0x3FA9] =	sst s1  }
0xa: {  	[smem:$0x3FAA] =	sst s2  }
0xb: {  	[smem:$0x3FAB] =	sst s3  }
0xc: {  	[smem:$0x3FAC] =	sst s4  }
0xd: {  	[smem:$0x3FAD] =	sst s5  }
0xe: {  	[smem:$0x3FAE] =	sst s6  }
0xf: {  	[smem:$0x3FAF] =	sst s7  }
0x10: {  	[smem:$0x3FB0] =	sst s8  }
0x11: {  	[smem:$0x3FB1] =	sst s9;
	s0 =	simm.s32 @!p0 $0x0  }
0x12: {  	s1 =	sld [smem:$0x3F97];
	s0 =	simm.s32 @p0 $0x1  }
0x13: {  	[smem:$0x3FB2] =	sst s0;
	s0 =	simm.s32 @!p1 $0x0  }
0x14: {  	s2 =	sld [smem:$0x3F96];
	s0 =	simm.s32 @p1 $0x1  }
0x15: {  	[smem:$0x3FB3] =	sst s0;
	s0 =	simm.s32 @!p2 $0x0  }
0x16: {  	s3 =	sld [smem:$0x3FDB];
	s0 =	simm.s32 @p2 $0x1  }
0x17: {  	s4 =	simm.s32 $0x1BF5;
	[smem:$0x3FB5] =	sst s0  }
0x18: {  	s0 =	sld [smem:$0x3F98];
	_ =	swait.ge [sflag:s4], $0x0  }
0x19: {  	s7 =	sld [smem:$0x3F99]  }
0x1a: {  	s8 =	sadd.s32 $0xFFFFE003, lr  }
0x1b: {  	s9 =	sadd.s32 $0xFFFFFEF7, lr;
	s5 =	simm.s32 $0xFFFFFFFF;
	p2 =	slt.u32 s8, $0xFFFFF086  }
0x1c: {  	p1 =	slt.u32 s9, $0xF7A;
	s5 =	simm.s32 @!p2 $0x0  }
0x1d: {  	s5 =	simm.s32 @p1 $0x1;
	p0 =	seq.s32 s7, s2  }
0x1e: {  	s7 =	smul.u32 @!p0 $0xF7A, s2;
	p2 =	seq.s32 @!p0 s5, $0x0  }
0x1f: {  	s9 =	smul.u32 $0xF7A, s1;
	s8 =	simm.s32 @!p0 $0x1BF5;
	p2 =	por !p2, p0  }
0x20: {  	[sflag:s8] =	ssyncset.s32 @!p0 $0xFFFFF086;
	s6 =	sadd.s32 @!p0 s3, s7;
	s7 =	simm.s32 @!p0 $0x108  }
0x21: {  	s3 =	sadd.s32 s3, s9;
	s6 =	sadd.s32 @!p0 $0x88, s6;
	s7 =	simm.s32 @p2 $0x1082  }
0x22: {  	[simem:s7], [sflag:s8] =	dma.local @!p0 [hbm:s6], $0xF7A  }
0x23: {  	s9 =	sor.u32 $0xD0000000, s2;
	s6 =	simm.s32 $0x108;
	_ =	swait.ge @!p0 [sflag:s8], $0x0  }
0x24: {  	s3 =	sadd.s32 $0x88, s3;
	s6 =	simm.s32 @!p1 $0x1082;
	[sflag:s4] =	ssyncset.s32 $0xFFFFF086  }
0x25: {  	[simem:s6], [sflag:s4] =	dma.local [hbm:s3], $0xF7A  }
0x26: {  	[smem:$0x3F99] =	sst s1;
	(tag) =	ssettag s2;
	_ =	strace s9  }
0x27: {  	s1 =	sld [smem:$0x3FA9]  }
0x28: {  	s2 =	sld [smem:$0x3FAA]  }
0x29: {  	s4 =	sld [smem:$0x3FAC]  }
0x2a: {  	p0 =	seq.s32 s5, $0x0;
	s5 =	sld [smem:$0x3FAD]  }
0x2b: {  	s6 =	sld [smem:$0x3FAE]  }
0x2c: {  	s7 =	sld [smem:$0x3FAF]  }
0x2d: {  	s3 =	simm.s32 $0x108;
	s8 =	sld [smem:$0x3FB0]  }
0x2e: {  	s3 =	simm.s32 @!p0 $0x1082;
	s9 =	sld [smem:$0x3FB1]  }
0x2f: {  	lr =	sadd.s32 s0, s3;
	s0 =	sld [smem:$0x3FA8]  }
0x30: {  	s3 =	sld [smem:$0x3FAB]  }
0x31: {  	[smem:$0x3FB4] =	sst s10  }
0x32: {  	s10 =	sld [smem:$0x3FB2];
	_ =	sdelay $0x3  }
0x33: {  	p0 =	seq.s32 s10, $0x1;
	s10 =	sld [smem:$0x3FB4];
	_ =	sdelay $0x3  }
0x34: {  	[smem:$0x3FB4] =	sst s10  }
0x35: {  	s10 =	sld [smem:$0x3FB3];
	_ =	sdelay $0x3  }
0x36: {  	p1 =	seq.s32 s10, $0x1;
	s10 =	sld [smem:$0x3FB4];
	_ =	sdelay $0x3  }
0x37: {  	[smem:$0x3FB4] =	sst s10  }
0x38: {  	s10 =	sld [smem:$0x3FB5]  }
0x39: {  	_ = 	snop;
	(pc) =	sbr.ind lr, $3  }
0x3a: {  	_ = 	snop  }
0x3b: {  	_ = 	snop  }
0x3c: {  	p2 =	seq.s32 s10, $0x1;
	s10 =	sld [smem:$0x3FB4]  }
0x3d: {  	_ =	shalt  }
0x3e: {  	_ =	shalt  }
0x3f: {  	_ =	shalt  }
0x40: {  	_ =	shalt  }
0x41: {  	_ =	shalt  }
0x42: {  	_ =	shalt  }
0x43: {  	_ =	shalt  }
0x44: {  	_ =	shalt  }
0x45: {  	_ =	shalt  }
0x46: {  	_ =	shalt  }
0x47: {  	_ =	shalt  }
0x48: {  	_ =	shalt  }
0x49: {  	_ =	shalt  }
0x4a: {  	_ =	shalt  }
0x4b: {  	_ =	shalt  }
0x4c: {  	_ =	shalt  }
0x4d: {  	_ =	shalt  }
0x4e: {  	_ =	shalt  }
0x4f: {  	_ =	shalt  }
0x50: {  	_ =	shalt  }
0x51: {  	_ =	shalt  }
0x52: {  	_ =	shalt  }
0x53: {  	_ =	shalt  }
0x54: {  	_ =	shalt  }
0x55: {  	_ =	shalt  }
0x56: {  	_ =	shalt  }
0x57: {  	_ =	shalt  }
0x58: {  	_ =	shalt  }
0x59: {  	_ =	shalt  }
0x5a: {  	_ =	shalt  }
0x5b: {  	_ =	shalt  }
0x5c: {  	_ =	shalt  }
0x5d: {  	_ =	shalt  }
0x5e: {  	_ =	shalt  }
0x5f: {  	_ =	shalt  }
0x60: {  	_ =	shalt  }
0x61: {  	_ =	shalt  }
0x62: {  	_ =	shalt  }
0x63: {  	_ =	shalt  }
0x64: {  	_ =	shalt  }
0x65: {  	_ =	shalt  }
0x66: {  	_ =	shalt  }
0x67: {  	_ =	shalt  }
0x68: {  	_ =	shalt  }
0x69: {  	_ =	shalt  }
0x6a: {  	_ =	shalt  }
0x6b: {  	_ =	shalt  }
0x6c: {  	_ =	shalt  }
0x6d: {  	_ =	shalt  }
0x6e: {  	_ =	shalt  }
0x6f: {  	_ =	shalt  }
0x70: {  	_ =	shalt  }
0x71: {  	_ =	shalt  }
0x72: {  	_ =	shalt  }
0x73: {  	_ =	shalt  }
0x74: {  	_ =	shalt  }
0x75: {  	_ =	shalt  }
0x76: {  	_ =	shalt  }
0x77: {  	_ =	shalt  }
0x78: {  	_ =	shalt  }
0x79: {  	_ =	shalt  }
0x7a: {  	_ =	shalt  }
0x7b: {  	_ =	shalt  }
0x7c: {  	_ =	shalt  }
0x7d: {  	_ =	shalt  }
0x7e: {  	_ =	shalt  }
0x7f: {  	_ =	shalt  }
0x80: {  	_ =	shalt  }
0x81: {  	_ =	shalt  }
0x82: {  	_ =	shalt  }
0x83: {  	_ =	shalt  }
0x84: {  	_ =	shalt  }
0x85: {  	_ =	shalt  }
0x86: {  	_ =	shalt  }
0x87: {  	_ =	shalt  }
.Lfunc_end0:
.L_simem_size_0:
called_computation_lowered:
.L_overlay_start_0:
0x88: {  	s2 =	sld [smem:$0x3FD9]  }
0x89: {  	s3 =	sld [smem:$0x3FFE];
	_ =	sdelay $0x1  }
0x8a: {  	s1 =	srdreg.scid  }
0x8b: {  	s0 =	sand.u32 $0x1, s1  }
0x8c: {  	s17 =	sshll.u32 s0, $0xA;
	s2 =	sadd.s32 s3, s2  }
0x8d: {  	s2 =	sadd.s32 s2, s17  }
0x8e: {  	[smem:$0x3FC0] =	sst s2  }
0x8f: {  	_ = 	snop  }
0x90: {  	s2 =	sld [smem:$0x3FD0];
	(tm) =	ssettm $0x1  }
0x91: {  	s18 =	sld [smem:$0x3FFB];
	_ =	sdelay $0x3  }
0x92: {  	_ =	strace s18  }
0x93: {  	s3 =	sld [smem:$0x3FFC];
	_ =	sdelay $0x3  }
0x94: {  	_ =	strace s3  }
0x95: {  	s3 =	sld [smem:$0x3FFD];
	_ =	sdelay $0x3  }
0x96: {  	_ =	strace s3  }
0x97: {  	_ =	strace $0x8FFFFFFF  }
0x98: {  	s19 =	sld [smem:$0x3FDB];
	_ =	sdelay $0x1  }
0x99: {  	s4 =	simm.s32 $_scs_section_size  }
0x9a: {  	s5 =	simm.s32 $_size__tile_overlayer_lowered;
	s6 =	simm.s32 $_tile_overlayer_lowered  }
0x9b: {  	s22 =	simm.s32 $0x1BFF;
	s21 =	sshll.u32 s6, $0x1;
	s3 =	sadd.s32 s4, s19  }
0x9c: {  	s7 =	simm.s32 $0x0;
	s20 =	sshll.u32 s5, $0x1;
	s5 =	sadd.s32 s21, s3  }
0x9d: {  	[timem:s7], [sflag:s22] =	dma.local [hbm:s5], s20  }
0x9e: {  	_ =	swait.ge [sflag:s22], s20  }
0x9f: {  	s4 =	ssub.s32 $0x0, s20;
	[sflag:s22] =	ssyncset.done $0x0  }
0xa0: {  	[sflag:s22] =	ssyncadd.s32 s4;
	_ =	sdelay $0x1  }
0xa1: {  	s23 =	simm.s32 $0x1B8B  }
0xa2: {  	_ =	swait.ge [sflag:s23], $0x1  }
0xa3: {  	[sflag:s23] =	ssyncset.done $0x0  }
0xa4: {  	s25 =	simm.s32 $0x1B8E;
	s24 =	sld [smem:$0x3FFE];
	[sflag:s23] =	ssyncadd.s32 $0xFFFFFFFF  }
0xa5: {  	s26 =	simm.s32 $execute0_lowered;
	[smem:$0x3FD2] =	sst s25  }
0xa6: {  	s5 =	sshll.u32 s26, $0x1;
	_ =	strace $0x80000046;
	[dreg:$0x1] =	wrdreg $0xFFFFFFFF  }
0xa7: {  	s28 =	simm.s32 $_size_execute0_lowered;
	s3 =	sadd.s32 s3, s5;
	[dreg:$0x0] =	wrdreg $0x0  }
0xa8: {  	s5 =	sshll.u32 s28, $0x1;
	[dreg:$0x2] =	wrdreg s3  }
0xa9: {  	[dreg:$0x3] =	wrdreg s5  }
0xaa: {  	[dreg:$0x4] =	wrdreg $0xC0  }
0xab: {  	_ =	task [dreg:s7], $0x5FFFF  }
0xac: {  	[dreg:$0x1] =	wrdreg $0xFFFFFFFF  }
0xad: {  	[dreg:$0x0] =	wrdreg $0x60  }
0xae: {  	[dreg:$0x2] =	wrdreg s24  }
0xaf: {  	[dreg:$0x3] =	wrdreg s2  }
0xb0: {  	[dreg:$0x4] =	wrdreg $0xAF800  }
0xb1: {  	[dreg:$0x5] =	wrdreg $0xFF800  }
0xb2: {  	[dreg:$0x6] =	wrdreg $0x9  }
0xb3: {  	_ =	task.clear_ibuf [dreg:s7], $0x7FFFF;
	_ =	strace $0x90000046  }
0xb4: {  	s29 =	simm.s32 $0x9;
	_ =	strace $0x80000048  }
0xb5: {  	_ =	swait.ge [sflag:s29], $0x1  }
0xb6: {  	[sflag:s29] =	ssyncadd.s32 $0xFFFFFFFF  }
0xb7: {  	_ =	strace $0x90000048  }
0xb8: {  	_ =	sfence  }
0xb9: {  	s30 =	sld [smem:$0x0];
	_ =	sdelay $0x2  }
0xba: {  	s31 =	sshll.u32 s1, $0xD;
	s1 =	sshrl.u32 s1, $0x2  }
0xbb: {  	s3 =	sand.u32 $0x4000, s31;
	s1 =	sadd.s32 s1, s30  }
0xbc: {  	s0 =	sor.u32 s3, s0;
	s1 =	sshll.u32 s1, $0x11  }
0xbd: {  	s0 =	sor.u32 s1, s0  }
0xbe: {  	s0 =	sadd.s32 $0x8F2B, s0  }
0xbf: {  	[sflag:s0] =	ssyncadd.remote.s32 $0x1  }
0xc0: {  	_ =	sfence.sel $0xFFFF  }
0xc1: {  	[dreg:$0x0] =	wrdreg $0xFFFFFFFF;
	(pc) =	sbr.abs _section_cstart, $3  }
0xc2: {  	[dreg:$0x1] =	wrdreg $0xFFFFFFFF  }
0xc3: {  	_ =	task.clear_ibuf [dreg:s7], $0x2FFFF;
	_ =	strace $0x9FFFFFFF  }
0xc4: {  	(tm) =	ssettm $0x7FFFFFFF  }
0xc5: {  	_ =	shalt  }
tec
execute0_lowered:
.L_overlay_start_1:
0x0: {  	(tag) =	ssettag $0x1  }
0x1: {  	s0 =	srdreg.scid;
	s1 =	rddreg [dreg:$0x0]  }
0x2: {  	s4 =	rddreg [dreg:$0x1];
	s14 =	stileid.u32  }
0x3: {  	s2 =	rddreg [dreg:$0x2];
	s7 =	simm.s32 $0x0;
	s29 =	simm.s32 $0x8F00  }
0x4: {  	s28 =	simm.s32 $0x1;
	s0 =	sand.u32 $0x1, s0;
	s8 =	smul.u32 $0x5000, s14  }
0x5: {  	[smem:$0x7FF] =	sst s7;
	s9 =	smul.u32 $0x280, s14;
	s21 =	sshll.u32 s14, $0x6  }
0x6: {  	s3 =	sshll.u32 s0, $0x4;
	s10 =	smul.u32 $0x2800, s0;
	s13 =	ssub.s32 $0x2, s0  }
0x7: {  	s0 =	smul.u32 $0x50000, s0;
	s6 =	sor.u32 s14, s3;
	s3 =	rddreg [dreg:$0x3]  }
0x8: {  	_ =	strace $0x80000047;
	s11 =	sshrl.u32 s8, $0x3;
	s19 =	sshrl.u32 s9, $0x3  }
0x9: {  	s20 =	sshrl.u32 s13, $0x1;
	s22 =	sadd.s32 s8, s2;
	s5 =	smul.u32 $0x4E, s6  }
0xa: {  	s17 =	smin.u32 s6, $0x4;
	s18 =	sadd.s32 s11, s1;
	s10 =	sadd.s32 s9, s10  }
0xb: {  	s11 =	sadd.s32 s19, s1;
	s9 =	sadd.s32 s9, s3;
	s0 =	sadd.s32 s8, s0  }
0xc: {  	s8 =	sshrl.u32 s22, $0x3;
	p0 =	sgt.u32 s6, $0x3;
	s19 =	simm.s32 $0x8  }
0xd: {  	s22 =	simm.s32 $0x4;
	s6 =	simm.s32 $0x0;
	s10 =	sshrl.u32 s10, $0x3  }
0xe: {  	s11 =	sadd.s32 $0x29800, s11;
	s0 =	sshrl.u32 s0, $0x3;
	[dreg:$0xf] =	wrdreg s8  }
0xf: {  	s9 =	sshrl.u32 s9, $0x3;
	s7 =	sadd.s32 s17, s5;
	[dreg:$0x7] =	wrdreg s11  }
0x10: {  	s5 =	sadd.s32 $0x2000, s1;
	s0 =	sadd.s32 s4, s0;
	[dreg:$0x10] =	wrdreg s9  }
0x11: {  	s7 =	sshll.u32 s7, $0x4;
	[dreg:$0xc] =	wrdreg s0;
	s0 =	simm.s32 $0xAF00  }
0x12: {  	s12 =	sadd.s32 s7, s1;
	s1 =	sadd.s32 s10, s1;
	s7 =	sadd.s32 $0x1F800, s18  }
0x13: {  	s10 =	ssub.s32 s13, s20;
	[dreg:$0x5] =	wrdreg s7;
	s23 =	sadd.s32 $0xBE00, s12  }
0x14: {  	s20 =	simm.s32 $0x80;
	s24 =	sadd.s32 $0x15A40, s12;
	[dreg:$0x8] =	wrdreg s23  }
0x15: {  	s7 =	sor.u32 $0x1C0E, s21;
	s25 =	sadd.s32 $0xC2E0, s12;
	[dreg:$0x9] =	wrdreg s24  }
0x16: {  	s26 =	sadd.s32 $0x15F20, s12;
	s30 =	sadd.s32 $0x29E00, s1;
	[dreg:$0xa] =	wrdreg s25  }
0x17: {  	s31 =	smax.u32 s10, $0x1;
	s10 =	simm.s32 $0xE;
	[dreg:$0xb] =	wrdreg s26  }
0x18: {  	s21 =	simm.s32 $0x4F00;
	s1 =	simm.s32 $0x2;
	[dreg:$0xd] =	wrdreg s30  }
0x19: {  	[dreg:$0xe] =	wrdreg s31;
	s24 =	simm.s32 $0x6F00;
	s23 =	simm.s32 $0xA  }
0x1a: {  	v0 =	vimm.f32 $1.000000000e+00;
	s25 =	simm.s32 $0x6;
	s26 =	simm.s32 $0xC;
	[dreg:$0x6] =	wrdreg s7  }
.LBB2_1:
0x1b: {  	[dreg:$0x11] =	wrdreg s6  }
0x1c: {  	s4 =	rddreg [dreg:$0x5]  }
0x1d: {  	[spmem:s8], [sflag:s7] =	dma.local [hbm:s4], $0xA00  }
0x1e: {  	_ =	swait.ge [sflag:s10], $0xA00  }
0x1f: {  	[sflag:s10] =	ssyncset.done $0x0  }
0x20: {  	s18 =	rddreg [dreg:$0x7];
	[sflag:s10] =	ssyncadd.s32 $0xFFFFF600  }
0x21: {  	[spmem:s9], [sflag:s7] =	dma.local [hbm:s18], $0x50  }
0x22: {  	_ =	swait.ge [sflag:s10], $0x50  }
0x23: {  	[sflag:s10] =	ssyncset.done $0x0  }
0x24: {  	[sflag:s10] =	ssyncadd.s32 $0xFFFFFFB0  }
0x25: {  	[tilespmem:$0xAF00] =	vst v0  }
0x26: {  	[tilespmem:$0xAF10] =	vst v0  }
0x27: {  	[tilespmem:$0xAF20] =	vst v0  }
0x28: {  	[tilespmem:$0xAF30] =	vst v0  }
0x29: {  	[tilespmem:$0xAF40] =	vst v0  }
0x2a: {  	[tilespmem:$0xAF50] =	vst v0  }
0x2b: {  	[tilespmem:$0xAF60] =	vst v0  }
0x2c: {  	[tilespmem:$0xAF70] =	vst v0  }
0x2d: {  	[bflag:$0x0] =	sbarrier.arrive $0xFFFF  }
0x2e: {  	s30 =	simm.s32 $0x0;
	s7 =	rddreg [dreg:$0x8]  }
0x2f: {  	[tilespmem:s30], [sflag:$0xE] =	stream.linear.gather [hbm4b:s7+s30], $0x2700, $0x38;
	[tilespmem:$0x10200] =	vst v63  }
0x30: {  	_ =	swait.ge [sflag:s10], $0x2700  }
0x31: {  	[sflag:s10] =	ssyncset.done $0x0  }
0x32: {  	s9 =	simm.s32 $0x2780;
	s8 =	rddreg [dreg:$0x9];
	[sflag:s10] =	ssyncadd.s32 $0xFFFFD900  }
0x33: {  	[tilespmem:s9], [sflag:$0xE] =	stream.linear.gather [hbm4b:s8+s30], $0x2700, $0x38;
	[tilespmem:$0x10200] =	vst v63  }
0x34: {  	_ =	swait.ge [sflag:s10], $0x2700  }
0x35: {  	[sflag:s10] =	ssyncset.done $0x0  }
0x36: {  	[sflag:s10] =	ssyncadd.s32 $0xFFFFD900  }
0x37: {  	[tilespmem:s21], [sflag:$0x2] =	stream.indirect.gather [hbm4b:s5+s20], $0x20, s30, s20, $0xb8;
	[tilespmem:$0x10200] =	vst v63  }
0x38: {  	s10 =	simm.s32 $0x5F00  }
0x39: {  	[tilespmem:s10], [sflag:$0x3] =	stream.indirect.gather [hbm4b:s5+s20], $0x20, s20, s20, $0xb8;
	[tilespmem:$0x10200] =	vst v63  }
0x3a: {  	s11 =	simm.s32 $0x100  }
0x3b: {  	[tilespmem:s24], [sflag:$0x4] =	stream.indirect.gather [hbm4b:s5+s20], $0x20, s11, s20, $0xb8;
	[tilespmem:$0x10200] =	vst v63  }
0x3c: {  	s12 =	simm.s32 $0x180;
	s13 =	simm.s32 $0x7F00  }
0x3d: {  	[tilespmem:s13], [sflag:$0x5] =	stream.indirect.gather [hbm4b:s5+s20], $0x20, s12, s20, $0xb8;
	[tilespmem:$0x10200] =	vst v63  }
0x3e: {  	s14 =	simm.s32 $0x200  }
0x3f: {  	[tilespmem:s29], [sflag:$0x6] =	stream.indirect.gather [hbm4b:s5+s20], $0x20, s14, s20, $0xb8;
	[tilespmem:$0x10200] =	vst v63  }
0x40: {  	s15 =	simm.s32 $0x280;
	s16 =	simm.s32 $0x9F00  }
0x41: {  	[tilespmem:s16], [sflag:$0x7] =	stream.indirect.gather [hbm4b:s5+s20], $0x20, s15, s20, $0xb8;
	[tilespmem:$0x10200] =	vst v63  }
0x42: {  	_ =	swait.ge [sflag:s1], $0x1000  }
0x43: {  	[sflag:s1] =	ssyncset.done $0x0  }
0x44: {  	s17 =	simm.s32 $0x2780;
	[sflag:s1] =	ssyncadd.s32 $0xFFFFF000  }
0x45: {  	[spmem:s2] =	stream.indirect.scatter.add.f32 [tilespmem:s21], [sflag:$0x8], $0x20, s17, s20, $0xb8;
	[tilespmem:$0x10200] =	vst v63  }
0x46: {  	_ = 	snop  }
0x47: {  	[spmem:s3] =	stream.indirect.scatter.add.f32 [tilespmem:s0], [sflag:$0x1], $0x1, s17, s20, $0xb8;
	[tilespmem:$0x10200] =	vst v63  }
0x48: {  	_ =	swait.ge [sflag:s19], $0x1000  }
0x49: {  	p1 =	por $0x0, $0x0;
	[sflag:s19] =	ssyncset.done $0x0  }
0x4a: {  	s4 =	simm.s32 @p1 $0x3;
	[sflag:s19] =	ssyncadd.s32 $0xFFFFF000  }
0x4b: {  	_ =	swait.ge @p1 [sflag:s4], $0x1000  }
0x4c: {  	s6 =	simm.s32 @p1 $0x80;
	[sflag:s4] =	ssyncset.done @p1 $0x0  }
0x4d: {  	s8 =	simm.s32 @p1 $0x5F00;
	[sflag:s4] =	ssyncadd.s32 @p1 $0xFFFFF000;
	s4 =	simm.s32 @p1 $0x2800  }
0x4e: {  	[spmem:s2] =	stream.indirect.scatter.add.f32 @p1 [tilespmem:s8], [sflag:$0x9], $0x20, s4, s6, $0xb8;
	[tilespmem:$0x10200] =	vst v63  }
0x4f: {  	s9 =	simm.s32 @p1 $0x9;
	s8 =	simm.s32 @p1 $0xAF00  }
0x50: {  	[spmem:s3] =	stream.indirect.scatter.add.f32 @p1 [tilespmem:s8], [sflag:$0x1], $0x1, s4, s6, $0xb8;
	[tilespmem:$0x10200] =	vst v63  }
0x51: {  	_ =	swait.ge @p1 [sflag:s9], $0x1000  }
0x52: {  	s10 =	simm.s32 @!p1 $0x300;
	s11 =	simm.s32 @!p1 $0x3;
	[sflag:s9] =	ssyncset.done @p1 $0x0  }
0x53: {  	s4 =	simm.s32 @!p1 $0x80;
	[sflag:s9] =	ssyncadd.s32 @p1 $0xFFFFF000;
	s9 =	simm.s32 @!p1 $0x4F00  }
0x54: {  	[tilespmem:s9], [sflag:$0x2] =	stream.indirect.gather @!p1 [hbm4b:s5+s4], $0x20, s10, s4, $0xb8;
	[tilespmem:$0x10200] =	vst v63  }
0x55: {  	_ =	swait.ge @!p1 [sflag:s11], $0x1000  }
0x56: {  	[sflag:s11] =	ssyncset.done @!p1 $0x0  }
0x57: {  	s10 =	simm.s32 @!p1 $0x2800;
	[sflag:s11] =	ssyncadd.s32 @!p1 $0xFFFFF000;
	s11 =	simm.s32 @!p1 $0x5F00  }
0x58: {  	[spmem:s2] =	stream.indirect.scatter.add.f32 @!p1 [tilespmem:s11], [sflag:$0x9], $0x20, s10, s4, $0xb8;
	[tilespmem:$0x10200] =	vst v63  }
0x59: {  	s9 =	simm.s32 @!p1 $0xAF00  }
0x5a: {  	[spmem:s3] =	stream.indirect.scatter.add.f32 @!p1 [tilespmem:s9], [sflag:$0x1], $0x1, s10, s4, $0xb8;
	[tilespmem:$0x10200] =	vst v63  }
0x5b: {  	s10 =	simm.s32 @!p1 $0x9  }
0x5c: {  	_ =	swait.ge @!p1 [sflag:s10], $0x1000  }
0x5d: {  	[sflag:s10] =	ssyncset.done @!p1 $0x0  }
0x5e: {  	[sflag:s10] =	ssyncadd.s32 @!p1 $0xFFFFF000;
	s10 =	simm.s32 @!p1 $0x380  }
0x5f: {  	[tilespmem:s11], [sflag:$0x3] =	stream.indirect.gather @!p1 [hbm4b:s5+s4], $0x20, s10, s4, $0xb8;
	[tilespmem:$0x10200] =	vst v63  }
0x60: {  	_ =	swait.ge [sflag:s22], $0x1000  }
0x61: {  	[sflag:s22] =	ssyncset.done $0x0  }
0x62: {  	s18 =	simm.s32 $0x2880;
	[sflag:s22] =	ssyncadd.s32 $0xFFFFF000  }
0x63: {  	[spmem:s2] =	stream.indirect.scatter.add.f32 [tilespmem:s24], [sflag:$0xA], $0x20, s18, s20, $0xb8;
	[tilespmem:$0x10200] =	vst v63  }
0x64: {  	_ = 	snop  }
0x65: {  	[spmem:s3] =	stream.indirect.scatter.add.f32 [tilespmem:s0], [sflag:$0x1], $0x1, s18, s20, $0xb8;
	[tilespmem:$0x10200] =	vst v63  }
0x66: {  	_ =	swait.ge [sflag:s23], $0x1000  }
0x67: {  	[sflag:s23] =	ssyncset.done $0x0  }
0x68: {  	s10 =	simm.s32 @p1 $0x5;
	[sflag:s23] =	ssyncadd.s32 $0xFFFFF000  }
0x69: {  	_ =	swait.ge @p1 [sflag:s10], $0x1000  }
0x6a: {  	[sflag:s10] =	ssyncset.done @p1 $0x0  }
0x6b: {  	s11 =	simm.s32 @p1 $0x7F00;
	[sflag:s10] =	ssyncadd.s32 @p1 $0xFFFFF000;
	s10 =	simm.s32 @p1 $0x2900  }
0x6c: {  	[spmem:s2] =	stream.indirect.scatter.add.f32 @p1 [tilespmem:s11], [sflag:$0xB], $0x20, s10, s6, $0xb8;
	[tilespmem:$0x10200] =	vst v63  }
0x6d: {  	s11 =	simm.s32 @p1 $0xB  }
0x6e: {  	[spmem:s3] =	stream.indirect.scatter.add.f32 @p1 [tilespmem:s8], [sflag:$0x1], $0x1, s10, s6, $0xb8;
	[tilespmem:$0x10200] =	vst v63  }
0x6f: {  	_ =	swait.ge @p1 [sflag:s11], $0x1000  }
0x70: {  	[sflag:s11] =	ssyncset.done @p1 $0x0  }
0x71: {  	s10 =	simm.s32 @!p1 $0x400;
	[sflag:s11] =	ssyncadd.s32 @p1 $0xFFFFF000;
	s11 =	simm.s32 @!p1 $0x6F00  }
0x72: {  	[tilespmem:s11], [sflag:$0x4] =	stream.indirect.gather @!p1 [hbm4b:s5+s4], $0x20, s10, s4, $0xb8;
	[tilespmem:$0x10200] =	vst v63  }
0x73: {  	s10 =	simm.s32 @!p1 $0x5  }
0x74: {  	_ =	swait.ge @!p1 [sflag:s10], $0x1000  }
0x75: {  	[sflag:s10] =	ssyncset.done @!p1 $0x0  }
0x76: {  	s11 =	simm.s32 @!p1 $0x7F00;
	[sflag:s10] =	ssyncadd.s32 @!p1 $0xFFFFF000;
	s10 =	simm.s32 @!p1 $0x2900  }
0x77: {  	[spmem:s2] =	stream.indirect.scatter.add.f32 @!p1 [tilespmem:s11], [sflag:$0xB], $0x20, s10, s4, $0xb8;
	[tilespmem:$0x10200] =	vst v63  }
0x78: {  	_ = 	snop  }
0x79: {  	[spmem:s3] =	stream.indirect.scatter.add.f32 @!p1 [tilespmem:s9], [sflag:$0x1], $0x1, s10, s4, $0xb8;
	[tilespmem:$0x10200] =	vst v63  }
0x7a: {  	s10 =	simm.s32 @!p1 $0xB  }
0x7b: {  	_ =	swait.ge @!p1 [sflag:s10], $0x1000  }
0x7c: {  	[sflag:s10] =	ssyncset.done @!p1 $0x0  }
0x7d: {  	[sflag:s10] =	ssyncadd.s32 @!p1 $0xFFFFF000;
	s10 =	simm.s32 @!p1 $0x480  }
0x7e: {  	[tilespmem:s11], [sflag:$0x5] =	stream.indirect.gather @!p1 [hbm4b:s5+s4], $0x20, s10, s4, $0xb8;
	[tilespmem:$0x10200] =	vst v63  }
0x7f: {  	_ =	swait.ge [sflag:s25], $0x1000  }
0x80: {  	[sflag:s25] =	ssyncset.done $0x0  }
0x81: {  	s30 =	simm.s32 $0x2980;
	[sflag:s25] =	ssyncadd.s32 $0xFFFFF000  }
0x82: {  	[spmem:s2] =	stream.indirect.scatter.add.f32 [tilespmem:s29], [sflag:$0xC], $0x20, s30, s20, $0xb8;
	[tilespmem:$0x10200] =	vst v63  }
0x83: {  	_ = 	snop  }
0x84: {  	[spmem:s3] =	stream.indirect.scatter.add.f32 [tilespmem:s0], [sflag:$0x1], $0x1, s30, s20, $0xb8;
	[tilespmem:$0x10200] =	vst v63  }
0x85: {  	_ =	swait.ge [sflag:s26], $0x1000  }
0x86: {  	[sflag:s26] =	ssyncset.done $0x0  }
0x87: {  	s10 =	simm.s32 @p1 $0x7;
	[sflag:s26] =	ssyncadd.s32 $0xFFFFF000  }
0x88: {  	_ =	swait.ge @p1 [sflag:s10], $0x1000  }
0x89: {  	[sflag:s10] =	ssyncset.done @p1 $0x0  }
0x8a: {  	s11 =	simm.s32 @p1 $0x9F00;
	[sflag:s10] =	ssyncadd.s32 @p1 $0xFFFFF000;
	s10 =	simm.s32 @p1 $0x2A00  }
0x8b: {  	[spmem:s2] =	stream.indirect.scatter.add.f32 @p1 [tilespmem:s11], [sflag:$0xD], $0x20, s10, s6, $0xb8;
	[tilespmem:$0x10200] =	vst v63  }
0x8c: {  	_ = 	snop  }
0x8d: {  	[spmem:s3] =	stream.indirect.scatter.add.f32 @p1 [tilespmem:s8], [sflag:$0x1], $0x1, s10, s6, $0xb8;
	[tilespmem:$0x10200] =	vst v63  }
0x8e: {  	s6 =	simm.s32 @p1 $0xD  }
0x8f: {  	_ =	swait.ge @p1 [sflag:s6], $0x1000  }
0x90: {  	[sflag:s6] =	ssyncset.done @p1 $0x0  }
0x91: {  	s8 =	simm.s32 @!p1 $0x500;
	[sflag:s6] =	ssyncadd.s32 @p1 $0xFFFFF000;
	s6 =	simm.s32 @!p1 $0x8F00  }
0x92: {  	[tilespmem:s6], [sflag:$0x6] =	stream.indirect.gather @!p1 [hbm4b:s5+s4], $0x20, s8, s4, $0xb8;
	[tilespmem:$0x10200] =	vst v63  }
0x93: {  	s6 =	simm.s32 @!p1 $0x7  }
0x94: {  	_ =	swait.ge @!p1 [sflag:s6], $0x1000  }
0x95: {  	[sflag:s6] =	ssyncset.done @!p1 $0x0  }
0x96: {  	s8 =	simm.s32 @!p1 $0x9F00;
	[sflag:s6] =	ssyncadd.s32 @!p1 $0xFFFFF000;
	s6 =	simm.s32 @!p1 $0x2A00  }
0x97: {  	[spmem:s2] =	stream.indirect.scatter.add.f32 @!p1 [tilespmem:s8], [sflag:$0xD], $0x20, s6, s4, $0xb8;
	[tilespmem:$0x10200] =	vst v63  }
0x98: {  	_ = 	snop  }
0x99: {  	[spmem:s3] =	stream.indirect.scatter.add.f32 @!p1 [tilespmem:s9], [sflag:$0x1], $0x1, s6, s4, $0xb8;
	[tilespmem:$0x10200] =	vst v63  }
0x9a: {  	s6 =	simm.s32 @!p1 $0xD  }
0x9b: {  	_ =	swait.ge @!p1 [sflag:s6], $0x1000  }
0x9c: {  	[sflag:s6] =	ssyncset.done @!p1 $0x0  }
0x9d: {  	[sflag:s6] =	ssyncadd.s32 @!p1 $0xFFFFF000;
	s6 =	simm.s32 @!p1 $0x580  }
0x9e: {  	[tilespmem:s8], [sflag:$0x7] =	stream.indirect.gather @!p1 [hbm4b:s5+s4], $0x20, s6, s4, $0xb8;
	[tilespmem:$0x10200] =	vst v63  }
0x9f: {  	_ =	swait.ge [sflag:s28], $0x80  }
0xa0: {  	[sflag:s28] =	ssyncset.done $0x0  }
0xa1: {  	[sflag:s28] =	ssyncadd.s32 $0xFFFFFF80  }
0xa2: {  	_ =	swait.ge [sflag:s28], $0x80  }
0xa3: {  	[sflag:s28] =	ssyncset.done $0x0  }
0xa4: {  	[sflag:s28] =	ssyncadd.s32 $0xFFFFFF80  }
0xa5: {  	_ =	swait.ge [sflag:s28], $0x80  }
0xa6: {  	[sflag:s28] =	ssyncset.done $0x0  }
0xa7: {  	[sflag:s28] =	ssyncadd.s32 $0xFFFFFF80  }
0xa8: {  	_ =	swait.ge [sflag:s28], $0x80  }
0xa9: {  	[sflag:s28] =	ssyncset.done $0x0  }
0xaa: {  	[sflag:s28] =	ssyncadd.s32 $0xFFFFFF80  }
0xab: {  	_ =	swait.ge [sflag:s28], $0x80  }
0xac: {  	[sflag:s28] =	ssyncset.done $0x0  }
0xad: {  	[sflag:s28] =	ssyncadd.s32 $0xFFFFFF80  }
0xae: {  	_ =	swait.ge [sflag:s28], $0x80  }
0xaf: {  	s31 =	simm.s32 $0xC00;
	[sflag:s28] =	ssyncset.done $0x0  }
.LBB2_2:
0xb0: {  	[sflag:s28] =	ssyncadd.s32 $0xFFFFFF80;
	s4 =	smov.u32 s31;
	s31 =	sadd.s32 $0xC00, s31  }
0xb1: {  	_ =	swait.ge [sflag:s1], $0x1000;
	p1 =	sne.s32 s31, $0x9C00  }
0xb2: {  	s11 =	sshra.s32 s4, $0x2;
	[sflag:s1] =	ssyncset.done $0x0  }
0xb3: {  	s6 =	sadd.s32 $0x2780, s11;
	[sflag:s1] =	ssyncadd.s32 $0xFFFFF000  }
0xb4: {  	[spmem:s2] =	stream.indirect.scatter.add.f32 [tilespmem:s21], [sflag:$0x8], $0x20, s6, s20, $0xb8;
	[tilespmem:$0x10200] =	vst v63  }
0xb5: {  	_ = 	snop  }
0xb6: {  	[spmem:s3] =	stream.indirect.scatter.add.f32 [tilespmem:s0], [sflag:$0x1], $0x1, s6, s20, $0xb8;
	[tilespmem:$0x10200] =	vst v63  }
0xb7: {  	_ =	swait.ge [sflag:s19], $0x1000  }
0xb8: {  	p2 =	seq.s32 s4, $0x9000;
	[sflag:s19] =	ssyncset.done $0x0  }
0xb9: {  	s8 =	simm.s32 @p2 $0x3;
	s10 =	sshra.s32 @p2 s4, $0x2;
	[sflag:s19] =	ssyncadd.s32 $0xFFFFF000  }
0xba: {  	s6 =	sshra.s32 @!p2 s4, $0x2;
	_ =	swait.ge @p2 [sflag:s8], $0x1000  }
0xbb: {  	s4 =	simm.s32 @p2 $0x5F00;
	s9 =	sadd.s32 @!p2 $0x300, s6;
	[sflag:s8] =	ssyncset.done @p2 $0x0  }
0xbc: {  	s12 =	simm.s32 @p2 $0x80;
	[sflag:s8] =	ssyncadd.s32 @p2 $0xFFFFF000;
	s8 =	sadd.s32 @p2 $0x2800, s10  }
0xbd: {  	[spmem:s2] =	stream.indirect.scatter.add.f32 @p2 [tilespmem:s4], [sflag:$0x9], $0x20, s8, s12, $0xb8;
	[tilespmem:$0x10200] =	vst v63  }
0xbe: {  	s13 =	simm.s32 @p2 $0xAF00;
	s15 =	simm.s32 @p2 $0x9;
	s18 =	sadd.s32 @!p2 $0x380, s6  }
0xbf: {  	[spmem:s3] =	stream.indirect.scatter.add.f32 @p2 [tilespmem:s13], [sflag:$0x1], $0x1, s8, s12, $0xb8;
	[tilespmem:$0x10200] =	vst v63  }
0xc0: {  	s16 =	sadd.s32 @!p2 $0x400, s6;
	s4 =	sadd.s32 @!p2 $0x480, s6;
	_ =	swait.ge @p2 [sflag:s15], $0x1000  }
0xc1: {  	s7 =	simm.s32 @!p2 $0x3;
	s14 =	sadd.s32 @!p2 $0x500, s6;
	[sflag:s15] =	ssyncset.done @p2 $0x0  }
0xc2: {  	s8 =	simm.s32 @!p2 $0x80;
	[sflag:s15] =	ssyncadd.s32 @p2 $0xFFFFF000;
	s15 =	simm.s32 @!p2 $0x4F00  }
0xc3: {  	[tilespmem:s15], [sflag:$0x2] =	stream.indirect.gather @!p2 [hbm4b:s5+s8], $0x20, s9, s8, $0xb8;
	[tilespmem:$0x10200] =	vst v63  }
0xc4: {  	s9 =	sadd.s32 @!p2 $0x580, s6;
	_ =	swait.ge @!p2 [sflag:s7], $0x1000  }
0xc5: {  	[sflag:s7] =	ssyncset.done @!p2 $0x0  }
0xc6: {  	s30 =	simm.s32 @!p2 $0x5F00;
	[sflag:s7] =	ssyncadd.s32 @!p2 $0xFFFFF000;
	s7 =	sadd.s32 @!p2 $0x2800, s6  }
0xc7: {  	[spmem:s2] =	stream.indirect.scatter.add.f32 @!p2 [tilespmem:s30], [sflag:$0x9], $0x20, s7, s8, $0xb8;
	[tilespmem:$0x10200] =	vst v63  }
0xc8: {  	s17 =	simm.s32 @!p2 $0x9;
	s15 =	simm.s32 @!p2 $0xAF00  }
0xc9: {  	[spmem:s3] =	stream.indirect.scatter.add.f32 @!p2 [tilespmem:s15], [sflag:$0x1], $0x1, s7, s8, $0xb8;
	[tilespmem:$0x10200] =	vst v63  }
0xca: {  	_ =	swait.ge @!p2 [sflag:s17], $0x1000  }
0xcb: {  	[sflag:s17] =	ssyncset.done @!p2 $0x0  }
0xcc: {  	[sflag:s17] =	ssyncadd.s32 @!p2 $0xFFFFF000  }
0xcd: {  	[tilespmem:s30], [sflag:$0x3] =	stream.indirect.gather @!p2 [hbm4b:s5+s8], $0x20, s18, s8, $0xb8;
	[tilespmem:$0x10200] =	vst v63  }
0xce: {  	_ =	swait.ge [sflag:s22], $0x1000  }
0xcf: {  	[sflag:s22] =	ssyncset.done $0x0  }
0xd0: {  	s7 =	sadd.s32 $0x2880, s11;
	[sflag:s22] =	ssyncadd.s32 $0xFFFFF000  }
0xd1: {  	[spmem:s2] =	stream.indirect.scatter.add.f32 [tilespmem:s24], [sflag:$0xA], $0x20, s7, s20, $0xb8;
	[tilespmem:$0x10200] =	vst v63  }
0xd2: {  	_ = 	snop  }
0xd3: {  	[spmem:s3] =	stream.indirect.scatter.add.f32 [tilespmem:s0], [sflag:$0x1], $0x1, s7, s20, $0xb8;
	[tilespmem:$0x10200] =	vst v63  }
0xd4: {  	_ =	swait.ge [sflag:s23], $0x1000  }
0xd5: {  	[sflag:s23] =	ssyncset.done $0x0  }
0xd6: {  	s7 =	simm.s32 @p2 $0x5;
	[sflag:s23] =	ssyncadd.s32 $0xFFFFF000  }
0xd7: {  	_ =	swait.ge @p2 [sflag:s7], $0x1000  }
0xd8: {  	[sflag:s7] =	ssyncset.done @p2 $0x0  }
0xd9: {  	s17 =	simm.s32 @p2 $0x7F00;
	[sflag:s7] =	ssyncadd.s32 @p2 $0xFFFFF000;
	s7 =	sadd.s32 @p2 $0x2900, s10  }
0xda: {  	[spmem:s2] =	stream.indirect.scatter.add.f32 @p2 [tilespmem:s17], [sflag:$0xB], $0x20, s7, s12, $0xb8;
	[tilespmem:$0x10200] =	vst v63  }
0xdb: {  	s17 =	simm.s32 @p2 $0xB  }
0xdc: {  	[spmem:s3] =	stream.indirect.scatter.add.f32 @p2 [tilespmem:s13], [sflag:$0x1], $0x1, s7, s12, $0xb8;
	[tilespmem:$0x10200] =	vst v63  }
0xdd: {  	_ =	swait.ge @p2 [sflag:s17], $0x1000  }
0xde: {  	[sflag:s17] =	ssyncset.done @p2 $0x0  }
0xdf: {  	s7 =	simm.s32 @!p2 $0x6F00;
	[sflag:s17] =	ssyncadd.s32 @p2 $0xFFFFF000;
	s17 =	simm.s32 @!p2 $0x5  }
0xe0: {  	[tilespmem:s7], [sflag:$0x4] =	stream.indirect.gather @!p2 [hbm4b:s5+s8], $0x20, s16, s8, $0xb8;
	[tilespmem:$0x10200] =	vst v63  }
0xe1: {  	_ =	swait.ge @!p2 [sflag:s17], $0x1000  }
0xe2: {  	[sflag:s17] =	ssyncset.done @!p2 $0x0  }
0xe3: {  	s7 =	sadd.s32 @!p2 $0x2900, s6;
	s16 =	simm.s32 @!p2 $0x7F00;
	[sflag:s17] =	ssyncadd.s32 @!p2 $0xFFFFF000  }
0xe4: {  	[spmem:s2] =	stream.indirect.scatter.add.f32 @!p2 [tilespmem:s16], [sflag:$0xB], $0x20, s7, s8, $0xb8;
	[tilespmem:$0x10200] =	vst v63  }
0xe5: {  	s17 =	simm.s32 @!p2 $0xB  }
0xe6: {  	[spmem:s3] =	stream.indirect.scatter.add.f32 @!p2 [tilespmem:s15], [sflag:$0x1], $0x1, s7, s8, $0xb8;
	[tilespmem:$0x10200] =	vst v63  }
0xe7: {  	_ =	swait.ge @!p2 [sflag:s17], $0x1000  }
0xe8: {  	[sflag:s17] =	ssyncset.done @!p2 $0x0  }
0xe9: {  	[sflag:s17] =	ssyncadd.s32 @!p2 $0xFFFFF000  }
0xea: {  	[tilespmem:s16], [sflag:$0x5] =	stream.indirect.gather @!p2 [hbm4b:s5+s8], $0x20, s4, s8, $0xb8;
	[tilespmem:$0x10200] =	vst v63  }
0xeb: {  	_ =	swait.ge [sflag:s25], $0x1000  }
0xec: {  	[sflag:s25] =	ssyncset.done $0x0  }
0xed: {  	s4 =	sadd.s32 $0x2980, s11;
	[sflag:s25] =	ssyncadd.s32 $0xFFFFF000  }
0xee: {  	[spmem:s2] =	stream.indirect.scatter.add.f32 [tilespmem:s29], [sflag:$0xC], $0x20, s4, s20, $0xb8;
	[tilespmem:$0x10200] =	vst v63  }
0xef: {  	_ = 	snop  }
0xf0: {  	[spmem:s3] =	stream.indirect.scatter.add.f32 [tilespmem:s0], [sflag:$0x1], $0x1, s4, s20, $0xb8;
	[tilespmem:$0x10200] =	vst v63  }
0xf1: {  	_ =	swait.ge [sflag:s26], $0x1000  }
0xf2: {  	[sflag:s26] =	ssyncset.done $0x0  }
0xf3: {  	s4 =	simm.s32 @p2 $0x7;
	[sflag:s26] =	ssyncadd.s32 $0xFFFFF000  }
0xf4: {  	_ =	swait.ge @p2 [sflag:s4], $0x1000  }
0xf5: {  	[sflag:s4] =	ssyncset.done @p2 $0x0  }
0xf6: {  	s7 =	simm.s32 @p2 $0x9F00;
	[sflag:s4] =	ssyncadd.s32 @p2 $0xFFFFF000;
	s4 =	sadd.s32 @p2 $0x2A00, s10  }
0xf7: {  	[spmem:s2] =	stream.indirect.scatter.add.f32 @p2 [tilespmem:s7], [sflag:$0xD], $0x20, s4, s12, $0xb8;
	[tilespmem:$0x10200] =	vst v63  }
0xf8: {  	s7 =	simm.s32 @p2 $0xD  }
0xf9: {  	[spmem:s3] =	stream.indirect.scatter.add.f32 @p2 [tilespmem:s13], [sflag:$0x1], $0x1, s4, s12, $0xb8;
	[tilespmem:$0x10200] =	vst v63  }
0xfa: {  	_ =	swait.ge @p2 [sflag:s7], $0x1000  }
0xfb: {  	[sflag:s7] =	ssyncset.done @p2 $0x0  }
0xfc: {  	s4 =	simm.s32 @!p2 $0x8F00;
	[sflag:s7] =	ssyncadd.s32 @p2 $0xFFFFF000;
	s7 =	simm.s32 @!p2 $0x7  }
0xfd: {  	[tilespmem:s4], [sflag:$0x6] =	stream.indirect.gather @!p2 [hbm4b:s5+s8], $0x20, s14, s8, $0xb8;
	[tilespmem:$0x10200] =	vst v63  }
0xfe: {  	_ =	swait.ge @!p2 [sflag:s7], $0x1000  }
0xff: {  	[sflag:s7] =	ssyncset.done @!p2 $0x0  }
0x100: {  	s4 =	sadd.s32 @!p2 $0x2A00, s6;
	s6 =	simm.s32 @!p2 $0x9F00;
	[sflag:s7] =	ssyncadd.s32 @!p2 $0xFFFFF000  }
0x101: {  	[spmem:s2] =	stream.indirect.scatter.add.f32 @!p2 [tilespmem:s6], [sflag:$0xD], $0x20, s4, s8, $0xb8;
	[tilespmem:$0x10200] =	vst v63  }
0x102: {  	s7 =	simm.s32 @!p2 $0xD  }
0x103: {  	[spmem:s3] =	stream.indirect.scatter.add.f32 @!p2 [tilespmem:s15], [sflag:$0x1], $0x1, s4, s8, $0xb8;
	[tilespmem:$0x10200] =	vst v63  }
0x104: {  	_ =	swait.ge @!p2 [sflag:s7], $0x1000  }
0x105: {  	[sflag:s7] =	ssyncset.done @!p2 $0x0  }
0x106: {  	[sflag:s7] =	ssyncadd.s32 @!p2 $0xFFFFF000  }
0x107: {  	[tilespmem:s6], [sflag:$0x7] =	stream.indirect.gather @!p2 [hbm4b:s5+s8], $0x20, s9, s8, $0xb8;
	[tilespmem:$0x10200] =	vst v63  }
0x108: {  	_ =	swait.ge [sflag:s28], $0x80  }
0x109: {  	[sflag:s28] =	ssyncset.done $0x0  }
0x10a: {  	[sflag:s28] =	ssyncadd.s32 $0xFFFFFF80  }
0x10b: {  	_ =	swait.ge [sflag:s28], $0x80  }
0x10c: {  	[sflag:s28] =	ssyncset.done $0x0  }
0x10d: {  	[sflag:s28] =	ssyncadd.s32 $0xFFFFFF80  }
0x10e: {  	_ =	swait.ge [sflag:s28], $0x80  }
0x10f: {  	[sflag:s28] =	ssyncset.done $0x0  }
0x110: {  	[sflag:s28] =	ssyncadd.s32 $0xFFFFFF80  }
0x111: {  	_ =	swait.ge [sflag:s28], $0x80  }
0x112: {  	[sflag:s28] =	ssyncset.done $0x0  }
0x113: {  	[sflag:s28] =	ssyncadd.s32 $0xFFFFFF80  }
.Ltmp0:
0x114: {  	_ =	swait.ge [sflag:s28], $0x80;
	(pc) =	sbr.rel @p1 .LBB2_2-.Ltmp0, $4  }
0x115: {  	[sflag:s28] =	ssyncset.done $0x0  }
0x116: {  	[sflag:s28] =	ssyncadd.s32 $0xFFFFFF80  }
0x117: {  	_ =	swait.ge [sflag:s28], $0x80  }
0x118: {  	[sflag:s28] =	ssyncset.done $0x0  }
0x119: {  	[sflag:s28] =	ssyncadd.s32 $0xFFFFFF80  }
0x11a: {  	s4 =	simm.s32 @!p0 $0x0;
	s6 =	simm.s32 @!p0 $0x2700;
	s7 =	rddreg [dreg:$0xa]  }
0x11b: {  	[tilespmem:s6], [sflag:$0xE] =	stream.linear.gather @!p0 [hbm4b:s7+s4], $0x80, $0x38;
	[tilespmem:$0x10200] =	vst v63  }
0x11c: {  	s7 =	simm.s32 @!p0 $0xE  }
0x11d: {  	_ =	swait.ge @!p0 [sflag:s7], $0x80  }
0x11e: {  	[sflag:s7] =	ssyncset.done @!p0 $0x0  }
0x11f: {  	s8 =	simm.s32 @!p0 $0x4E80;
	s9 =	rddreg [dreg:$0xb];
	[sflag:s7] =	ssyncadd.s32 @!p0 $0xFFFFFF80  }
0x120: {  	[tilespmem:s8], [sflag:$0xE] =	stream.linear.gather @!p0 [hbm4b:s9+s4], $0x80, $0x38;
	[tilespmem:$0x10200] =	vst v63  }
0x121: {  	_ =	swait.ge @!p0 [sflag:s7], $0x80  }
0x122: {  	[sflag:s7] =	ssyncset.done @!p0 $0x0  }
0x123: {  	s4 =	simm.s32 @!p0 $0x80;
	s9 =	simm.s32 @!p0 $0x4F00;
	[sflag:s7] =	ssyncadd.s32 @!p0 $0xFFFFFF80  }
0x124: {  	[tilespmem:s9], [sflag:$0x2] =	stream.indirect.gather @!p0 [hbm4b:s5+s4], $0x20, s6, s4, $0xb8;
	[tilespmem:$0x10200] =	vst v63  }
0x125: {  	s6 =	simm.s32 @!p0 $0x2  }
0x126: {  	_ =	swait.ge @!p0 [sflag:s6], $0x1000  }
0x127: {  	[sflag:s6] =	ssyncset.done @!p0 $0x0  }
0x128: {  	[sflag:s6] =	ssyncadd.s32 @!p0 $0xFFFFF000  }
0x129: {  	[spmem:s2] =	stream.indirect.scatter.add.f32 @!p0 [tilespmem:s9], [sflag:$0xE], $0x20, s8, s4, $0xb8;
	[tilespmem:$0x10200] =	vst v63  }
0x12a: {  	_ =	swait.ge @!p0 [sflag:s7], $0x1000  }
0x12b: {  	[sflag:s7] =	ssyncset.done @!p0 $0x0  }
0x12c: {  	s6 =	simm.s32 @!p0 $0xAF00;
	[sflag:s7] =	ssyncadd.s32 @!p0 $0xFFFFF000  }
0x12d: {  	[spmem:s3] =	stream.indirect.scatter.add.f32 @!p0 [tilespmem:s6], [sflag:$0xE], $0x1, s8, s4, $0xb8;
	[tilespmem:$0x10200] =	vst v63  }
0x12e: {  	_ =	swait.ge @!p0 [sflag:s7], $0x80  }
0x12f: {  	[sflag:s7] =	ssyncset.done @!p0 $0x0  }
0x130: {  	[sflag:s7] =	ssyncadd.s32 @!p0 $0xFFFFFF80  }
0x131: {  	[bflag:$0x0] =	sbarrier.arrive $0xFFFF  }
0x132: {  	s7 =	rddreg [dreg:$0x6]  }
0x133: {  	s17 =	rddreg [dreg:$0xc]  }
0x134: {  	s10 =	simm.s32 $0xE;
	s8 =	rddreg [dreg:$0xf]  }
0x135: {  	[hbm:s17], [sflag:s7] =	dma.local [spmem:s8], $0xA00  }
0x136: {  	_ =	swait.ge [sflag:s10], $0xA00  }
0x137: {  	[sflag:s10] =	ssyncset.done $0x0;
	s18 =	rddreg [dreg:$0xd]  }
0x138: {  	s9 =	rddreg [dreg:$0x10];
	[sflag:s10] =	ssyncadd.s32 $0xFFFFF600  }
0x139: {  	[hbm:s18], [sflag:s7] =	dma.local [spmem:s9], $0x50  }
0x13a: {  	_ =	swait.ge [sflag:s10], $0x50  }
0x13b: {  	s30 =	rddreg [dreg:$0x11]  }
0x13c: {  	s31 =	rddreg [dreg:$0xe];
	s6 =	sadd.s32 $0x1, s30  }
0x13d: {  	p1 =	sne.s32 s6, s31  }
.Ltmp1:
0x13e: {  	_ = 	snop;
	(pc) =	sbr.rel @p1 .LBB2_1-.Ltmp1, $3  }
0x13f: {  	_ =	sdelay $0x1  }
0x140: {  	[sflag:s10] =	ssyncset.done $0x0  }
0x141: {  	[sflag:s10] =	ssyncadd.s32 $0xFFFFFFB0  }
0x142: {  	_ =	sfence.sel $0x180000  }
0x143: {  	[bflag:$0x0] =	sbarrier.arrive $0xFFFF  }
0x144: {  	_ =	strace $0x90000047  }
0x145: {  	s0 =	stileid.u32;
	[bflag:$0x2] =	sbarrier.arrive $0xFFFF  }
0x146: {  	p0 =	sne.s32 s0, $0x0;
	s0 =	rddreg [dreg:$0x4]  }
0x147: {  	s0 =	sadd.s32 @!p0 $0x100000, s0  }
0x148: {  	[sflag:s0] =	ssyncadd.tile.s32 @!p0 $0x1;
	_ =	shalt  }
.Lfunc_end2:
_tile_overlayer_lowered:
.L_overlay_start_2:
0x149: {  	(tag) =	ssettag $0x2  }
0x14a: {  	s0 =	rddreg [dreg:$0x0];
	s2 =	stileid.u32  }
0x14b: {  	s1 =	rddreg [dreg:$0x1];
	p0 =	sne.s32 s2, $0x0  }
0x14c: {  	s3 =	rddreg [dreg:$0x2];
	[bflag:$0x3] =	sbarrier.arrive $0xFFFF;
	s2 =	simm.s32 @!p0 $0x1C0E  }
0x14d: {  	[timem:s3], [sflag:s2] =	dma.local @!p0 [hbm:s0], s1  }
0x14e: {  	s0 =	simm.s32 @!p0 $0xE  }
0x14f: {  	_ =	swait.ge @!p0 [sflag:s0], s1  }
0x150: {  	s1 =	ssub.s32 @!p0 $0x0, s1;
	[sflag:s0] =	ssyncset.done @!p0 $0x0  }
0x151: {  	[sflag:s0] =	ssyncadd.s32 @!p0 s1  }
0x152: {  	[bflag:$0x3] =	sbarrier.arrive $0xFFFF  }
0x153: {  	_ =	shalt  }

</sc_bundles>
